<compile_context>
chip_gen: v7x
topology: tpu7x:2x2x1
jax: 0.10.2.dev20260603
libtpu: 0.0.44.dev20260713+nightly
codegen_flags: <defaults>
</compile_context>

<pallas_src>
import functools

import numpy as np

import jax
import jax.numpy as jnp
from jax import lax
from jax.experimental import pallas as pl
from jax.experimental.pallas import tpu as pltpu
from jax.experimental.pallas import tpu_sc as plsc

_D = 2048
_HD = (13, 128, 128)
_B = 64
_PAD = 128
_NEG = -1e9
_NROW = 2
_NT = 32
_LN2 = 0.6931471805599453


def _tf2x32(k1, k2, c1, c2):
    rot = [np.uint32(r) for r in (13, 15, 26, 6, 17, 29, 16, 24)]

    def rotl(x, d):
        return (x << d) | (x >> np.uint32(32 - d))

    ks0, ks1 = np.uint32(k1), np.uint32(k2)
    ks2 = ks0 ^ ks1 ^ np.uint32(0x1BD11BDA)
    x0 = (c1 + ks0).astype(np.uint32)
    x1 = (c2 + ks1).astype(np.uint32)
    ks = [ks0, ks1, ks2]
    rsets = [rot[0:4], rot[4:8]]
    with np.errstate(over="ignore"):
        for i in range(5):
            for r in rsets[i % 2]:
                x0 = (x0 + x1).astype(np.uint32)
                x1 = rotl(x1, r)
                x1 = x1 ^ x0
            x0 = (x0 + ks[(i + 1) % 3]).astype(np.uint32)
            x1 = (x1 + ks[(i + 2) % 3] + np.uint32(i + 1)).astype(np.uint32)
    return x0, x1


def _gumbel_np(head):
    k = _tf2x32(0, 42, np.uint32([0]), np.uint32([head]))
    size = _B * _HD[head]
    idx = np.arange(size, dtype=np.uint64)
    c1 = (idx >> np.uint64(32)).astype(np.uint32)
    c2 = (idx & np.uint64(0xFFFFFFFF)).astype(np.uint32)
    b1, b2 = _tf2x32(k[0][0], k[1][0], c1, c2)
    f = (((b1 ^ b2) >> np.uint32(9)) | np.uint32(0x3F800000)).view(np.float32)
    f = f - np.float32(1.0)
    tiny = np.float32(np.finfo(np.float32).tiny)
    u = np.maximum(tiny, f * (np.float32(1.0) - tiny) + tiny)
    return (-np.log(-np.log(u))).reshape(_B, _HD[head]).astype(np.float32)


def _gcat_np():
    g = np.zeros((_B, 3 * _PAD), np.float32)
    g[:, 0:_HD[0]] = _gumbel_np(0)
    g[:, _PAD:2 * _PAD] = _gumbel_np(1)
    g[:, 2 * _PAD:3 * _PAD] = _gumbel_np(2)
    return g


_GCAT = _gcat_np()


def _tc_body(x_ref, m0t_ref, m1_ref, m2_ref, w0t_ref, b0_ref, w1_ref, b1_ref,
             w2_ref, b2_ref, gcat_ref, lm_ref, z_ref, t01_ref, w2b1_ref):
    x = x_ref[:]
    y0 = (lax.dot_general(x, w0t_ref[:], (((1,), (1,)), ((), ())),
                          preferred_element_type=jnp.float32)
          + b0_ref[:][None, :])
    lm0 = jnp.where(m0t_ref[:].T > 0, y0, _NEG)
    lm0 = jnp.pad(lm0, ((0, 0), (0, _PAD - _HD[0])), constant_values=_NEG)
    y1 = (jnp.dot(x, w1_ref[pl.ds(0, _D), :], preferred_element_type=jnp.float32)
          + b1_ref[:][None, :])
    lm1 = jnp.where(m1_ref[:] > 0, y1, _NEG)
    y2 = (jnp.dot(x, w2_ref[pl.ds(0, _D), :], preferred_element_type=jnp.float32)
          + b2_ref[:][None, :])
    lm2 = jnp.where(m2_ref[:] > 0, y2, _NEG)
    lm = jnp.concatenate([lm0, lm1, lm2], axis=1)
    lm_ref[:] = lm
    z_ref[:] = lm + gcat_ref[:]
    t01_ref[:] = jnp.pad(
        jnp.concatenate([w1_ref[pl.ds(_D, _HD[0]), :],
                         w2_ref[pl.ds(_D, _HD[0]), :]], axis=1),
        ((0, 16 - _HD[0]), (0, 0)))
    w2b1_ref[:] = w2_ref[pl.ds(_D + _HD[0], _HD[1]), :]


def _recip_f32(x):
    r = lax.bitcast_convert_type(0x7EF311C3 - lax.bitcast_convert_type(x, jnp.int32),
                                 jnp.float32)
    for _ in range(3):
        r = r * (2.0 - x * r)
    return r


def _log_f32(s):
    bits = lax.bitcast_convert_type(s, jnp.int32)
    e = lax.shift_right_logical(bits, 23) - 127
    mbits = lax.bitwise_or(lax.bitwise_and(bits, 0x007FFFFF), 0x3F800000)
    m = lax.bitcast_convert_type(mbits, jnp.float32)
    big = m > 1.4142135
    m = jnp.where(big, m * 0.5, m)
    e = jnp.where(big, e + 1, e)
    t = (m - 1.0) * _recip_f32(m + 1.0)
    t2 = t * t
    p = 2.0 * t * (1.0 + t2 * (0.33333333 + t2 * (0.2 + t2 * (0.14285714
                                                              + t2 * 0.11111111))))
    return e.astype(jnp.float32) * _LN2 + p


def _sample_head(read_lm, read_z, extra):
    iota = lax.iota(jnp.int32, 16)
    lms, zs = [], []
    for j in range(8):
        lmj = read_lm(j)
        zj = read_z(j)
        if extra is not None:
            ex = extra(j)
            lmj = lmj + ex
            zj = zj + ex
        lms.append(lmj)
        zs.append(zj)
    zacc, macc = zs[0], lms[0]
    for j in range(1, 8):
        zacc = jnp.maximum(zacc, zs[j])
        macc = jnp.maximum(macc, lms[j])
    zmax = jnp.max(zacc)
    mx = jnp.max(macc)
    idxacc = jnp.full((16,), 1 << 20, jnp.int32)
    sacc = jnp.zeros((16,), jnp.float32)
    aacc = jnp.zeros((16,), jnp.float32)
    for j in range(8):
        cand = iota + (16 * j)
        idxacc = jnp.minimum(idxacc, jnp.where(zs[j] >= zmax, cand, 1 << 20))
        sh = lms[j] - mx
        ej = jnp.exp(sh)
        sacc = sacc + ej
        aacc = aacc + ej * sh
    a = jnp.min(idxacc)
    lpacc = jnp.zeros((16,), jnp.float32)
    for j in range(8):
        cand = iota + (16 * j)
        lpacc = lpacc + jnp.where(cand == a, lms[j] - mx, 0.0)
    s = jnp.sum(sacc)
    logs = _log_f32(s)
    lp = jnp.sum(lpacc) - logs
    ent = logs - jnp.sum(aacc) * _recip_f32(s)
    return a, lp, ent


def _sc_body(lm_hbm, z_hbm, t01_hbm, w2b1_hbm, out_hbm,
             lm_v, z_v, t01_v, w2b1_v, out_v, sem):
    wid = lax.axis_index("s") * 2 + lax.axis_index("c")
    pltpu.sync_copy(lm_hbm.at[pl.ds(wid * _NROW, _NROW)], lm_v)
    pltpu.sync_copy(z_hbm.at[pl.ds(wid * _NROW, _NROW)], z_v)
    iota = lax.iota(jnp.int32, 16)

    def rd(ref, r, col0):
        return lambda j: ref[r, pl.ds(col0 + 16 * j, 16)]

    a0, res0 = [], []
    for r in range(_NROW):
        a, lp, ent = _sample_head(rd(lm_v, r, 0), rd(z_v, r, 0), None)
        a0.append(a)
        res0.append((lp, ent))
    avec = jnp.where(iota == 0, a0[0], jnp.where(iota == 1, a0[1], 0))
    pltpu.async_copy(t01_hbm.at[avec], t01_v, sem).wait()

    a1, res1 = [], []
    for r in range(_NROW):
        ex = lambda j, r=r: t01_v[r, pl.ds(16 * j, 16)]
        a, lp, ent = _sample_head(rd(lm_v, r, 128), rd(z_v, r, 128), ex)
        a1.append(a)
        res1.append((lp, ent))
    avec1 = jnp.where(iota == 0, a1[0], jnp.where(iota == 1, a1[1], 0))
    pltpu.async_copy(w2b1_hbm.at[avec1], w2b1_v, sem).wait()

    res2 = []
    for r in range(_NROW):
        ex = lambda j, r=r: (t01_v[r, pl.ds(128 + 16 * j, 16)]
                             + w2b1_v[r, pl.ds(16 * j, 16)])
        _, lp, ent = _sample_head(rd(lm_v, r, 256), rd(z_v, r, 256), ex)
        res2.append((lp, ent))

    lp_r0 = res0[0][0] + res1[0][0] + res2[0][0]
    en_r0 = res0[0][1] + res1[0][1] + res2[0][1]
    lp_r1 = res0[1][0] + res1[1][0] + res2[1][0]
    en_r1 = res0[1][1] + res1[1][1] + res2[1][1]
    ovec = (jnp.where(iota == 0, lp_r0, 0.0)
            + jnp.where(iota == 1, en_r0, 0.0)
            + jnp.where(iota == 2, lp_r1, 0.0)
            + jnp.where(iota == 3, en_r1, 0.0))
    out_v[...] = ovec
    pltpu.sync_copy(out_v, out_hbm.at[wid])


def kernel(main_input, mask0, mask1, mask2, W0, b0, W1, b1, W2, b2):
    lm, z, t01, w2b1 = pl.pallas_call(
        _tc_body,
        out_shape=(jax.ShapeDtypeStruct((_B, 3 * _PAD), jnp.float32),
                   jax.ShapeDtypeStruct((_B, 3 * _PAD), jnp.float32),
                   jax.ShapeDtypeStruct((16, 2 * _PAD), jnp.float32),
                   jax.ShapeDtypeStruct((_PAD, _PAD), jnp.float32)),
    )(main_input, mask0.T, mask1, mask2,
      W0.T, b0, W1, b1, W2, b2, jnp.asarray(_GCAT))

    sc = functools.partial(
        pl.kernel,
        mesh=plsc.VectorSubcoreMesh(core_axis_name="c", subcore_axis_name="s"),
        compiler_params=pltpu.CompilerParams(needs_layout_passes=False),
        out_type=jax.ShapeDtypeStruct((_NT, 16), jnp.float32),
        scratch_types=[
            pltpu.VMEM((_NROW, 384), jnp.float32),
            pltpu.VMEM((_NROW, 384), jnp.float32),
            pltpu.VMEM((16, 256), jnp.float32),
            pltpu.VMEM((16, 128), jnp.float32),
            pltpu.VMEM((16,), jnp.float32),
            pltpu.SemaphoreType.DMA,
        ],
    )(_sc_body)
    out = sc(lm, z, t01, w2b1)
    return out[:, :4].reshape(_B, 2)

# --- scband reference (transcript-rebuilt; emitter-appended) ---
"""Pipeline reference for scband-multi-action-heads-brass-34677565948191 (READ-ONLY COPY).

The authoritative reference and input builder live on the scoring server;
editing this copy changes nothing except your own understanding.
"""

import jax, jax.numpy as jnp
import numpy as np

D_MODEL = 2048
HEAD_DIMS = [13, 128, 128]

def setup_inputs(seed: int = 0) -> dict:
    key = jax.random.key(seed)
    ks = jax.random.split(key, 8)
    inp = {}
    inp['main_input'] = jax.random.normal(ks[0], (64, D_MODEL), dtype=jnp.float32)
    inp['mask0'] = jnp.ones((64, HEAD_DIMS[0]), dtype=jnp.float32)
    inp['mask1'] = jnp.ones((64, HEAD_DIMS[1]), dtype=jnp.float32)
    inp['mask2'] = jnp.ones((64, HEAD_DIMS[2]), dtype=jnp.float32)
    # learned parameters: per-head linear layers; autoregressive_map concatenates
    # main_input with one-hot outputs of all previous heads
    in_dims = [D_MODEL, D_MODEL + HEAD_DIMS[0], D_MODEL + HEAD_DIMS[0] + HEAD_DIMS[1]]
    for i in range(3):
        inp[f'W{i}'] = jax.random.normal(ks[1 + i], (in_dims[i], HEAD_DIMS[i]), dtype=jnp.float32) * (1.0 / np.sqrt(in_dims[i]))
        inp[f'b{i}'] = jnp.zeros((HEAD_DIMS[i],), dtype=jnp.float32)
    return inp


def reference(main_input, mask0, mask1, mask2, W0, b0, W1, b1, W2, b2):
    masks = [mask0, mask1, mask2]
    params = [(W0, b0), (W1, b1), (W2, b2)]
    B = main_input.shape[0]
    joint_action_log_prob = jnp.zeros((B, 1), dtype=jnp.float32)
    entropy = jnp.zeros((B, 1), dtype=jnp.float32)
    prev_onehots = []
    base_key = jax.random.key(42)
    for i in range(3):
        # build autoregressive head input
        head_inp = jnp.concatenate([main_input] + prev_onehots, axis=-1)
        W, b = params[i]
        logits = head_inp @ W + b
        # masked categorical distribution
        masked_logits = jnp.where(masks[i] > 0, logits, jnp.full_like(logits, -1e9))
        log_probs = jax.nn.log_softmax(masked_logits, axis=-1)
        # sample action
        k = jax.random.fold_in(base_key, i)
        action = jax.random.categorical(k, masked_logits, axis=-1)  # [B]
        head_log_prob = jnp.take_along_axis(log_probs, action[:, None], axis=-1)  # [B,1]
        joint_action_log_prob = joint_action_log_prob + head_log_prob
        probs = jnp.exp(log_probs)
        ent_i = -jnp.sum(probs * log_probs, axis=-1, keepdims=True)
        entropy = entropy + ent_i
        # one-hot action fed autoregressively to later heads
        prev_onehots.append(jax.nn.one_hot(action, masks[i].shape[-1], dtype=jnp.float32))
    return jnp.concatenate([joint_action_log_prob, entropy], axis=-1)

if __name__ == "__main__":
    import jax
    _d = setup_inputs()
    print(jax.jit(kernel)(*tuple(_d.values())))

</pallas_src>

<mosaic_0001>
#map = affine_map<(d0, d1) -> (0, 0)>
module attributes {stable_mosaic.version = 14 : i64} {
  func.func @_sc_body(%arg0: i32, %arg1: i32, %arg2: memref<64x384xf32, #tpu.memory_space<hbm>>, %arg3: memref<64x384xf32, #tpu.memory_space<hbm>>, %arg4: memref<16x256xf32, #tpu.memory_space<hbm>>, %arg5: memref<128x128xf32, #tpu.memory_space<hbm>>, %arg6: memref<32x16xf32, #tpu.memory_space<hbm>>, %arg7: memref<2x384xf32, #tpu.memory_space<vmem>>, %arg8: memref<2x384xf32, #tpu.memory_space<vmem>>, %arg9: memref<16x256xf32, #tpu.memory_space<vmem>>, %arg10: memref<16x128xf32, #tpu.memory_space<vmem>>, %arg11: memref<16xf32, #tpu.memory_space<vmem>>, %arg12: memref<!tpu.dma_semaphore, #tpu.memory_space<semaphore_mem>>) attributes {dimension_semantics = [#tpu.dimension_semantics<core_parallel>, #tpu.dimension_semantics<subcore_parallel>], iteration_bounds = array<i64: 2, 16>, scalar_prefetch = 0 : i64, scratch_operands = 6 : i64, tpu.core_type = #tpu.core_type<sc_vector_subcore>, window_params = [{transform_indices = #map}, {transform_indices = #map}, {transform_indices = #map}, {transform_indices = #map}, {transform_indices = #map}]} {
    %mul3A = arith.constant 2 : i32
    %mul3A_0 = arith.muli %arg1, %mul3A : i32
    %add3A = arith.addi %mul3A_0, %arg0 : i32
    %mul3A_1 = arith.constant 2 : i32
    %mul3A_2 = arith.muli %add3A, %mul3A_1 : i32
    "tpu.region"() ({
      %run_scoped3A = tpu.sem_alloc : memref<!tpu.dma_semaphore, #tpu.memory_space<semaphore_mem>>
      %dma_start3A_2744 = arith.constant 0 : i32
      %dma_start3A_2745 = tpu.memref_slice %arg2[%mul3A_2, %dma_start3A_2744] : memref<64x384xf32, #tpu.memory_space<hbm>> -> memref<2x384xf32, #tpu.memory_space<hbm>>
      %dma_start3A_2746 = arith.constant 0 : i32
      %dma_start3A_2747 = tpu.memref_slice %arg2[%mul3A_2, %dma_start3A_2746] : memref<64x384xf32, #tpu.memory_space<hbm>> -> memref<2x384xf32, #tpu.memory_space<hbm>>
      tpu.enqueue_dma source(%dma_start3A_2747 : memref<2x384xf32, #tpu.memory_space<hbm>>) target(%arg7 : memref<2x384xf32, #tpu.memory_space<vmem>>) target_semaphore(%run_scoped3A : memref<!tpu.dma_semaphore, #tpu.memory_space<semaphore_mem>>)
      %dma_wait3A_2748 = arith.constant 0 : i32
      %dma_wait3A_2749 = tpu.memref_slice %arg2[%mul3A_2, %dma_wait3A_2748] : memref<64x384xf32, #tpu.memory_space<hbm>> -> memref<2x384xf32, #tpu.memory_space<hbm>>
      %dma_wait3A_2750 = arith.constant 0 : i32
      %dma_wait3A_2751 = tpu.memref_slice %arg2[%mul3A_2, %dma_wait3A_2750] : memref<64x384xf32, #tpu.memory_space<hbm>> -> memref<2x384xf32, #tpu.memory_space<hbm>>
      tpu.wait_dma2 semaphore(%run_scoped3A : memref<!tpu.dma_semaphore, #tpu.memory_space<semaphore_mem>>) src(%dma_wait3A_2751 : memref<2x384xf32, #tpu.memory_space<hbm>>) dst(%arg7 : memref<2x384xf32, #tpu.memory_space<vmem>>)
      tpu.yield
    }) : () -> ()
    %mul3A_3 = arith.constant 2 : i32
    %mul3A_4 = arith.muli %add3A, %mul3A_3 : i32
    "tpu.region"() ({
      %run_scoped3A = tpu.sem_alloc : memref<!tpu.dma_semaphore, #tpu.memory_space<semaphore_mem>>
      %dma_start3A_2744 = arith.constant 0 : i32
      %dma_start3A_2745 = tpu.memref_slice %arg3[%mul3A_4, %dma_start3A_2744] : memref<64x384xf32, #tpu.memory_space<hbm>> -> memref<2x384xf32, #tpu.memory_space<hbm>>
      %dma_start3A_2746 = arith.constant 0 : i32
      %dma_start3A_2747 = tpu.memref_slice %arg3[%mul3A_4, %dma_start3A_2746] : memref<64x384xf32, #tpu.memory_space<hbm>> -> memref<2x384xf32, #tpu.memory_space<hbm>>
      tpu.enqueue_dma source(%dma_start3A_2747 : memref<2x384xf32, #tpu.memory_space<hbm>>) target(%arg8 : memref<2x384xf32, #tpu.memory_space<vmem>>) target_semaphore(%run_scoped3A : memref<!tpu.dma_semaphore, #tpu.memory_space<semaphore_mem>>)
      %dma_wait3A_2748 = arith.constant 0 : i32
      %dma_wait3A_2749 = tpu.memref_slice %arg3[%mul3A_4, %dma_wait3A_2748] : memref<64x384xf32, #tpu.memory_space<hbm>> -> memref<2x384xf32, #tpu.memory_space<hbm>>
      %dma_wait3A_2750 = arith.constant 0 : i32
      %dma_wait3A_2751 = tpu.memref_slice %arg3[%mul3A_4, %dma_wait3A_2750] : memref<64x384xf32, #tpu.memory_space<hbm>> -> memref<2x384xf32, #tpu.memory_space<hbm>>
      tpu.wait_dma2 semaphore(%run_scoped3A : memref<!tpu.dma_semaphore, #tpu.memory_space<semaphore_mem>>) src(%dma_wait3A_2751 : memref<2x384xf32, #tpu.memory_space<hbm>>) dst(%arg8 : memref<2x384xf32, #tpu.memory_space<vmem>>)
      tpu.yield
    }) : () -> ()
    %iota3A = tpu.iota {dimensions = array<i32: 0>} : vector<16xi32>
    %iota3A_5 = tpu.iota {dimensions = array<i32: 0>} : vector<16xi32>
    %get3A = arith.constant 0 : i32
    %get3A_6 = arith.index_cast %get3A : i32 to index
    %get3A_7 = arith.constant 0 : index
    %get3A_8 = tpu.vector_load %arg7[%get3A_6, %get3A_7] {strides = array<i32>} : memref<2x384xf32, #tpu.memory_space<vmem>>, vector<16xf32>,
    %get3A_9 = arith.constant 0 : i32
    %get3A_10 = arith.index_cast %get3A_9 : i32 to index
    %get3A_11 = arith.constant 0 : index
    %get3A_12 = tpu.vector_load %arg8[%get3A_10, %get3A_11] {strides = array<i32>} : memref<2x384xf32, #tpu.memory_space<vmem>>, vector<16xf32>,
    %get3A_13 = arith.constant 0 : i32
    %get3A_14 = arith.index_cast %get3A_13 : i32 to index
    %get3A_15 = arith.constant 16 : index
    %get3A_16 = tpu.vector_load %arg7[%get3A_14, %get3A_15] {strides = array<i32>} : memref<2x384xf32, #tpu.memory_space<vmem>>, vector<16xf32>,
    %get3A_17 = arith.constant 0 : i32
    %get3A_18 = arith.index_cast %get3A_17 : i32 to index
    %get3A_19 = arith.constant 16 : index
    %get3A_20 = tpu.vector_load %arg8[%get3A_18, %get3A_19] {strides = array<i32>} : memref<2x384xf32, #tpu.memory_space<vmem>>, vector<16xf32>,
    %get3A_21 = arith.constant 0 : i32
    %get3A_22 = arith.index_cast %get3A_21 : i32 to index
    %get3A_23 = arith.constant 32 : index
    %get3A_24 = tpu.vector_load %arg7[%get3A_22, %get3A_23] {strides = array<i32>} : memref<2x384xf32, #tpu.memory_space<vmem>>, vector<16xf32>,
    %get3A_25 = arith.constant 0 : i32
    %get3A_26 = arith.index_cast %get3A_25 : i32 to index
    %get3A_27 = arith.constant 32 : index
    %get3A_28 = tpu.vector_load %arg8[%get3A_26, %get3A_27] {strides = array<i32>} : memref<2x384xf32, #tpu.memory_space<vmem>>, vector<16xf32>,
    %get3A_29 = arith.constant 0 : i32
    %get3A_30 = arith.index_cast %get3A_29 : i32 to index
    %get3A_31 = arith.constant 48 : index
    %get3A_32 = tpu.vector_load %arg7[%get3A_30, %get3A_31] {strides = array<i32>} : memref<2x384xf32, #tpu.memory_space<vmem>>, vector<16xf32>,
    %get3A_33 = arith.constant 0 : i32
    %get3A_34 = arith.index_cast %get3A_33 : i32 to index
    %get3A_35 = arith.constant 48 : index
    %get3A_36 = tpu.vector_load %arg8[%get3A_34, %get3A_35] {strides = array<i32>} : memref<2x384xf32, #tpu.memory_space<vmem>>, vector<16xf32>,
    %get3A_37 = arith.constant 0 : i32
    %get3A_38 = arith.index_cast %get3A_37 : i32 to index
    %get3A_39 = arith.constant 64 : index
    %get3A_40 = tpu.vector_load %arg7[%get3A_38, %get3A_39] {strides = array<i32>} : memref<2x384xf32, #tpu.memory_space<vmem>>, vector<16xf32>,
    %get3A_41 = arith.constant 0 : i32
    %get3A_42 = arith.index_cast %get3A_41 : i32 to index
    %get3A_43 = arith.constant 64 : index
    %get3A_44 = tpu.vector_load %arg8[%get3A_42, %get3A_43] {strides = array<i32>} : memref<2x384xf32, #tpu.memory_space<vmem>>, vector<16xf32>,
    %get3A_45 = arith.constant 0 : i32
    %get3A_46 = arith.index_cast %get3A_45 : i32 to index
    %get3A_47 = arith.constant 80 : index
    %get3A_48 = tpu.vector_load %arg7[%get3A_46, %get3A_47] {strides = array<i32>} : memref<2x384xf32, #tpu.memory_space<vmem>>, vector<16xf32>,
    %get3A_49 = arith.constant 0 : i32
    %get3A_50 = arith.index_cast %get3A_49 : i32 to index
    %get3A_51 = arith.constant 80 : index
    %get3A_52 = tpu.vector_load %arg8[%get3A_50, %get3A_51] {strides = array<i32>} : memref<2x384xf32, #tpu.memory_space<vmem>>, vector<16xf32>,
    %get3A_53 = arith.constant 0 : i32
    %get3A_54 = arith.index_cast %get3A_53 : i32 to index
    %get3A_55 = arith.constant 96 : index
    %get3A_56 = tpu.vector_load %arg7[%get3A_54, %get3A_55] {strides = array<i32>} : memref<2x384xf32, #tpu.memory_space<vmem>>, vector<16xf32>,
    %get3A_57 = arith.constant 0 : i32
    %get3A_58 = arith.index_cast %get3A_57 : i32 to index
    %get3A_59 = arith.constant 96 : index
    %get3A_60 = tpu.vector_load %arg8[%get3A_58, %get3A_59] {strides = array<i32>} : memref<2x384xf32, #tpu.memory_space<vmem>>, vector<16xf32>,
    %get3A_61 = arith.constant 0 : i32
    %get3A_62 = arith.index_cast %get3A_61 : i32 to index
    %get3A_63 = arith.constant 112 : index
    %get3A_64 = tpu.vector_load %arg7[%get3A_62, %get3A_63] {strides = array<i32>} : memref<2x384xf32, #tpu.memory_space<vmem>>, vector<16xf32>,
    %get3A_65 = arith.constant 0 : i32
    %get3A_66 = arith.index_cast %get3A_65 : i32 to index
    %get3A_67 = arith.constant 112 : index
    %get3A_68 = tpu.vector_load %arg8[%get3A_66, %get3A_67] {strides = array<i32>} : memref<2x384xf32, #tpu.memory_space<vmem>>, vector<16xf32>,
    %max3A = arith.maximumf %get3A_12, %get3A_20 : vector<16xf32>
    %max3A_69 = arith.maximumf %get3A_8, %get3A_16 : vector<16xf32>
    %max3A_70 = arith.maximumf %max3A, %get3A_28 : vector<16xf32>
    %max3A_71 = arith.maximumf %max3A_69, %get3A_24 : vector<16xf32>
    %max3A_72 = arith.maximumf %max3A_70, %get3A_36 : vector<16xf32>
    %max3A_73 = arith.maximumf %max3A_71, %get3A_32 : vector<16xf32>
    %max3A_74 = arith.maximumf %max3A_72, %get3A_44 : vector<16xf32>
    %max3A_75 = arith.maximumf %max3A_73, %get3A_40 : vector<16xf32>
    %max3A_76 = arith.maximumf %max3A_74, %get3A_52 : vector<16xf32>
    %max3A_77 = arith.maximumf %max3A_75, %get3A_48 : vector<16xf32>
    %max3A_78 = arith.maximumf %max3A_76, %get3A_60 : vector<16xf32>
    %max3A_79 = arith.maximumf %max3A_77, %get3A_56 : vector<16xf32>
    %max3A_80 = arith.maximumf %max3A_78, %get3A_68 : vector<16xf32>
    %max3A_81 = arith.maximumf %max3A_79, %get3A_64 : vector<16xf32>
    %reduce_max3A = arith.constant true
    %reduce_max3A_82 = vector.broadcast %reduce_max3A : i1 to vector<16xi1>
    %reduce_max3A_83 = tpu.scan <max>, %max3A_80 masked %reduce_max3A_82 : vector<16xf32>, vector<16xi1> -> vector<16xf32>
    %reduce_max3A_84 = vector.extract %reduce_max3A_83[15] : f32 from vector<16xf32>
    %reduce_max3A_85 = arith.constant true
    %reduce_max3A_86 = vector.broadcast %reduce_max3A_85 : i1 to vector<16xi1>
    %reduce_max3A_87 = tpu.scan <max>, %max3A_81 masked %reduce_max3A_86 : vector<16xf32>, vector<16xi1> -> vector<16xf32>
    %reduce_max3A_88 = vector.extract %reduce_max3A_87[15] : f32 from vector<16xf32>
    %broadcast_in_dim3A = arith.constant 1048576 : i32
    %broadcast_in_dim3A_89 = vector.broadcast %broadcast_in_dim3A : i32 to vector<16xi32>
    %broadcast_in_dim3A_90 = arith.constant 0.000000e+00 : f32
    %broadcast_in_dim3A_91 = vector.broadcast %broadcast_in_dim3A_90 : f32 to vector<16xf32>
    %broadcast_in_dim3A_92 = arith.constant 0.000000e+00 : f32
    %broadcast_in_dim3A_93 = vector.broadcast %broadcast_in_dim3A_92 : f32 to vector<16xf32>
    %add3A_94 = arith.constant 0 : i32
    %add3A_95 = vector.broadcast %add3A_94 : i32 to vector<16xi32>
    %add3A_96 = arith.addi %iota3A_5, %add3A_95 : vector<16xi32>
    %ge3A = vector.broadcast %reduce_max3A_84 : f32 to vector<16xf32>
    %ge3A_97 = arith.cmpf oge, %get3A_12, %ge3A : vector<16xf32>
    %jit3A = arith.constant 1048576 : i32
    %broadcast_in_dim3A_98 = vector.broadcast %jit3A : i32 to vector<16xi32>
    %select_n3A = arith.select %ge3A_97, %add3A_96, %broadcast_in_dim3A_98 : vector<16xi1>, vector<16xi32>
    %min3A = arith.minsi %broadcast_in_dim3A_89, %select_n3A : vector<16xi32>
    %sub3A = vector.broadcast %reduce_max3A_88 : f32 to vector<16xf32>
    %sub3A_99 = arith.subf %get3A_8, %sub3A : vector<16xf32>
    %exp3A = math.exp %sub3A_99 : vector<16xf32>
    %add3A_100 = arith.addf %broadcast_in_dim3A_91, %exp3A : vector<16xf32>
    %mul3A_101 = arith.mulf %exp3A, %sub3A_99 : vector<16xf32>
    %add3A_102 = arith.addf %broadcast_in_dim3A_93, %mul3A_101 : vector<16xf32>
    %add3A_103 = arith.constant 16 : i32
    %add3A_104 = vector.broadcast %add3A_103 : i32 to vector<16xi32>
    %add3A_105 = arith.addi %iota3A_5, %add3A_104 : vector<16xi32>
    %ge3A_106 = vector.broadcast %reduce_max3A_84 : f32 to vector<16xf32>
    %ge3A_107 = arith.cmpf oge, %get3A_20, %ge3A_106 : vector<16xf32>
    %jit3A_108 = arith.constant 1048576 : i32
    %broadcast_in_dim3A_109 = vector.broadcast %jit3A_108 : i32 to vector<16xi32>
    %select_n3A_110 = arith.select %ge3A_107, %add3A_105, %broadcast_in_dim3A_109 : vector<16xi1>, vector<16xi32>
    %min3A_111 = arith.minsi %min3A, %select_n3A_110 : vector<16xi32>
    %sub3A_112 = vector.broadcast %reduce_max3A_88 : f32 to vector<16xf32>
    %sub3A_113 = arith.subf %get3A_16, %sub3A_112 : vector<16xf32>
    %exp3A_114 = math.exp %sub3A_113 : vector<16xf32>
    %add3A_115 = arith.addf %add3A_100, %exp3A_114 : vector<16xf32>
    %mul3A_116 = arith.mulf %exp3A_114, %sub3A_113 : vector<16xf32>
    %add3A_117 = arith.addf %add3A_102, %mul3A_116 : vector<16xf32>
    %add3A_118 = arith.constant 32 : i32
    %add3A_119 = vector.broadcast %add3A_118 : i32 to vector<16xi32>
    %add3A_120 = arith.addi %iota3A_5, %add3A_119 : vector<16xi32>
    %ge3A_121 = vector.broadcast %reduce_max3A_84 : f32 to vector<16xf32>
    %ge3A_122 = arith.cmpf oge, %get3A_28, %ge3A_121 : vector<16xf32>
    %jit3A_123 = arith.constant 1048576 : i32
    %broadcast_in_dim3A_124 = vector.broadcast %jit3A_123 : i32 to vector<16xi32>
    %select_n3A_125 = arith.select %ge3A_122, %add3A_120, %broadcast_in_dim3A_124 : vector<16xi1>, vector<16xi32>
    %min3A_126 = arith.minsi %min3A_111, %select_n3A_125 : vector<16xi32>
    %sub3A_127 = vector.broadcast %reduce_max3A_88 : f32 to vector<16xf32>
    %sub3A_128 = arith.subf %get3A_24, %sub3A_127 : vector<16xf32>
    %exp3A_129 = math.exp %sub3A_128 : vector<16xf32>
    %add3A_130 = arith.addf %add3A_115, %exp3A_129 : vector<16xf32>
    %mul3A_131 = arith.mulf %exp3A_129, %sub3A_128 : vector<16xf32>
    %add3A_132 = arith.addf %add3A_117, %mul3A_131 : vector<16xf32>
    %add3A_133 = arith.constant 48 : i32
    %add3A_134 = vector.broadcast %add3A_133 : i32 to vector<16xi32>
    %add3A_135 = arith.addi %iota3A_5, %add3A_134 : vector<16xi32>
    %ge3A_136 = vector.broadcast %reduce_max3A_84 : f32 to vector<16xf32>
    %ge3A_137 = arith.cmpf oge, %get3A_36, %ge3A_136 : vector<16xf32>
    %jit3A_138 = arith.constant 1048576 : i32
    %broadcast_in_dim3A_139 = vector.broadcast %jit3A_138 : i32 to vector<16xi32>
    %select_n3A_140 = arith.select %ge3A_137, %add3A_135, %broadcast_in_dim3A_139 : vector<16xi1>, vector<16xi32>
    %min3A_141 = arith.minsi %min3A_126, %select_n3A_140 : vector<16xi32>
    %sub3A_142 = vector.broadcast %reduce_max3A_88 : f32 to vector<16xf32>
    %sub3A_143 = arith.subf %get3A_32, %sub3A_142 : vector<16xf32>
    %exp3A_144 = math.exp %sub3A_143 : vector<16xf32>
    %add3A_145 = arith.addf %add3A_130, %exp3A_144 : vector<16xf32>
    %mul3A_146 = arith.mulf %exp3A_144, %sub3A_143 : vector<16xf32>
    %add3A_147 = arith.addf %add3A_132, %mul3A_146 : vector<16xf32>
    %add3A_148 = arith.constant 64 : i32
    %add3A_149 = vector.broadcast %add3A_148 : i32 to vector<16xi32>
    %add3A_150 = arith.addi %iota3A_5, %add3A_149 : vector<16xi32>
    %ge3A_151 = vector.broadcast %reduce_max3A_84 : f32 to vector<16xf32>
    %ge3A_152 = arith.cmpf oge, %get3A_44, %ge3A_151 : vector<16xf32>
    %jit3A_153 = arith.constant 1048576 : i32
    %broadcast_in_dim3A_154 = vector.broadcast %jit3A_153 : i32 to vector<16xi32>
    %select_n3A_155 = arith.select %ge3A_152, %add3A_150, %broadcast_in_dim3A_154 : vector<16xi1>, vector<16xi32>
    %min3A_156 = arith.minsi %min3A_141, %select_n3A_155 : vector<16xi32>
    %sub3A_157 = vector.broadcast %reduce_max3A_88 : f32 to vector<16xf32>
    %sub3A_158 = arith.subf %get3A_40, %sub3A_157 : vector<16xf32>
    %exp3A_159 = math.exp %sub3A_158 : vector<16xf32>
    %add3A_160 = arith.addf %add3A_145, %exp3A_159 : vector<16xf32>
    %mul3A_161 = arith.mulf %exp3A_159, %sub3A_158 : vector<16xf32>
    %add3A_162 = arith.addf %add3A_147, %mul3A_161 : vector<16xf32>
    %add3A_163 = arith.constant 80 : i32
    %add3A_164 = vector.broadcast %add3A_163 : i32 to vector<16xi32>
    %add3A_165 = arith.addi %iota3A_5, %add3A_164 : vector<16xi32>
    %ge3A_166 = vector.broadcast %reduce_max3A_84 : f32 to vector<16xf32>
    %ge3A_167 = arith.cmpf oge, %get3A_52, %ge3A_166 : vector<16xf32>
    %jit3A_168 = arith.constant 1048576 : i32
    %broadcast_in_dim3A_169 = vector.broadcast %jit3A_168 : i32 to vector<16xi32>
    %select_n3A_170 = arith.select %ge3A_167, %add3A_165, %broadcast_in_dim3A_169 : vector<16xi1>, vector<16xi32>
    %min3A_171 = arith.minsi %min3A_156, %select_n3A_170 : vector<16xi32>
    %sub3A_172 = vector.broadcast %reduce_max3A_88 : f32 to vector<16xf32>
    %sub3A_173 = arith.subf %get3A_48, %sub3A_172 : vector<16xf32>
    %exp3A_174 = math.exp %sub3A_173 : vector<16xf32>
    %add3A_175 = arith.addf %add3A_160, %exp3A_174 : vector<16xf32>
    %mul3A_176 = arith.mulf %exp3A_174, %sub3A_173 : vector<16xf32>
    %add3A_177 = arith.addf %add3A_162, %mul3A_176 : vector<16xf32>
    %add3A_178 = arith.constant 96 : i32
    %add3A_179 = vector.broadcast %add3A_178 : i32 to vector<16xi32>
    %add3A_180 = arith.addi %iota3A_5, %add3A_179 : vector<16xi32>
    %ge3A_181 = vector.broadcast %reduce_max3A_84 : f32 to vector<16xf32>
    %ge3A_182 = arith.cmpf oge, %get3A_60, %ge3A_181 : vector<16xf32>
    %jit3A_183 = arith.constant 1048576 : i32
    %broadcast_in_dim3A_184 = vector.broadcast %jit3A_183 : i32 to vector<16xi32>
    %select_n3A_185 = arith.select %ge3A_182, %add3A_180, %broadcast_in_dim3A_184 : vector<16xi1>, vector<16xi32>
    %min3A_186 = arith.minsi %min3A_171, %select_n3A_185 : vector<16xi32>
    %sub3A_187 = vector.broadcast %reduce_max3A_88 : f32 to vector<16xf32>
    %sub3A_188 = arith.subf %get3A_56, %sub3A_187 : vector<16xf32>
    %exp3A_189 = math.exp %sub3A_188 : vector<16xf32>
    %add3A_190 = arith.addf %add3A_175, %exp3A_189 : vector<16xf32>
    %mul3A_191 = arith.mulf %exp3A_189, %sub3A_188 : vector<16xf32>
    %add3A_192 = arith.addf %add3A_177, %mul3A_191 : vector<16xf32>
    %add3A_193 = arith.constant 112 : i32
    %add3A_194 = vector.broadcast %add3A_193 : i32 to vector<16xi32>
    %add3A_195 = arith.addi %iota3A_5, %add3A_194 : vector<16xi32>
    %ge3A_196 = vector.broadcast %reduce_max3A_84 : f32 to vector<16xf32>
    %ge3A_197 = arith.cmpf oge, %get3A_68, %ge3A_196 : vector<16xf32>
    %jit3A_198 = arith.constant 1048576 : i32
    %broadcast_in_dim3A_199 = vector.broadcast %jit3A_198 : i32 to vector<16xi32>
    %select_n3A_200 = arith.select %ge3A_197, %add3A_195, %broadcast_in_dim3A_199 : vector<16xi1>, vector<16xi32>
    %min3A_201 = arith.minsi %min3A_186, %select_n3A_200 : vector<16xi32>
    %sub3A_202 = vector.broadcast %reduce_max3A_88 : f32 to vector<16xf32>
    %sub3A_203 = arith.subf %get3A_64, %sub3A_202 : vector<16xf32>
    %exp3A_204 = math.exp %sub3A_203 : vector<16xf32>
    %add3A_205 = arith.addf %add3A_190, %exp3A_204 : vector<16xf32>
    %mul3A_206 = arith.mulf %exp3A_204, %sub3A_203 : vector<16xf32>
    %add3A_207 = arith.addf %add3A_192, %mul3A_206 : vector<16xf32>
    %reduce_min3A = arith.constant true
    %reduce_min3A_208 = vector.broadcast %reduce_min3A : i1 to vector<16xi1>
    %reduce_min3A_209 = arith.constant -2147483648 : i32
    %reduce_min3A_210 = vector.broadcast %reduce_min3A_209 : i32 to vector<16xi32>
    %reduce_min3A_211 = arith.xori %min3A_201, %reduce_min3A_210 : vector<16xi32>
    %reduce_min3A_212 = tpu.scan <min>, %reduce_min3A_211 masked %reduce_min3A_208 : vector<16xi32>, vector<16xi1> -> vector<16xi32>
    %reduce_min3A_213 = arith.xori %reduce_min3A_212, %reduce_min3A_210 : vector<16xi32>
    %reduce_min3A_214 = vector.extract %reduce_min3A_213[15] : i32 from vector<16xi32>
    %broadcast_in_dim3A_215 = arith.constant 0.000000e+00 : f32
    %broadcast_in_dim3A_216 = vector.broadcast %broadcast_in_dim3A_215 : f32 to vector<16xf32>
    %add3A_217 = arith.constant 0 : i32
    %add3A_218 = vector.broadcast %add3A_217 : i32 to vector<16xi32>
    %add3A_219 = arith.addi %iota3A_5, %add3A_218 : vector<16xi32>
    %eq3A = vector.broadcast %reduce_min3A_214 : i32 to vector<16xi32>
    %eq3A_220 = arith.cmpi eq, %add3A_219, %eq3A : vector<16xi32>
    %sub3A_221 = vector.broadcast %reduce_max3A_88 : f32 to vector<16xf32>
    %sub3A_222 = arith.subf %get3A_8, %sub3A_221 : vector<16xf32>
    %jit3A_223 = arith.constant 0.000000e+00 : f32
    %broadcast_in_dim3A_224 = vector.broadcast %jit3A_223 : f32 to vector<16xf32>
    %select_n3A_225 = arith.select %eq3A_220, %sub3A_222, %broadcast_in_dim3A_224 : vector<16xi1>, vector<16xf32>
    %add3A_226 = arith.addf %broadcast_in_dim3A_216, %select_n3A_225 : vector<16xf32>
    %add3A_227 = arith.constant 16 : i32
    %add3A_228 = vector.broadcast %add3A_227 : i32 to vector<16xi32>
    %add3A_229 = arith.addi %iota3A_5, %add3A_228 : vector<16xi32>
    %eq3A_230 = vector.broadcast %reduce_min3A_214 : i32 to vector<16xi32>
    %eq3A_231 = arith.cmpi eq, %add3A_229, %eq3A_230 : vector<16xi32>
    %sub3A_232 = vector.broadcast %reduce_max3A_88 : f32 to vector<16xf32>
    %sub3A_233 = arith.subf %get3A_16, %sub3A_232 : vector<16xf32>
    %jit3A_234 = arith.constant 0.000000e+00 : f32
    %broadcast_in_dim3A_235 = vector.broadcast %jit3A_234 : f32 to vector<16xf32>
    %select_n3A_236 = arith.select %eq3A_231, %sub3A_233, %broadcast_in_dim3A_235 : vector<16xi1>, vector<16xf32>
    %add3A_237 = arith.addf %add3A_226, %select_n3A_236 : vector<16xf32>
    %add3A_238 = arith.constant 32 : i32
    %add3A_239 = vector.broadcast %add3A_238 : i32 to vector<16xi32>
    %add3A_240 = arith.addi %iota3A_5, %add3A_239 : vector<16xi32>
    %eq3A_241 = vector.broadcast %reduce_min3A_214 : i32 to vector<16xi32>
    %eq3A_242 = arith.cmpi eq, %add3A_240, %eq3A_241 : vector<16xi32>
    %sub3A_243 = vector.broadcast %reduce_max3A_88 : f32 to vector<16xf32>
    %sub3A_244 = arith.subf %get3A_24, %sub3A_243 : vector<16xf32>
    %jit3A_245 = arith.constant 0.000000e+00 : f32
    %broadcast_in_dim3A_246 = vector.broadcast %jit3A_245 : f32 to vector<16xf32>
    %select_n3A_247 = arith.select %eq3A_242, %sub3A_244, %broadcast_in_dim3A_246 : vector<16xi1>, vector<16xf32>
    %add3A_248 = arith.addf %add3A_237, %select_n3A_247 : vector<16xf32>
    %add3A_249 = arith.constant 48 : i32
    %add3A_250 = vector.broadcast %add3A_249 : i32 to vector<16xi32>
    %add3A_251 = arith.addi %iota3A_5, %add3A_250 : vector<16xi32>
    %eq3A_252 = vector.broadcast %reduce_min3A_214 : i32 to vector<16xi32>
    %eq3A_253 = arith.cmpi eq, %add3A_251, %eq3A_252 : vector<16xi32>
    %sub3A_254 = vector.broadcast %reduce_max3A_88 : f32 to vector<16xf32>
    %sub3A_255 = arith.subf %get3A_32, %sub3A_254 : vector<16xf32>
    %jit3A_256 = arith.constant 0.000000e+00 : f32
    %broadcast_in_dim3A_257 = vector.broadcast %jit3A_256 : f32 to vector<16xf32>
    %select_n3A_258 = arith.select %eq3A_253, %sub3A_255, %broadcast_in_dim3A_257 : vector<16xi1>, vector<16xf32>
    %add3A_259 = arith.addf %add3A_248, %select_n3A_258 : vector<16xf32>
    %add3A_260 = arith.constant 64 : i32
    %add3A_261 = vector.broadcast %add3A_260 : i32 to vector<16xi32>
    %add3A_262 = arith.addi %iota3A_5, %add3A_261 : vector<16xi32>
    %eq3A_263 = vector.broadcast %reduce_min3A_214 : i32 to vector<16xi32>
    %eq3A_264 = arith.cmpi eq, %add3A_262, %eq3A_263 : vector<16xi32>
    %sub3A_265 = vector.broadcast %reduce_max3A_88 : f32 to vector<16xf32>
    %sub3A_266 = arith.subf %get3A_40, %sub3A_265 : vector<16xf32>
    %jit3A_267 = arith.constant 0.000000e+00 : f32
    %broadcast_in_dim3A_268 = vector.broadcast %jit3A_267 : f32 to vector<16xf32>
    %select_n3A_269 = arith.select %eq3A_264, %sub3A_266, %broadcast_in_dim3A_268 : vector<16xi1>, vector<16xf32>
    %add3A_270 = arith.addf %add3A_259, %select_n3A_269 : vector<16xf32>
    %add3A_271 = arith.constant 80 : i32
    %add3A_272 = vector.broadcast %add3A_271 : i32 to vector<16xi32>
    %add3A_273 = arith.addi %iota3A_5, %add3A_272 : vector<16xi32>
    %eq3A_274 = vector.broadcast %reduce_min3A_214 : i32 to vector<16xi32>
    %eq3A_275 = arith.cmpi eq, %add3A_273, %eq3A_274 : vector<16xi32>
    %sub3A_276 = vector.broadcast %reduce_max3A_88 : f32 to vector<16xf32>
    %sub3A_277 = arith.subf %get3A_48, %sub3A_276 : vector<16xf32>
    %jit3A_278 = arith.constant 0.000000e+00 : f32
    %broadcast_in_dim3A_279 = vector.broadcast %jit3A_278 : f32 to vector<16xf32>
    %select_n3A_280 = arith.select %eq3A_275, %sub3A_277, %broadcast_in_dim3A_279 : vector<16xi1>, vector<16xf32>
    %add3A_281 = arith.addf %add3A_270, %select_n3A_280 : vector<16xf32>
    %add3A_282 = arith.constant 96 : i32
    %add3A_283 = vector.broadcast %add3A_282 : i32 to vector<16xi32>
    %add3A_284 = arith.addi %iota3A_5, %add3A_283 : vector<16xi32>
    %eq3A_285 = vector.broadcast %reduce_min3A_214 : i32 to vector<16xi32>
    %eq3A_286 = arith.cmpi eq, %add3A_284, %eq3A_285 : vector<16xi32>
    %sub3A_287 = vector.broadcast %reduce_max3A_88 : f32 to vector<16xf32>
    %sub3A_288 = arith.subf %get3A_56, %sub3A_287 : vector<16xf32>
    %jit3A_289 = arith.constant 0.000000e+00 : f32
    %broadcast_in_dim3A_290 = vector.broadcast %jit3A_289 : f32 to vector<16xf32>
    %select_n3A_291 = arith.select %eq3A_286, %sub3A_288, %broadcast_in_dim3A_290 : vector<16xi1>, vector<16xf32>
    %add3A_292 = arith.addf %add3A_281, %select_n3A_291 : vector<16xf32>
    %add3A_293 = arith.constant 112 : i32
    %add3A_294 = vector.broadcast %add3A_293 : i32 to vector<16xi32>
    %add3A_295 = arith.addi %iota3A_5, %add3A_294 : vector<16xi32>
    %eq3A_296 = vector.broadcast %reduce_min3A_214 : i32 to vector<16xi32>
    %eq3A_297 = arith.cmpi eq, %add3A_295, %eq3A_296 : vector<16xi32>
    %sub3A_298 = vector.broadcast %reduce_max3A_88 : f32 to vector<16xf32>
    %sub3A_299 = arith.subf %get3A_64, %sub3A_298 : vector<16xf32>
    %jit3A_300 = arith.constant 0.000000e+00 : f32
    %broadcast_in_dim3A_301 = vector.broadcast %jit3A_300 : f32 to vector<16xf32>
    %select_n3A_302 = arith.select %eq3A_297, %sub3A_299, %broadcast_in_dim3A_301 : vector<16xi1>, vector<16xf32>
    %add3A_303 = arith.addf %add3A_292, %select_n3A_302 : vector<16xf32>
    %reduce_sum3A = arith.constant true
    %reduce_sum3A_304 = vector.broadcast %reduce_sum3A : i1 to vector<16xi1>
    %reduce_sum3A_305 = tpu.scan <sum>, %add3A_205 masked %reduce_sum3A_304 : vector<16xf32>, vector<16xi1> -> vector<16xf32>
    %reduce_sum3A_306 = vector.extract %reduce_sum3A_305[15] : f32 from vector<16xf32>
    %bitcast_convert_type3A = arith.bitcast %reduce_sum3A_306 : f32 to i32
    %shift_right_logical3A = arith.constant 23 : i32
    %shift_right_logical3A_307 = arith.shrui %bitcast_convert_type3A, %shift_right_logical3A : i32
    %sub3A_308 = arith.constant 127 : i32
    %sub3A_309 = arith.subi %shift_right_logical3A_307, %sub3A_308 : i32
    %and3A = arith.constant 8388607 : i32
    %and3A_310 = arith.andi %bitcast_convert_type3A, %and3A : i32
    %or3A = arith.constant 1065353216 : i32
    %or3A_311 = arith.ori %and3A_310, %or3A : i32
    %bitcast_convert_type3A_312 = arith.bitcast %or3A_311 : i32 to f32
    %gt3A = arith.constant 1.41421354 : f32
    %gt3A_313 = arith.cmpf ogt, %bitcast_convert_type3A_312, %gt3A : f32
    %mul3A_314 = arith.constant 5.000000e-01 : f32
    %mul3A_315 = arith.mulf %bitcast_convert_type3A_312, %mul3A_314 : f32
    %select_n3A_316 = arith.select %gt3A_313, %mul3A_315, %bitcast_convert_type3A_312 : f32
    %add3A_317 = arith.constant 1 : i32
    %add3A_318 = arith.addi %sub3A_309, %add3A_317 : i32
    %select_n3A_319 = arith.select %gt3A_313, %add3A_318, %sub3A_309 : i32
    %sub3A_320 = arith.constant 1.000000e+00 : f32
    %sub3A_321 = arith.subf %select_n3A_316, %sub3A_320 : f32
    %add3A_322 = arith.constant 1.000000e+00 : f32
    %add3A_323 = arith.addf %select_n3A_316, %add3A_322 : f32
    %bitcast_convert_type3A_324 = arith.bitcast %add3A_323 : f32 to i32
    %sub3A_325 = arith.constant 2129859011 : i32
    %sub3A_326 = arith.subi %sub3A_325, %bitcast_convert_type3A_324 : i32
    %bitcast_convert_type3A_327 = arith.bitcast %sub3A_326 : i32 to f32
    %mul3A_328 = arith.mulf %add3A_323, %bitcast_convert_type3A_327 : f32
    %sub3A_329 = arith.constant 2.000000e+00 : f32
    %sub3A_330 = arith.subf %sub3A_329, %mul3A_328 : f32
    %mul3A_331 = arith.mulf %bitcast_convert_type3A_327, %sub3A_330 : f32
    %mul3A_332 = arith.mulf %add3A_323, %mul3A_331 : f32
    %sub3A_333 = arith.constant 2.000000e+00 : f32
    %sub3A_334 = arith.subf %sub3A_333, %mul3A_332 : f32
    %mul3A_335 = arith.mulf %mul3A_331, %sub3A_334 : f32
    %mul3A_336 = arith.mulf %add3A_323, %mul3A_335 : f32
    %sub3A_337 = arith.constant 2.000000e+00 : f32
    %sub3A_338 = arith.subf %sub3A_337, %mul3A_336 : f32
    %mul3A_339 = arith.mulf %mul3A_335, %sub3A_338 : f32
    %mul3A_340 = arith.mulf %sub3A_321, %mul3A_339 : f32
    %mul3A_341 = arith.mulf %mul3A_340, %mul3A_340 : f32
    %mul3A_342 = arith.constant 2.000000e+00 : f32
    %mul3A_343 = arith.mulf %mul3A_342, %mul3A_340 : f32
    %mul3A_344 = arith.constant 0.111111112 : f32
    %mul3A_345 = arith.mulf %mul3A_341, %mul3A_344 : f32
    %add3A_346 = arith.constant 0.142857134 : f32
    %add3A_347 = arith.addf %add3A_346, %mul3A_345 : f32
    %mul3A_348 = arith.mulf %mul3A_341, %add3A_347 : f32
    %add3A_349 = arith.constant 2.000000e-01 : f32
    %add3A_350 = arith.addf %add3A_349, %mul3A_348 : f32
    %mul3A_351 = arith.mulf %mul3A_341, %add3A_350 : f32
    %add3A_352 = arith.constant 0.333333343 : f32
    %add3A_353 = arith.addf %add3A_352, %mul3A_351 : f32
    %mul3A_354 = arith.mulf %mul3A_341, %add3A_353 : f32
    %add3A_355 = arith.constant 1.000000e+00 : f32
    %add3A_356 = arith.addf %add3A_355, %mul3A_354 : f32
    %mul3A_357 = arith.mulf %mul3A_343, %add3A_356 : f32
    %convert_element_type3A = arith.sitofp %select_n3A_319 : i32 to f32
    %mul3A_358 = arith.constant 0.693147182 : f32
    %mul3A_359 = arith.mulf %convert_element_type3A, %mul3A_358 : f32
    %add3A_360 = arith.addf %mul3A_359, %mul3A_357 : f32
    %reduce_sum3A_361 = arith.constant true
    %reduce_sum3A_362 = vector.broadcast %reduce_sum3A_361 : i1 to vector<16xi1>
    %reduce_sum3A_363 = tpu.scan <sum>, %add3A_303 masked %reduce_sum3A_362 : vector<16xf32>, vector<16xi1> -> vector<16xf32>
    %reduce_sum3A_364 = vector.extract %reduce_sum3A_363[15] : f32 from vector<16xf32>
    %sub3A_365 = arith.subf %reduce_sum3A_364, %add3A_360 : f32
    %reduce_sum3A_366 = arith.constant true
    %reduce_sum3A_367 = vector.broadcast %reduce_sum3A_366 : i1 to vector<16xi1>
    %reduce_sum3A_368 = tpu.scan <sum>, %add3A_207 masked %reduce_sum3A_367 : vector<16xf32>, vector<16xi1> -> vector<16xf32>
    %reduce_sum3A_369 = vector.extract %reduce_sum3A_368[15] : f32 from vector<16xf32>
    %bitcast_convert_type3A_370 = arith.bitcast %reduce_sum3A_306 : f32 to i32
    %sub3A_371 = arith.constant 2129859011 : i32
    %sub3A_372 = arith.subi %sub3A_371, %bitcast_convert_type3A_370 : i32
    %bitcast_convert_type3A_373 = arith.bitcast %sub3A_372 : i32 to f32
    %mul3A_374 = arith.mulf %reduce_sum3A_306, %bitcast_convert_type3A_373 : f32
    %sub3A_375 = arith.constant 2.000000e+00 : f32
    %sub3A_376 = arith.subf %sub3A_375, %mul3A_374 : f32
    %mul3A_377 = arith.mulf %bitcast_convert_type3A_373, %sub3A_376 : f32
    %mul3A_378 = arith.mulf %reduce_sum3A_306, %mul3A_377 : f32
    %sub3A_379 = arith.constant 2.000000e+00 : f32
    %sub3A_380 = arith.subf %sub3A_379, %mul3A_378 : f32
    %mul3A_381 = arith.mulf %mul3A_377, %sub3A_380 : f32
    %mul3A_382 = arith.mulf %reduce_sum3A_306, %mul3A_381 : f32
    %sub3A_383 = arith.constant 2.000000e+00 : f32
    %sub3A_384 = arith.subf %sub3A_383, %mul3A_382 : f32
    %mul3A_385 = arith.mulf %mul3A_381, %sub3A_384 : f32
    %mul3A_386 = arith.mulf %reduce_sum3A_369, %mul3A_385 : f32
    %sub3A_387 = arith.subf %add3A_360, %mul3A_386 : f32
    %iota3A_388 = tpu.iota {dimensions = array<i32: 0>} : vector<16xi32>
    %get3A_389 = arith.constant 1 : i32
    %get3A_390 = arith.index_cast %get3A_389 : i32 to index
    %get3A_391 = arith.constant 0 : index
    %get3A_392 = tpu.vector_load %arg7[%get3A_390, %get3A_391] {strides = array<i32>} : memref<2x384xf32, #tpu.memory_space<vmem>>, vector<16xf32>,
    %get3A_393 = arith.constant 1 : i32
    %get3A_394 = arith.index_cast %get3A_393 : i32 to index
    %get3A_395 = arith.constant 0 : index
    %get3A_396 = tpu.vector_load %arg8[%get3A_394, %get3A_395] {strides = array<i32>} : memref<2x384xf32, #tpu.memory_space<vmem>>, vector<16xf32>,
    %get3A_397 = arith.constant 1 : i32
    %get3A_398 = arith.index_cast %get3A_397 : i32 to index
    %get3A_399 = arith.constant 16 : index
    %get3A_400 = tpu.vector_load %arg7[%get3A_398, %get3A_399] {strides = array<i32>} : memref<2x384xf32, #tpu.memory_space<vmem>>, vector<16xf32>,
    %get3A_401 = arith.constant 1 : i32
    %get3A_402 = arith.index_cast %get3A_401 : i32 to index
    %get3A_403 = arith.constant 16 : index
    %get3A_404 = tpu.vector_load %arg8[%get3A_402, %get3A_403] {strides = array<i32>} : memref<2x384xf32, #tpu.memory_space<vmem>>, vector<16xf32>,
    %get3A_405 = arith.constant 1 : i32
    %get3A_406 = arith.index_cast %get3A_405 : i32 to index
    %get3A_407 = arith.constant 32 : index
    %get3A_408 = tpu.vector_load %arg7[%get3A_406, %get3A_407] {strides = array<i32>} : memref<2x384xf32, #tpu.memory_space<vmem>>, vector<16xf32>,
    %get3A_409 = arith.constant 1 : i32
    %get3A_410 = arith.index_cast %get3A_409 : i32 to index
    %get3A_411 = arith.constant 32 : index
    %get3A_412 = tpu.vector_load %arg8[%get3A_410, %get3A_411] {strides = array<i32>} : memref<2x384xf32, #tpu.memory_space<vmem>>, vector<16xf32>,
    %get3A_413 = arith.constant 1 : i32
    %get3A_414 = arith.index_cast %get3A_413 : i32 to index
    %get3A_415 = arith.constant 48 : index
    %get3A_416 = tpu.vector_load %arg7[%get3A_414, %get3A_415] {strides = array<i32>} : memref<2x384xf32, #tpu.memory_space<vmem>>, vector<16xf32>,
    %get3A_417 = arith.constant 1 : i32
    %get3A_418 = arith.index_cast %get3A_417 : i32 to index
    %get3A_419 = arith.constant 48 : index
    %get3A_420 = tpu.vector_load %arg8[%get3A_418, %get3A_419] {strides = array<i32>} : memref<2x384xf32, #tpu.memory_space<vmem>>, vector<16xf32>,
    %get3A_421 = arith.constant 1 : i32
    %get3A_422 = arith.index_cast %get3A_421 : i32 to index
    %get3A_423 = arith.constant 64 : index
    %get3A_424 = tpu.vector_load %arg7[%get3A_422, %get3A_423] {strides = array<i32>} : memref<2x384xf32, #tpu.memory_space<vmem>>, vector<16xf32>,
    %get3A_425 = arith.constant 1 : i32
    %get3A_426 = arith.index_cast %get3A_425 : i32 to index
    %get3A_427 = arith.constant 64 : index
    %get3A_428 = tpu.vector_load %arg8[%get3A_426, %get3A_427] {strides = array<i32>} : memref<2x384xf32, #tpu.memory_space<vmem>>, vector<16xf32>,
    %get3A_429 = arith.constant 1 : i32
    %get3A_430 = arith.index_cast %get3A_429 : i32 to index
    %get3A_431 = arith.constant 80 : index
    %get3A_432 = tpu.vector_load %arg7[%get3A_430, %get3A_431] {strides = array<i32>} : memref<2x384xf32, #tpu.memory_space<vmem>>, vector<16xf32>,
    %get3A_433 = arith.constant 1 : i32
    %get3A_434 = arith.index_cast %get3A_433 : i32 to index
    %get3A_435 = arith.constant 80 : index
    %get3A_436 = tpu.vector_load %arg8[%get3A_434, %get3A_435] {strides = array<i32>} : memref<2x384xf32, #tpu.memory_space<vmem>>, vector<16xf32>,
    %get3A_437 = arith.constant 1 : i32
    %get3A_438 = arith.index_cast %get3A_437 : i32 to index
    %get3A_439 = arith.constant 96 : index
    %get3A_440 = tpu.vector_load %arg7[%get3A_438, %get3A_439] {strides = array<i32>} : memref<2x384xf32, #tpu.memory_space<vmem>>, vector<16xf32>,
    %get3A_441 = arith.constant 1 : i32
    %get3A_442 = arith.index_cast %get3A_441 : i32 to index
    %get3A_443 = arith.constant 96 : index
    %get3A_444 = tpu.vector_load %arg8[%get3A_442, %get3A_443] {strides = array<i32>} : memref<2x384xf32, #tpu.memory_space<vmem>>, vector<16xf32>,
    %get3A_445 = arith.constant 1 : i32
    %get3A_446 = arith.index_cast %get3A_445 : i32 to index
    %get3A_447 = arith.constant 112 : index
    %get3A_448 = tpu.vector_load %arg7[%get3A_446, %get3A_447] {strides = array<i32>} : memref<2x384xf32, #tpu.memory_space<vmem>>, vector<16xf32>,
    %get3A_449 = arith.constant 1 : i32
    %get3A_450 = arith.index_cast %get3A_449 : i32 to index
    %get3A_451 = arith.constant 112 : index
    %get3A_452 = tpu.vector_load %arg8[%get3A_450, %get3A_451] {strides = array<i32>} : memref<2x384xf32, #tpu.memory_space<vmem>>, vector<16xf32>,
    %max3A_453 = arith.maximumf %get3A_396, %get3A_404 : vector<16xf32>
    %max3A_454 = arith.maximumf %get3A_392, %get3A_400 : vector<16xf32>
    %max3A_455 = arith.maximumf %max3A_453, %get3A_412 : vector<16xf32>
    %max3A_456 = arith.maximumf %max3A_454, %get3A_408 : vector<16xf32>
    %max3A_457 = arith.maximumf %max3A_455, %get3A_420 : vector<16xf32>
    %max3A_458 = arith.maximumf %max3A_456, %get3A_416 : vector<16xf32>
    %max3A_459 = arith.maximumf %max3A_457, %get3A_428 : vector<16xf32>
    %max3A_460 = arith.maximumf %max3A_458, %get3A_424 : vector<16xf32>
    %max3A_461 = arith.maximumf %max3A_459, %get3A_436 : vector<16xf32>
    %max3A_462 = arith.maximumf %max3A_460, %get3A_432 : vector<16xf32>
    %max3A_463 = arith.maximumf %max3A_461, %get3A_444 : vector<16xf32>
    %max3A_464 = arith.maximumf %max3A_462, %get3A_440 : vector<16xf32>
    %max3A_465 = arith.maximumf %max3A_463, %get3A_452 : vector<16xf32>
    %max3A_466 = arith.maximumf %max3A_464, %get3A_448 : vector<16xf32>
    %reduce_max3A_467 = arith.constant true
    %reduce_max3A_468 = vector.broadcast %reduce_max3A_467 : i1 to vector<16xi1>
    %reduce_max3A_469 = tpu.scan <max>, %max3A_465 masked %reduce_max3A_468 : vector<16xf32>, vector<16xi1> -> vector<16xf32>
    %reduce_max3A_470 = vector.extract %reduce_max3A_469[15] : f32 from vector<16xf32>
    %reduce_max3A_471 = arith.constant true
    %reduce_max3A_472 = vector.broadcast %reduce_max3A_471 : i1 to vector<16xi1>
    %reduce_max3A_473 = tpu.scan <max>, %max3A_466 masked %reduce_max3A_472 : vector<16xf32>, vector<16xi1> -> vector<16xf32>
    %reduce_max3A_474 = vector.extract %reduce_max3A_473[15] : f32 from vector<16xf32>
    %broadcast_in_dim3A_475 = arith.constant 1048576 : i32
    %broadcast_in_dim3A_476 = vector.broadcast %broadcast_in_dim3A_475 : i32 to vector<16xi32>
    %broadcast_in_dim3A_477 = arith.constant 0.000000e+00 : f32
    %broadcast_in_dim3A_478 = vector.broadcast %broadcast_in_dim3A_477 : f32 to vector<16xf32>
    %broadcast_in_dim3A_479 = arith.constant 0.000000e+00 : f32
    %broadcast_in_dim3A_480 = vector.broadcast %broadcast_in_dim3A_479 : f32 to vector<16xf32>
    %add3A_481 = arith.constant 0 : i32
    %add3A_482 = vector.broadcast %add3A_481 : i32 to vector<16xi32>
    %add3A_483 = arith.addi %iota3A_388, %add3A_482 : vector<16xi32>
    %ge3A_484 = vector.broadcast %reduce_max3A_470 : f32 to vector<16xf32>
    %ge3A_485 = arith.cmpf oge, %get3A_396, %ge3A_484 : vector<16xf32>
    %jit3A_486 = arith.constant 1048576 : i32
    %broadcast_in_dim3A_487 = vector.broadcast %jit3A_486 : i32 to vector<16xi32>
    %select_n3A_488 = arith.select %ge3A_485, %add3A_483, %broadcast_in_dim3A_487 : vector<16xi1>, vector<16xi32>
    %min3A_489 = arith.minsi %broadcast_in_dim3A_476, %select_n3A_488 : vector<16xi32>
    %sub3A_490 = vector.broadcast %reduce_max3A_474 : f32 to vector<16xf32>
    %sub3A_491 = arith.subf %get3A_392, %sub3A_490 : vector<16xf32>
    %exp3A_492 = math.exp %sub3A_491 : vector<16xf32>
    %add3A_493 = arith.addf %broadcast_in_dim3A_478, %exp3A_492 : vector<16xf32>
    %mul3A_494 = arith.mulf %exp3A_492, %sub3A_491 : vector<16xf32>
    %add3A_495 = arith.addf %broadcast_in_dim3A_480, %mul3A_494 : vector<16xf32>
    %add3A_496 = arith.constant 16 : i32
    %add3A_497 = vector.broadcast %add3A_496 : i32 to vector<16xi32>
    %add3A_498 = arith.addi %iota3A_388, %add3A_497 : vector<16xi32>
    %ge3A_499 = vector.broadcast %reduce_max3A_470 : f32 to vector<16xf32>
    %ge3A_500 = arith.cmpf oge, %get3A_404, %ge3A_499 : vector<16xf32>
    %jit3A_501 = arith.constant 1048576 : i32
    %broadcast_in_dim3A_502 = vector.broadcast %jit3A_501 : i32 to vector<16xi32>
    %select_n3A_503 = arith.select %ge3A_500, %add3A_498, %broadcast_in_dim3A_502 : vector<16xi1>, vector<16xi32>
    %min3A_504 = arith.minsi %min3A_489, %select_n3A_503 : vector<16xi32>
    %sub3A_505 = vector.broadcast %reduce_max3A_474 : f32 to vector<16xf32>
    %sub3A_506 = arith.subf %get3A_400, %sub3A_505 : vector<16xf32>
    %exp3A_507 = math.exp %sub3A_506 : vector<16xf32>
    %add3A_508 = arith.addf %add3A_493, %exp3A_507 : vector<16xf32>
    %mul3A_509 = arith.mulf %exp3A_507, %sub3A_506 : vector<16xf32>
    %add3A_510 = arith.addf %add3A_495, %mul3A_509 : vector<16xf32>
    %add3A_511 = arith.constant 32 : i32
    %add3A_512 = vector.broadcast %add3A_511 : i32 to vector<16xi32>
    %add3A_513 = arith.addi %iota3A_388, %add3A_512 : vector<16xi32>
    %ge3A_514 = vector.broadcast %reduce_max3A_470 : f32 to vector<16xf32>
    %ge3A_515 = arith.cmpf oge, %get3A_412, %ge3A_514 : vector<16xf32>
    %jit3A_516 = arith.constant 1048576 : i32
    %broadcast_in_dim3A_517 = vector.broadcast %jit3A_516 : i32 to vector<16xi32>
    %select_n3A_518 = arith.select %ge3A_515, %add3A_513, %broadcast_in_dim3A_517 : vector<16xi1>, vector<16xi32>
    %min3A_519 = arith.minsi %min3A_504, %select_n3A_518 : vector<16xi32>
    %sub3A_520 = vector.broadcast %reduce_max3A_474 : f32 to vector<16xf32>
    %sub3A_521 = arith.subf %get3A_408, %sub3A_520 : vector<16xf32>
    %exp3A_522 = math.exp %sub3A_521 : vector<16xf32>
    %add3A_523 = arith.addf %add3A_508, %exp3A_522 : vector<16xf32>
    %mul3A_524 = arith.mulf %exp3A_522, %sub3A_521 : vector<16xf32>
    %add3A_525 = arith.addf %add3A_510, %mul3A_524 : vector<16xf32>
    %add3A_526 = arith.constant 48 : i32
    %add3A_527 = vector.broadcast %add3A_526 : i32 to vector<16xi32>
    %add3A_528 = arith.addi %iota3A_388, %add3A_527 : vector<16xi32>
    %ge3A_529 = vector.broadcast %reduce_max3A_470 : f32 to vector<16xf32>
    %ge3A_530 = arith.cmpf oge, %get3A_420, %ge3A_529 : vector<16xf32>
    %jit3A_531 = arith.constant 1048576 : i32
    %broadcast_in_dim3A_532 = vector.broadcast %jit3A_531 : i32 to vector<16xi32>
    %select_n3A_533 = arith.select %ge3A_530, %add3A_528, %broadcast_in_dim3A_532 : vector<16xi1>, vector<16xi32>
    %min3A_534 = arith.minsi %min3A_519, %select_n3A_533 : vector<16xi32>
    %sub3A_535 = vector.broadcast %reduce_max3A_474 : f32 to vector<16xf32>
    %sub3A_536 = arith.subf %get3A_416, %sub3A_535 : vector<16xf32>
    %exp3A_537 = math.exp %sub3A_536 : vector<16xf32>
    %add3A_538 = arith.addf %add3A_523, %exp3A_537 : vector<16xf32>
    %mul3A_539 = arith.mulf %exp3A_537, %sub3A_536 : vector<16xf32>
    %add3A_540 = arith.addf %add3A_525, %mul3A_539 : vector<16xf32>
    %add3A_541 = arith.constant 64 : i32
    %add3A_542 = vector.broadcast %add3A_541 : i32 to vector<16xi32>
    %add3A_543 = arith.addi %iota3A_388, %add3A_542 : vector<16xi32>
    %ge3A_544 = vector.broadcast %reduce_max3A_470 : f32 to vector<16xf32>
    %ge3A_545 = arith.cmpf oge, %get3A_428, %ge3A_544 : vector<16xf32>
    %jit3A_546 = arith.constant 1048576 : i32
    %broadcast_in_dim3A_547 = vector.broadcast %jit3A_546 : i32 to vector<16xi32>
    %select_n3A_548 = arith.select %ge3A_545, %add3A_543, %broadcast_in_dim3A_547 : vector<16xi1>, vector<16xi32>
    %min3A_549 = arith.minsi %min3A_534, %select_n3A_548 : vector<16xi32>
    %sub3A_550 = vector.broadcast %reduce_max3A_474 : f32 to vector<16xf32>
    %sub3A_551 = arith.subf %get3A_424, %sub3A_550 : vector<16xf32>
    %exp3A_552 = math.exp %sub3A_551 : vector<16xf32>
    %add3A_553 = arith.addf %add3A_538, %exp3A_552 : vector<16xf32>
    %mul3A_554 = arith.mulf %exp3A_552, %sub3A_551 : vector<16xf32>
    %add3A_555 = arith.addf %add3A_540, %mul3A_554 : vector<16xf32>
    %add3A_556 = arith.constant 80 : i32
    %add3A_557 = vector.broadcast %add3A_556 : i32 to vector<16xi32>
    %add3A_558 = arith.addi %iota3A_388, %add3A_557 : vector<16xi32>
    %ge3A_559 = vector.broadcast %reduce_max3A_470 : f32 to vector<16xf32>
    %ge3A_560 = arith.cmpf oge, %get3A_436, %ge3A_559 : vector<16xf32>
    %jit3A_561 = arith.constant 1048576 : i32
    %broadcast_in_dim3A_562 = vector.broadcast %jit3A_561 : i32 to vector<16xi32>
    %select_n3A_563 = arith.select %ge3A_560, %add3A_558, %broadcast_in_dim3A_562 : vector<16xi1>, vector<16xi32>
    %min3A_564 = arith.minsi %min3A_549, %select_n3A_563 : vector<16xi32>
    %sub3A_565 = vector.broadcast %reduce_max3A_474 : f32 to vector<16xf32>
    %sub3A_566 = arith.subf %get3A_432, %sub3A_565 : vector<16xf32>
    %exp3A_567 = math.exp %sub3A_566 : vector<16xf32>
    %add3A_568 = arith.addf %add3A_553, %exp3A_567 : vector<16xf32>
    %mul3A_569 = arith.mulf %exp3A_567, %sub3A_566 : vector<16xf32>
    %add3A_570 = arith.addf %add3A_555, %mul3A_569 : vector<16xf32>
    %add3A_571 = arith.constant 96 : i32
    %add3A_572 = vector.broadcast %add3A_571 : i32 to vector<16xi32>
    %add3A_573 = arith.addi %iota3A_388, %add3A_572 : vector<16xi32>
    %ge3A_574 = vector.broadcast %reduce_max3A_470 : f32 to vector<16xf32>
    %ge3A_575 = arith.cmpf oge, %get3A_444, %ge3A_574 : vector<16xf32>
    %jit3A_576 = arith.constant 1048576 : i32
    %broadcast_in_dim3A_577 = vector.broadcast %jit3A_576 : i32 to vector<16xi32>
    %select_n3A_578 = arith.select %ge3A_575, %add3A_573, %broadcast_in_dim3A_577 : vector<16xi1>, vector<16xi32>
    %min3A_579 = arith.minsi %min3A_564, %select_n3A_578 : vector<16xi32>
    %sub3A_580 = vector.broadcast %reduce_max3A_474 : f32 to vector<16xf32>
    %sub3A_581 = arith.subf %get3A_440, %sub3A_580 : vector<16xf32>
    %exp3A_582 = math.exp %sub3A_581 : vector<16xf32>
    %add3A_583 = arith.addf %add3A_568, %exp3A_582 : vector<16xf32>
    %mul3A_584 = arith.mulf %exp3A_582, %sub3A_581 : vector<16xf32>
    %add3A_585 = arith.addf %add3A_570, %mul3A_584 : vector<16xf32>
    %add3A_586 = arith.constant 112 : i32
    %add3A_587 = vector.broadcast %add3A_586 : i32 to vector<16xi32>
    %add3A_588 = arith.addi %iota3A_388, %add3A_587 : vector<16xi32>
    %ge3A_589 = vector.broadcast %reduce_max3A_470 : f32 to vector<16xf32>
    %ge3A_590 = arith.cmpf oge, %get3A_452, %ge3A_589 : vector<16xf32>
    %jit3A_591 = arith.constant 1048576 : i32
    %broadcast_in_dim3A_592 = vector.broadcast %jit3A_591 : i32 to vector<16xi32>
    %select_n3A_593 = arith.select %ge3A_590, %add3A_588, %broadcast_in_dim3A_592 : vector<16xi1>, vector<16xi32>
    %min3A_594 = arith.minsi %min3A_579, %select_n3A_593 : vector<16xi32>
    %sub3A_595 = vector.broadcast %reduce_max3A_474 : f32 to vector<16xf32>
    %sub3A_596 = arith.subf %get3A_448, %sub3A_595 : vector<16xf32>
    %exp3A_597 = math.exp %sub3A_596 : vector<16xf32>
    %add3A_598 = arith.addf %add3A_583, %exp3A_597 : vector<16xf32>
    %mul3A_599 = arith.mulf %exp3A_597, %sub3A_596 : vector<16xf32>
    %add3A_600 = arith.addf %add3A_585, %mul3A_599 : vector<16xf32>
    %reduce_min3A_601 = arith.constant true
    %reduce_min3A_602 = vector.broadcast %reduce_min3A_601 : i1 to vector<16xi1>
    %reduce_min3A_603 = arith.constant -2147483648 : i32
    %reduce_min3A_604 = vector.broadcast %reduce_min3A_603 : i32 to vector<16xi32>
    %reduce_min3A_605 = arith.xori %min3A_594, %reduce_min3A_604 : vector<16xi32>
    %reduce_min3A_606 = tpu.scan <min>, %reduce_min3A_605 masked %reduce_min3A_602 : vector<16xi32>, vector<16xi1> -> vector<16xi32>
    %reduce_min3A_607 = arith.xori %reduce_min3A_606, %reduce_min3A_604 : vector<16xi32>
    %reduce_min3A_608 = vector.extract %reduce_min3A_607[15] : i32 from vector<16xi32>
    %broadcast_in_dim3A_609 = arith.constant 0.000000e+00 : f32
    %broadcast_in_dim3A_610 = vector.broadcast %broadcast_in_dim3A_609 : f32 to vector<16xf32>
    %add3A_611 = arith.constant 0 : i32
    %add3A_612 = vector.broadcast %add3A_611 : i32 to vector<16xi32>
    %add3A_613 = arith.addi %iota3A_388, %add3A_612 : vector<16xi32>
    %eq3A_614 = vector.broadcast %reduce_min3A_608 : i32 to vector<16xi32>
    %eq3A_615 = arith.cmpi eq, %add3A_613, %eq3A_614 : vector<16xi32>
    %sub3A_616 = vector.broadcast %reduce_max3A_474 : f32 to vector<16xf32>
    %sub3A_617 = arith.subf %get3A_392, %sub3A_616 : vector<16xf32>
    %jit3A_618 = arith.constant 0.000000e+00 : f32
    %broadcast_in_dim3A_619 = vector.broadcast %jit3A_618 : f32 to vector<16xf32>
    %select_n3A_620 = arith.select %eq3A_615, %sub3A_617, %broadcast_in_dim3A_619 : vector<16xi1>, vector<16xf32>
    %add3A_621 = arith.addf %broadcast_in_dim3A_610, %select_n3A_620 : vector<16xf32>
    %add3A_622 = arith.constant 16 : i32
    %add3A_623 = vector.broadcast %add3A_622 : i32 to vector<16xi32>
    %add3A_624 = arith.addi %iota3A_388, %add3A_623 : vector<16xi32>
    %eq3A_625 = vector.broadcast %reduce_min3A_608 : i32 to vector<16xi32>
    %eq3A_626 = arith.cmpi eq, %add3A_624, %eq3A_625 : vector<16xi32>
    %sub3A_627 = vector.broadcast %reduce_max3A_474 : f32 to vector<16xf32>
    %sub3A_628 = arith.subf %get3A_400, %sub3A_627 : vector<16xf32>
    %jit3A_629 = arith.constant 0.000000e+00 : f32
    %broadcast_in_dim3A_630 = vector.broadcast %jit3A_629 : f32 to vector<16xf32>
    %select_n3A_631 = arith.select %eq3A_626, %sub3A_628, %broadcast_in_dim3A_630 : vector<16xi1>, vector<16xf32>
    %add3A_632 = arith.addf %add3A_621, %select_n3A_631 : vector<16xf32>
    %add3A_633 = arith.constant 32 : i32
    %add3A_634 = vector.broadcast %add3A_633 : i32 to vector<16xi32>
    %add3A_635 = arith.addi %iota3A_388, %add3A_634 : vector<16xi32>
    %eq3A_636 = vector.broadcast %reduce_min3A_608 : i32 to vector<16xi32>
    %eq3A_637 = arith.cmpi eq, %add3A_635, %eq3A_636 : vector<16xi32>
    %sub3A_638 = vector.broadcast %reduce_max3A_474 : f32 to vector<16xf32>
    %sub3A_639 = arith.subf %get3A_408, %sub3A_638 : vector<16xf32>
    %jit3A_640 = arith.constant 0.000000e+00 : f32
    %broadcast_in_dim3A_641 = vector.broadcast %jit3A_640 : f32 to vector<16xf32>
    %select_n3A_642 = arith.select %eq3A_637, %sub3A_639, %broadcast_in_dim3A_641 : vector<16xi1>, vector<16xf32>
    %add3A_643 = arith.addf %add3A_632, %select_n3A_642 : vector<16xf32>
    %add3A_644 = arith.constant 48 : i32
    %add3A_645 = vector.broadcast %add3A_644 : i32 to vector<16xi32>
    %add3A_646 = arith.addi %iota3A_388, %add3A_645 : vector<16xi32>
    %eq3A_647 = vector.broadcast %reduce_min3A_608 : i32 to vector<16xi32>
    %eq3A_648 = arith.cmpi eq, %add3A_646, %eq3A_647 : vector<16xi32>
    %sub3A_649 = vector.broadcast %reduce_max3A_474 : f32 to vector<16xf32>
    %sub3A_650 = arith.subf %get3A_416, %sub3A_649 : vector<16xf32>
    %jit3A_651 = arith.constant 0.000000e+00 : f32
    %broadcast_in_dim3A_652 = vector.broadcast %jit3A_651 : f32 to vector<16xf32>
    %select_n3A_653 = arith.select %eq3A_648, %sub3A_650, %broadcast_in_dim3A_652 : vector<16xi1>, vector<16xf32>
    %add3A_654 = arith.addf %add3A_643, %select_n3A_653 : vector<16xf32>
    %add3A_655 = arith.constant 64 : i32
    %add3A_656 = vector.broadcast %add3A_655 : i32 to vector<16xi32>
    %add3A_657 = arith.addi %iota3A_388, %add3A_656 : vector<16xi32>
    %eq3A_658 = vector.broadcast %reduce_min3A_608 : i32 to vector<16xi32>
    %eq3A_659 = arith.cmpi eq, %add3A_657, %eq3A_658 : vector<16xi32>
    %sub3A_660 = vector.broadcast %reduce_max3A_474 : f32 to vector<16xf32>
    %sub3A_661 = arith.subf %get3A_424, %sub3A_660 : vector<16xf32>
    %jit3A_662 = arith.constant 0.000000e+00 : f32
    %broadcast_in_dim3A_663 = vector.broadcast %jit3A_662 : f32 to vector<16xf32>
    %select_n3A_664 = arith.select %eq3A_659, %sub3A_661, %broadcast_in_dim3A_663 : vector<16xi1>, vector<16xf32>
    %add3A_665 = arith.addf %add3A_654, %select_n3A_664 : vector<16xf32>
    %add3A_666 = arith.constant 80 : i32
    %add3A_667 = vector.broadcast %add3A_666 : i32 to vector<16xi32>
    %add3A_668 = arith.addi %iota3A_388, %add3A_667 : vector<16xi32>
    %eq3A_669 = vector.broadcast %reduce_min3A_608 : i32 to vector<16xi32>
    %eq3A_670 = arith.cmpi eq, %add3A_668, %eq3A_669 : vector<16xi32>
    %sub3A_671 = vector.broadcast %reduce_max3A_474 : f32 to vector<16xf32>
    %sub3A_672 = arith.subf %get3A_432, %sub3A_671 : vector<16xf32>
    %jit3A_673 = arith.constant 0.000000e+00 : f32
    %broadcast_in_dim3A_674 = vector.broadcast %jit3A_673 : f32 to vector<16xf32>
    %select_n3A_675 = arith.select %eq3A_670, %sub3A_672, %broadcast_in_dim3A_674 : vector<16xi1>, vector<16xf32>
    %add3A_676 = arith.addf %add3A_665, %select_n3A_675 : vector<16xf32>
    %add3A_677 = arith.constant 96 : i32
    %add3A_678 = vector.broadcast %add3A_677 : i32 to vector<16xi32>
    %add3A_679 = arith.addi %iota3A_388, %add3A_678 : vector<16xi32>
    %eq3A_680 = vector.broadcast %reduce_min3A_608 : i32 to vector<16xi32>
    %eq3A_681 = arith.cmpi eq, %add3A_679, %eq3A_680 : vector<16xi32>
    %sub3A_682 = vector.broadcast %reduce_max3A_474 : f32 to vector<16xf32>
    %sub3A_683 = arith.subf %get3A_440, %sub3A_682 : vector<16xf32>
    %jit3A_684 = arith.constant 0.000000e+00 : f32
    %broadcast_in_dim3A_685 = vector.broadcast %jit3A_684 : f32 to vector<16xf32>
    %select_n3A_686 = arith.select %eq3A_681, %sub3A_683, %broadcast_in_dim3A_685 : vector<16xi1>, vector<16xf32>
    %add3A_687 = arith.addf %add3A_676, %select_n3A_686 : vector<16xf32>
    %add3A_688 = arith.constant 112 : i32
    %add3A_689 = vector.broadcast %add3A_688 : i32 to vector<16xi32>
    %add3A_690 = arith.addi %iota3A_388, %add3A_689 : vector<16xi32>
    %eq3A_691 = vector.broadcast %reduce_min3A_608 : i32 to vector<16xi32>
    %eq3A_692 = arith.cmpi eq, %add3A_690, %eq3A_691 : vector<16xi32>
    %sub3A_693 = vector.broadcast %reduce_max3A_474 : f32 to vector<16xf32>
    %sub3A_694 = arith.subf %get3A_448, %sub3A_693 : vector<16xf32>
    %jit3A_695 = arith.constant 0.000000e+00 : f32
    %broadcast_in_dim3A_696 = vector.broadcast %jit3A_695 : f32 to vector<16xf32>
    %select_n3A_697 = arith.select %eq3A_692, %sub3A_694, %broadcast_in_dim3A_696 : vector<16xi1>, vector<16xf32>
    %add3A_698 = arith.addf %add3A_687, %select_n3A_697 : vector<16xf32>
    %reduce_sum3A_699 = arith.constant true
    %reduce_sum3A_700 = vector.broadcast %reduce_sum3A_699 : i1 to vector<16xi1>
    %reduce_sum3A_701 = tpu.scan <sum>, %add3A_598 masked %reduce_sum3A_700 : vector<16xf32>, vector<16xi1> -> vector<16xf32>
    %reduce_sum3A_702 = vector.extract %reduce_sum3A_701[15] : f32 from vector<16xf32>
    %bitcast_convert_type3A_703 = arith.bitcast %reduce_sum3A_702 : f32 to i32
    %shift_right_logical3A_704 = arith.constant 23 : i32
    %shift_right_logical3A_705 = arith.shrui %bitcast_convert_type3A_703, %shift_right_logical3A_704 : i32
    %sub3A_706 = arith.constant 127 : i32
    %sub3A_707 = arith.subi %shift_right_logical3A_705, %sub3A_706 : i32
    %and3A_708 = arith.constant 8388607 : i32
    %and3A_709 = arith.andi %bitcast_convert_type3A_703, %and3A_708 : i32
    %or3A_710 = arith.constant 1065353216 : i32
    %or3A_711 = arith.ori %and3A_709, %or3A_710 : i32
    %bitcast_convert_type3A_712 = arith.bitcast %or3A_711 : i32 to f32
    %gt3A_713 = arith.constant 1.41421354 : f32
    %gt3A_714 = arith.cmpf ogt, %bitcast_convert_type3A_712, %gt3A_713 : f32
    %mul3A_715 = arith.constant 5.000000e-01 : f32
    %mul3A_716 = arith.mulf %bitcast_convert_type3A_712, %mul3A_715 : f32
    %select_n3A_717 = arith.select %gt3A_714, %mul3A_716, %bitcast_convert_type3A_712 : f32
    %add3A_718 = arith.constant 1 : i32
    %add3A_719 = arith.addi %sub3A_707, %add3A_718 : i32
    %select_n3A_720 = arith.select %gt3A_714, %add3A_719, %sub3A_707 : i32
    %sub3A_721 = arith.constant 1.000000e+00 : f32
    %sub3A_722 = arith.subf %select_n3A_717, %sub3A_721 : f32
    %add3A_723 = arith.constant 1.000000e+00 : f32
    %add3A_724 = arith.addf %select_n3A_717, %add3A_723 : f32
    %bitcast_convert_type3A_725 = arith.bitcast %add3A_724 : f32 to i32
    %sub3A_726 = arith.constant 2129859011 : i32
    %sub3A_727 = arith.subi %sub3A_726, %bitcast_convert_type3A_725 : i32
    %bitcast_convert_type3A_728 = arith.bitcast %sub3A_727 : i32 to f32
    %mul3A_729 = arith.mulf %add3A_724, %bitcast_convert_type3A_728 : f32
    %sub3A_730 = arith.constant 2.000000e+00 : f32
    %sub3A_731 = arith.subf %sub3A_730, %mul3A_729 : f32
    %mul3A_732 = arith.mulf %bitcast_convert_type3A_728, %sub3A_731 : f32
    %mul3A_733 = arith.mulf %add3A_724, %mul3A_732 : f32
    %sub3A_734 = arith.constant 2.000000e+00 : f32
    %sub3A_735 = arith.subf %sub3A_734, %mul3A_733 : f32
    %mul3A_736 = arith.mulf %mul3A_732, %sub3A_735 : f32
    %mul3A_737 = arith.mulf %add3A_724, %mul3A_736 : f32
    %sub3A_738 = arith.constant 2.000000e+00 : f32
    %sub3A_739 = arith.subf %sub3A_738, %mul3A_737 : f32
    %mul3A_740 = arith.mulf %mul3A_736, %sub3A_739 : f32
    %mul3A_741 = arith.mulf %sub3A_722, %mul3A_740 : f32
    %mul3A_742 = arith.mulf %mul3A_741, %mul3A_741 : f32
    %mul3A_743 = arith.constant 2.000000e+00 : f32
    %mul3A_744 = arith.mulf %mul3A_743, %mul3A_741 : f32
    %mul3A_745 = arith.constant 0.111111112 : f32
    %mul3A_746 = arith.mulf %mul3A_742, %mul3A_745 : f32
    %add3A_747 = arith.constant 0.142857134 : f32
    %add3A_748 = arith.addf %add3A_747, %mul3A_746 : f32
    %mul3A_749 = arith.mulf %mul3A_742, %add3A_748 : f32
    %add3A_750 = arith.constant 2.000000e-01 : f32
    %add3A_751 = arith.addf %add3A_750, %mul3A_749 : f32
    %mul3A_752 = arith.mulf %mul3A_742, %add3A_751 : f32
    %add3A_753 = arith.constant 0.333333343 : f32
    %add3A_754 = arith.addf %add3A_753, %mul3A_752 : f32
    %mul3A_755 = arith.mulf %mul3A_742, %add3A_754 : f32
    %add3A_756 = arith.constant 1.000000e+00 : f32
    %add3A_757 = arith.addf %add3A_756, %mul3A_755 : f32
    %mul3A_758 = arith.mulf %mul3A_744, %add3A_757 : f32
    %convert_element_type3A_759 = arith.sitofp %select_n3A_720 : i32 to f32
    %mul3A_760 = arith.constant 0.693147182 : f32
    %mul3A_761 = arith.mulf %convert_element_type3A_759, %mul3A_760 : f32
    %add3A_762 = arith.addf %mul3A_761, %mul3A_758 : f32
    %reduce_sum3A_763 = arith.constant true
    %reduce_sum3A_764 = vector.broadcast %reduce_sum3A_763 : i1 to vector<16xi1>
    %reduce_sum3A_765 = tpu.scan <sum>, %add3A_698 masked %reduce_sum3A_764 : vector<16xf32>, vector<16xi1> -> vector<16xf32>
    %reduce_sum3A_766 = vector.extract %reduce_sum3A_765[15] : f32 from vector<16xf32>
    %sub3A_767 = arith.subf %reduce_sum3A_766, %add3A_762 : f32
    %reduce_sum3A_768 = arith.constant true
    %reduce_sum3A_769 = vector.broadcast %reduce_sum3A_768 : i1 to vector<16xi1>
    %reduce_sum3A_770 = tpu.scan <sum>, %add3A_600 masked %reduce_sum3A_769 : vector<16xf32>, vector<16xi1> -> vector<16xf32>
    %reduce_sum3A_771 = vector.extract %reduce_sum3A_770[15] : f32 from vector<16xf32>
    %bitcast_convert_type3A_772 = arith.bitcast %reduce_sum3A_702 : f32 to i32
    %sub3A_773 = arith.constant 2129859011 : i32
    %sub3A_774 = arith.subi %sub3A_773, %bitcast_convert_type3A_772 : i32
    %bitcast_convert_type3A_775 = arith.bitcast %sub3A_774 : i32 to f32
    %mul3A_776 = arith.mulf %reduce_sum3A_702, %bitcast_convert_type3A_775 : f32
    %sub3A_777 = arith.constant 2.000000e+00 : f32
    %sub3A_778 = arith.subf %sub3A_777, %mul3A_776 : f32
    %mul3A_779 = arith.mulf %bitcast_convert_type3A_775, %sub3A_778 : f32
    %mul3A_780 = arith.mulf %reduce_sum3A_702, %mul3A_779 : f32
    %sub3A_781 = arith.constant 2.000000e+00 : f32
    %sub3A_782 = arith.subf %sub3A_781, %mul3A_780 : f32
    %mul3A_783 = arith.mulf %mul3A_779, %sub3A_782 : f32
    %mul3A_784 = arith.mulf %reduce_sum3A_702, %mul3A_783 : f32
    %sub3A_785 = arith.constant 2.000000e+00 : f32
    %sub3A_786 = arith.subf %sub3A_785, %mul3A_784 : f32
    %mul3A_787 = arith.mulf %mul3A_783, %sub3A_786 : f32
    %mul3A_788 = arith.mulf %reduce_sum3A_771, %mul3A_787 : f32
    %sub3A_789 = arith.subf %add3A_762, %mul3A_788 : f32
    %eq3A_790 = arith.constant 0 : i32
    %eq3A_791 = vector.broadcast %eq3A_790 : i32 to vector<16xi32>
    %eq3A_792 = arith.cmpi eq, %iota3A, %eq3A_791 : vector<16xi32>
    %eq3A_793 = arith.constant 1 : i32
    %eq3A_794 = vector.broadcast %eq3A_793 : i32 to vector<16xi32>
    %eq3A_795 = arith.cmpi eq, %iota3A, %eq3A_794 : vector<16xi32>
    %jit3A_796 = arith.constant 0 : i32
    %broadcast_in_dim3A_797 = vector.broadcast %reduce_min3A_608 : i32 to vector<16xi32>
    %broadcast_in_dim3A_798 = vector.broadcast %jit3A_796 : i32 to vector<16xi32>
    %select_n3A_799 = arith.select %eq3A_795, %broadcast_in_dim3A_797, %broadcast_in_dim3A_798 : vector<16xi1>, vector<16xi32>
    %broadcast_in_dim3A_800 = vector.broadcast %reduce_min3A_214 : i32 to vector<16xi32>
    %select_n3A_801 = arith.select %eq3A_792, %broadcast_in_dim3A_800, %select_n3A_799 : vector<16xi1>, vector<16xi32>
    %dma_start3A = arith.constant 0 : i32
    %dma_start3A_802 = arith.constant 0 : i32
    %dma_start3A_803 = tpu.memref_slice %arg4[%dma_start3A, %dma_start3A_802] : memref<16x256xf32, #tpu.memory_space<hbm>> -> memref<16x256xf32, #tpu.memory_space<hbm>>
    tpu.enqueue_indirect_dma source(%dma_start3A_803 : memref<16x256xf32, #tpu.memory_space<hbm>>) target(%arg9 : memref<16x256xf32, #tpu.memory_space<vmem>>) offsets(%select_n3A_801 : vector<16xi32>) semaphore(%arg12 : memref<!tpu.dma_semaphore, #tpu.memory_space<semaphore_mem>>)
    %dma_wait3A = arith.constant 0 : i32
    %dma_wait3A_804 = arith.constant 0 : i32
    %dma_wait3A_805 = tpu.memref_slice %arg4[%dma_wait3A, %dma_wait3A_804] : memref<16x256xf32, #tpu.memory_space<hbm>> -> memref<16x256xf32, #tpu.memory_space<hbm>>
    tpu.wait_indirect_dma semaphore(%arg12 : memref<!tpu.dma_semaphore, #tpu.memory_space<semaphore_mem>>) src(%dma_wait3A_805 : memref<16x256xf32, #tpu.memory_space<hbm>>) dst(%arg9 : memref<16x256xf32, #tpu.memory_space<vmem>>)
    %iota3A_806 = tpu.iota {dimensions = array<i32: 0>} : vector<16xi32>
    %get3A_807 = arith.constant 0 : i32
    %get3A_808 = arith.index_cast %get3A_807 : i32 to index
    %get3A_809 = arith.constant 128 : index
    %get3A_810 = tpu.vector_load %arg7[%get3A_808, %get3A_809] {strides = array<i32>} : memref<2x384xf32, #tpu.memory_space<vmem>>, vector<16xf32>,
    %get3A_811 = arith.constant 0 : i32
    %get3A_812 = arith.index_cast %get3A_811 : i32 to index
    %get3A_813 = arith.constant 128 : index
    %get3A_814 = tpu.vector_load %arg8[%get3A_812, %get3A_813] {strides = array<i32>} : memref<2x384xf32, #tpu.memory_space<vmem>>, vector<16xf32>,
    %get3A_815 = arith.constant 0 : i32
    %get3A_816 = arith.index_cast %get3A_815 : i32 to index
    %get3A_817 = arith.constant 0 : index
    %get3A_818 = tpu.vector_load %arg9[%get3A_816, %get3A_817] {strides = array<i32>} : memref<16x256xf32, #tpu.memory_space<vmem>>, vector<16xf32>,
    %add3A_819 = arith.addf %get3A_810, %get3A_818 : vector<16xf32>
    %add3A_820 = arith.addf %get3A_814, %get3A_818 : vector<16xf32>
    %get3A_821 = arith.constant 0 : i32
    %get3A_822 = arith.index_cast %get3A_821 : i32 to index
    %get3A_823 = arith.constant 144 : index
    %get3A_824 = tpu.vector_load %arg7[%get3A_822, %get3A_823] {strides = array<i32>} : memref<2x384xf32, #tpu.memory_space<vmem>>, vector<16xf32>,
    %get3A_825 = arith.constant 0 : i32
    %get3A_826 = arith.index_cast %get3A_825 : i32 to index
    %get3A_827 = arith.constant 144 : index
    %get3A_828 = tpu.vector_load %arg8[%get3A_826, %get3A_827] {strides = array<i32>} : memref<2x384xf32, #tpu.memory_space<vmem>>, vector<16xf32>,
    %get3A_829 = arith.constant 0 : i32
    %get3A_830 = arith.index_cast %get3A_829 : i32 to index
    %get3A_831 = arith.constant 16 : index
    %get3A_832 = tpu.vector_load %arg9[%get3A_830, %get3A_831] {strides = array<i32>} : memref<16x256xf32, #tpu.memory_space<vmem>>, vector<16xf32>,
    %add3A_833 = arith.addf %get3A_824, %get3A_832 : vector<16xf32>
    %add3A_834 = arith.addf %get3A_828, %get3A_832 : vector<16xf32>
    %get3A_835 = arith.constant 0 : i32
    %get3A_836 = arith.index_cast %get3A_835 : i32 to index
    %get3A_837 = arith.constant 160 : index
    %get3A_838 = tpu.vector_load %arg7[%get3A_836, %get3A_837] {strides = array<i32>} : memref<2x384xf32, #tpu.memory_space<vmem>>, vector<16xf32>,
    %get3A_839 = arith.constant 0 : i32
    %get3A_840 = arith.index_cast %get3A_839 : i32 to index
    %get3A_841 = arith.constant 160 : index
    %get3A_842 = tpu.vector_load %arg8[%get3A_840, %get3A_841] {strides = array<i32>} : memref<2x384xf32, #tpu.memory_space<vmem>>, vector<16xf32>,
    %get3A_843 = arith.constant 0 : i32
    %get3A_844 = arith.index_cast %get3A_843 : i32 to index
    %get3A_845 = arith.constant 32 : index
    %get3A_846 = tpu.vector_load %arg9[%get3A_844, %get3A_845] {strides = array<i32>} : memref<16x256xf32, #tpu.memory_space<vmem>>, vector<16xf32>,
    %add3A_847 = arith.addf %get3A_838, %get3A_846 : vector<16xf32>
    %add3A_848 = arith.addf %get3A_842, %get3A_846 : vector<16xf32>
    %get3A_849 = arith.constant 0 : i32
    %get3A_850 = arith.index_cast %get3A_849 : i32 to index
    %get3A_851 = arith.constant 176 : index
    %get3A_852 = tpu.vector_load %arg7[%get3A_850, %get3A_851] {strides = array<i32>} : memref<2x384xf32, #tpu.memory_space<vmem>>, vector<16xf32>,
    %get3A_853 = arith.constant 0 : i32
    %get3A_854 = arith.index_cast %get3A_853 : i32 to index
    %get3A_855 = arith.constant 176 : index
    %get3A_856 = tpu.vector_load %arg8[%get3A_854, %get3A_855] {strides = array<i32>} : memref<2x384xf32, #tpu.memory_space<vmem>>, vector<16xf32>,
    %get3A_857 = arith.constant 0 : i32
    %get3A_858 = arith.index_cast %get3A_857 : i32 to index
    %get3A_859 = arith.constant 48 : index
    %get3A_860 = tpu.vector_load %arg9[%get3A_858, %get3A_859] {strides = array<i32>} : memref<16x256xf32, #tpu.memory_space<vmem>>, vector<16xf32>,
    %add3A_861 = arith.addf %get3A_852, %get3A_860 : vector<16xf32>
    %add3A_862 = arith.addf %get3A_856, %get3A_860 : vector<16xf32>
    %get3A_863 = arith.constant 0 : i32
    %get3A_864 = arith.index_cast %get3A_863 : i32 to index
    %get3A_865 = arith.constant 192 : index
    %get3A_866 = tpu.vector_load %arg7[%get3A_864, %get3A_865] {strides = array<i32>} : memref<2x384xf32, #tpu.memory_space<vmem>>, vector<16xf32>,
    %get3A_867 = arith.constant 0 : i32
    %get3A_868 = arith.index_cast %get3A_867 : i32 to index
    %get3A_869 = arith.constant 192 : index
    %get3A_870 = tpu.vector_load %arg8[%get3A_868, %get3A_869] {strides = array<i32>} : memref<2x384xf32, #tpu.memory_space<vmem>>, vector<16xf32>,
    %get3A_871 = arith.constant 0 : i32
    %get3A_872 = arith.index_cast %get3A_871 : i32 to index
    %get3A_873 = arith.constant 64 : index
    %get3A_874 = tpu.vector_load %arg9[%get3A_872, %get3A_873] {strides = array<i32>} : memref<16x256xf32, #tpu.memory_space<vmem>>, vector<16xf32>,
    %add3A_875 = arith.addf %get3A_866, %get3A_874 : vector<16xf32>
    %add3A_876 = arith.addf %get3A_870, %get3A_874 : vector<16xf32>
    %get3A_877 = arith.constant 0 : i32
    %get3A_878 = arith.index_cast %get3A_877 : i32 to index
    %get3A_879 = arith.constant 208 : index
    %get3A_880 = tpu.vector_load %arg7[%get3A_878, %get3A_879] {strides = array<i32>} : memref<2x384xf32, #tpu.memory_space<vmem>>, vector<16xf32>,
    %get3A_881 = arith.constant 0 : i32
    %get3A_882 = arith.index_cast %get3A_881 : i32 to index
    %get3A_883 = arith.constant 208 : index
    %get3A_884 = tpu.vector_load %arg8[%get3A_882, %get3A_883] {strides = array<i32>} : memref<2x384xf32, #tpu.memory_space<vmem>>, vector<16xf32>,
    %get3A_885 = arith.constant 0 : i32
    %get3A_886 = arith.index_cast %get3A_885 : i32 to index
    %get3A_887 = arith.constant 80 : index
    %get3A_888 = tpu.vector_load %arg9[%get3A_886, %get3A_887] {strides = array<i32>} : memref<16x256xf32, #tpu.memory_space<vmem>>, vector<16xf32>,
    %add3A_889 = arith.addf %get3A_880, %get3A_888 : vector<16xf32>
    %add3A_890 = arith.addf %get3A_884, %get3A_888 : vector<16xf32>
    %get3A_891 = arith.constant 0 : i32
    %get3A_892 = arith.index_cast %get3A_891 : i32 to index
    %get3A_893 = arith.constant 224 : index
    %get3A_894 = tpu.vector_load %arg7[%get3A_892, %get3A_893] {strides = array<i32>} : memref<2x384xf32, #tpu.memory_space<vmem>>, vector<16xf32>,
    %get3A_895 = arith.constant 0 : i32
    %get3A_896 = arith.index_cast %get3A_895 : i32 to index
    %get3A_897 = arith.constant 224 : index
    %get3A_898 = tpu.vector_load %arg8[%get3A_896, %get3A_897] {strides = array<i32>} : memref<2x384xf32, #tpu.memory_space<vmem>>, vector<16xf32>,
    %get3A_899 = arith.constant 0 : i32
    %get3A_900 = arith.index_cast %get3A_899 : i32 to index
    %get3A_901 = arith.constant 96 : index
    %get3A_902 = tpu.vector_load %arg9[%get3A_900, %get3A_901] {strides = array<i32>} : memref<16x256xf32, #tpu.memory_space<vmem>>, vector<16xf32>,
    %add3A_903 = arith.addf %get3A_894, %get3A_902 : vector<16xf32>
    %add3A_904 = arith.addf %get3A_898, %get3A_902 : vector<16xf32>
    %get3A_905 = arith.constant 0 : i32
    %get3A_906 = arith.index_cast %get3A_905 : i32 to index
    %get3A_907 = arith.constant 240 : index
    %get3A_908 = tpu.vector_load %arg7[%get3A_906, %get3A_907] {strides = array<i32>} : memref<2x384xf32, #tpu.memory_space<vmem>>, vector<16xf32>,
    %get3A_909 = arith.constant 0 : i32
    %get3A_910 = arith.index_cast %get3A_909 : i32 to index
    %get3A_911 = arith.constant 240 : index
    %get3A_912 = tpu.vector_load %arg8[%get3A_910, %get3A_911] {strides = array<i32>} : memref<2x384xf32, #tpu.memory_space<vmem>>, vector<16xf32>,
    %get3A_913 = arith.constant 0 : i32
    %get3A_914 = arith.index_cast %get3A_913 : i32 to index
    %get3A_915 = arith.constant 112 : index
    %get3A_916 = tpu.vector_load %arg9[%get3A_914, %get3A_915] {strides = array<i32>} : memref<16x256xf32, #tpu.memory_space<vmem>>, vector<16xf32>,
    %add3A_917 = arith.addf %get3A_908, %get3A_916 : vector<16xf32>
    %add3A_918 = arith.addf %get3A_912, %get3A_916 : vector<16xf32>
    %max3A_919 = arith.maximumf %add3A_820, %add3A_834 : vector<16xf32>
    %max3A_920 = arith.maximumf %add3A_819, %add3A_833 : vector<16xf32>
    %max3A_921 = arith.maximumf %max3A_919, %add3A_848 : vector<16xf32>
    %max3A_922 = arith.maximumf %max3A_920, %add3A_847 : vector<16xf32>
    %max3A_923 = arith.maximumf %max3A_921, %add3A_862 : vector<16xf32>
    %max3A_924 = arith.maximumf %max3A_922, %add3A_861 : vector<16xf32>
    %max3A_925 = arith.maximumf %max3A_923, %add3A_876 : vector<16xf32>
    %max3A_926 = arith.maximumf %max3A_924, %add3A_875 : vector<16xf32>
    %max3A_927 = arith.maximumf %max3A_925, %add3A_890 : vector<16xf32>
    %max3A_928 = arith.maximumf %max3A_926, %add3A_889 : vector<16xf32>
    %max3A_929 = arith.maximumf %max3A_927, %add3A_904 : vector<16xf32>
    %max3A_930 = arith.maximumf %max3A_928, %add3A_903 : vector<16xf32>
    %max3A_931 = arith.maximumf %max3A_929, %add3A_918 : vector<16xf32>
    %max3A_932 = arith.maximumf %max3A_930, %add3A_917 : vector<16xf32>
    %reduce_max3A_933 = arith.constant true
    %reduce_max3A_934 = vector.broadcast %reduce_max3A_933 : i1 to vector<16xi1>
    %reduce_max3A_935 = tpu.scan <max>, %max3A_931 masked %reduce_max3A_934 : vector<16xf32>, vector<16xi1> -> vector<16xf32>
    %reduce_max3A_936 = vector.extract %reduce_max3A_935[15] : f32 from vector<16xf32>
    %reduce_max3A_937 = arith.constant true
    %reduce_max3A_938 = vector.broadcast %reduce_max3A_937 : i1 to vector<16xi1>
    %reduce_max3A_939 = tpu.scan <max>, %max3A_932 masked %reduce_max3A_938 : vector<16xf32>, vector<16xi1> -> vector<16xf32>
    %reduce_max3A_940 = vector.extract %reduce_max3A_939[15] : f32 from vector<16xf32>
    %broadcast_in_dim3A_941 = arith.constant 1048576 : i32
    %broadcast_in_dim3A_942 = vector.broadcast %broadcast_in_dim3A_941 : i32 to vector<16xi32>
    %broadcast_in_dim3A_943 = arith.constant 0.000000e+00 : f32
    %broadcast_in_dim3A_944 = vector.broadcast %broadcast_in_dim3A_943 : f32 to vector<16xf32>
    %broadcast_in_dim3A_945 = arith.constant 0.000000e+00 : f32
    %broadcast_in_dim3A_946 = vector.broadcast %broadcast_in_dim3A_945 : f32 to vector<16xf32>
    %add3A_947 = arith.constant 0 : i32
    %add3A_948 = vector.broadcast %add3A_947 : i32 to vector<16xi32>
    %add3A_949 = arith.addi %iota3A_806, %add3A_948 : vector<16xi32>
    %ge3A_950 = vector.broadcast %reduce_max3A_936 : f32 to vector<16xf32>
    %ge3A_951 = arith.cmpf oge, %add3A_820, %ge3A_950 : vector<16xf32>
    %jit3A_952 = arith.constant 1048576 : i32
    %broadcast_in_dim3A_953 = vector.broadcast %jit3A_952 : i32 to vector<16xi32>
    %select_n3A_954 = arith.select %ge3A_951, %add3A_949, %broadcast_in_dim3A_953 : vector<16xi1>, vector<16xi32>
    %min3A_955 = arith.minsi %broadcast_in_dim3A_942, %select_n3A_954 : vector<16xi32>
    %sub3A_956 = vector.broadcast %reduce_max3A_940 : f32 to vector<16xf32>
    %sub3A_957 = arith.subf %add3A_819, %sub3A_956 : vector<16xf32>
    %exp3A_958 = math.exp %sub3A_957 : vector<16xf32>
    %add3A_959 = arith.addf %broadcast_in_dim3A_944, %exp3A_958 : vector<16xf32>
    %mul3A_960 = arith.mulf %exp3A_958, %sub3A_957 : vector<16xf32>
    %add3A_961 = arith.addf %broadcast_in_dim3A_946, %mul3A_960 : vector<16xf32>
    %add3A_962 = arith.constant 16 : i32
    %add3A_963 = vector.broadcast %add3A_962 : i32 to vector<16xi32>
    %add3A_964 = arith.addi %iota3A_806, %add3A_963 : vector<16xi32>
    %ge3A_965 = vector.broadcast %reduce_max3A_936 : f32 to vector<16xf32>
    %ge3A_966 = arith.cmpf oge, %add3A_834, %ge3A_965 : vector<16xf32>
    %jit3A_967 = arith.constant 1048576 : i32
    %broadcast_in_dim3A_968 = vector.broadcast %jit3A_967 : i32 to vector<16xi32>
    %select_n3A_969 = arith.select %ge3A_966, %add3A_964, %broadcast_in_dim3A_968 : vector<16xi1>, vector<16xi32>
    %min3A_970 = arith.minsi %min3A_955, %select_n3A_969 : vector<16xi32>
    %sub3A_971 = vector.broadcast %reduce_max3A_940 : f32 to vector<16xf32>
    %sub3A_972 = arith.subf %add3A_833, %sub3A_971 : vector<16xf32>
    %exp3A_973 = math.exp %sub3A_972 : vector<16xf32>
    %add3A_974 = arith.addf %add3A_959, %exp3A_973 : vector<16xf32>
    %mul3A_975 = arith.mulf %exp3A_973, %sub3A_972 : vector<16xf32>
    %add3A_976 = arith.addf %add3A_961, %mul3A_975 : vector<16xf32>
    %add3A_977 = arith.constant 32 : i32
    %add3A_978 = vector.broadcast %add3A_977 : i32 to vector<16xi32>
    %add3A_979 = arith.addi %iota3A_806, %add3A_978 : vector<16xi32>
    %ge3A_980 = vector.broadcast %reduce_max3A_936 : f32 to vector<16xf32>
    %ge3A_981 = arith.cmpf oge, %add3A_848, %ge3A_980 : vector<16xf32>
    %jit3A_982 = arith.constant 1048576 : i32
    %broadcast_in_dim3A_983 = vector.broadcast %jit3A_982 : i32 to vector<16xi32>
    %select_n3A_984 = arith.select %ge3A_981, %add3A_979, %broadcast_in_dim3A_983 : vector<16xi1>, vector<16xi32>
    %min3A_985 = arith.minsi %min3A_970, %select_n3A_984 : vector<16xi32>
    %sub3A_986 = vector.broadcast %reduce_max3A_940 : f32 to vector<16xf32>
    %sub3A_987 = arith.subf %add3A_847, %sub3A_986 : vector<16xf32>
    %exp3A_988 = math.exp %sub3A_987 : vector<16xf32>
    %add3A_989 = arith.addf %add3A_974, %exp3A_988 : vector<16xf32>
    %mul3A_990 = arith.mulf %exp3A_988, %sub3A_987 : vector<16xf32>
    %add3A_991 = arith.addf %add3A_976, %mul3A_990 : vector<16xf32>
    %add3A_992 = arith.constant 48 : i32
    %add3A_993 = vector.broadcast %add3A_992 : i32 to vector<16xi32>
    %add3A_994 = arith.addi %iota3A_806, %add3A_993 : vector<16xi32>
    %ge3A_995 = vector.broadcast %reduce_max3A_936 : f32 to vector<16xf32>
    %ge3A_996 = arith.cmpf oge, %add3A_862, %ge3A_995 : vector<16xf32>
    %jit3A_997 = arith.constant 1048576 : i32
    %broadcast_in_dim3A_998 = vector.broadcast %jit3A_997 : i32 to vector<16xi32>
    %select_n3A_999 = arith.select %ge3A_996, %add3A_994, %broadcast_in_dim3A_998 : vector<16xi1>, vector<16xi32>
    %min3A_1000 = arith.minsi %min3A_985, %select_n3A_999 : vector<16xi32>
    %sub3A_1001 = vector.broadcast %reduce_max3A_940 : f32 to vector<16xf32>
    %sub3A_1002 = arith.subf %add3A_861, %sub3A_1001 : vector<16xf32>
    %exp3A_1003 = math.exp %sub3A_1002 : vector<16xf32>
    %add3A_1004 = arith.addf %add3A_989, %exp3A_1003 : vector<16xf32>
    %mul3A_1005 = arith.mulf %exp3A_1003, %sub3A_1002 : vector<16xf32>
    %add3A_1006 = arith.addf %add3A_991, %mul3A_1005 : vector<16xf32>
    %add3A_1007 = arith.constant 64 : i32
    %add3A_1008 = vector.broadcast %add3A_1007 : i32 to vector<16xi32>
    %add3A_1009 = arith.addi %iota3A_806, %add3A_1008 : vector<16xi32>
    %ge3A_1010 = vector.broadcast %reduce_max3A_936 : f32 to vector<16xf32>
    %ge3A_1011 = arith.cmpf oge, %add3A_876, %ge3A_1010 : vector<16xf32>
    %jit3A_1012 = arith.constant 1048576 : i32
    %broadcast_in_dim3A_1013 = vector.broadcast %jit3A_1012 : i32 to vector<16xi32>
    %select_n3A_1014 = arith.select %ge3A_1011, %add3A_1009, %broadcast_in_dim3A_1013 : vector<16xi1>, vector<16xi32>
    %min3A_1015 = arith.minsi %min3A_1000, %select_n3A_1014 : vector<16xi32>
    %sub3A_1016 = vector.broadcast %reduce_max3A_940 : f32 to vector<16xf32>
    %sub3A_1017 = arith.subf %add3A_875, %sub3A_1016 : vector<16xf32>
    %exp3A_1018 = math.exp %sub3A_1017 : vector<16xf32>
    %add3A_1019 = arith.addf %add3A_1004, %exp3A_1018 : vector<16xf32>
    %mul3A_1020 = arith.mulf %exp3A_1018, %sub3A_1017 : vector<16xf32>
    %add3A_1021 = arith.addf %add3A_1006, %mul3A_1020 : vector<16xf32>
    %add3A_1022 = arith.constant 80 : i32
    %add3A_1023 = vector.broadcast %add3A_1022 : i32 to vector<16xi32>
    %add3A_1024 = arith.addi %iota3A_806, %add3A_1023 : vector<16xi32>
    %ge3A_1025 = vector.broadcast %reduce_max3A_936 : f32 to vector<16xf32>
    %ge3A_1026 = arith.cmpf oge, %add3A_890, %ge3A_1025 : vector<16xf32>
    %jit3A_1027 = arith.constant 1048576 : i32
    %broadcast_in_dim3A_1028 = vector.broadcast %jit3A_1027 : i32 to vector<16xi32>
    %select_n3A_1029 = arith.select %ge3A_1026, %add3A_1024, %broadcast_in_dim3A_1028 : vector<16xi1>, vector<16xi32>
    %min3A_1030 = arith.minsi %min3A_1015, %select_n3A_1029 : vector<16xi32>
    %sub3A_1031 = vector.broadcast %reduce_max3A_940 : f32 to vector<16xf32>
    %sub3A_1032 = arith.subf %add3A_889, %sub3A_1031 : vector<16xf32>
    %exp3A_1033 = math.exp %sub3A_1032 : vector<16xf32>
    %add3A_1034 = arith.addf %add3A_1019, %exp3A_1033 : vector<16xf32>
    %mul3A_1035 = arith.mulf %exp3A_1033, %sub3A_1032 : vector<16xf32>
    %add3A_1036 = arith.addf %add3A_1021, %mul3A_1035 : vector<16xf32>
    %add3A_1037 = arith.constant 96 : i32
    %add3A_1038 = vector.broadcast %add3A_1037 : i32 to vector<16xi32>
    %add3A_1039 = arith.addi %iota3A_806, %add3A_1038 : vector<16xi32>
    %ge3A_1040 = vector.broadcast %reduce_max3A_936 : f32 to vector<16xf32>
    %ge3A_1041 = arith.cmpf oge, %add3A_904, %ge3A_1040 : vector<16xf32>
    %jit3A_1042 = arith.constant 1048576 : i32
    %broadcast_in_dim3A_1043 = vector.broadcast %jit3A_1042 : i32 to vector<16xi32>
    %select_n3A_1044 = arith.select %ge3A_1041, %add3A_1039, %broadcast_in_dim3A_1043 : vector<16xi1>, vector<16xi32>
    %min3A_1045 = arith.minsi %min3A_1030, %select_n3A_1044 : vector<16xi32>
    %sub3A_1046 = vector.broadcast %reduce_max3A_940 : f32 to vector<16xf32>
    %sub3A_1047 = arith.subf %add3A_903, %sub3A_1046 : vector<16xf32>
    %exp3A_1048 = math.exp %sub3A_1047 : vector<16xf32>
    %add3A_1049 = arith.addf %add3A_1034, %exp3A_1048 : vector<16xf32>
    %mul3A_1050 = arith.mulf %exp3A_1048, %sub3A_1047 : vector<16xf32>
    %add3A_1051 = arith.addf %add3A_1036, %mul3A_1050 : vector<16xf32>
    %add3A_1052 = arith.constant 112 : i32
    %add3A_1053 = vector.broadcast %add3A_1052 : i32 to vector<16xi32>
    %add3A_1054 = arith.addi %iota3A_806, %add3A_1053 : vector<16xi32>
    %ge3A_1055 = vector.broadcast %reduce_max3A_936 : f32 to vector<16xf32>
    %ge3A_1056 = arith.cmpf oge, %add3A_918, %ge3A_1055 : vector<16xf32>
    %jit3A_1057 = arith.constant 1048576 : i32
    %broadcast_in_dim3A_1058 = vector.broadcast %jit3A_1057 : i32 to vector<16xi32>
    %select_n3A_1059 = arith.select %ge3A_1056, %add3A_1054, %broadcast_in_dim3A_1058 : vector<16xi1>, vector<16xi32>
    %min3A_1060 = arith.minsi %min3A_1045, %select_n3A_1059 : vector<16xi32>
    %sub3A_1061 = vector.broadcast %reduce_max3A_940 : f32 to vector<16xf32>
    %sub3A_1062 = arith.subf %add3A_917, %sub3A_1061 : vector<16xf32>
    %exp3A_1063 = math.exp %sub3A_1062 : vector<16xf32>
    %add3A_1064 = arith.addf %add3A_1049, %exp3A_1063 : vector<16xf32>
    %mul3A_1065 = arith.mulf %exp3A_1063, %sub3A_1062 : vector<16xf32>
    %add3A_1066 = arith.addf %add3A_1051, %mul3A_1065 : vector<16xf32>
    %reduce_min3A_1067 = arith.constant true
    %reduce_min3A_1068 = vector.broadcast %reduce_min3A_1067 : i1 to vector<16xi1>
    %reduce_min3A_1069 = arith.constant -2147483648 : i32
    %reduce_min3A_1070 = vector.broadcast %reduce_min3A_1069 : i32 to vector<16xi32>
    %reduce_min3A_1071 = arith.xori %min3A_1060, %reduce_min3A_1070 : vector<16xi32>
    %reduce_min3A_1072 = tpu.scan <min>, %reduce_min3A_1071 masked %reduce_min3A_1068 : vector<16xi32>, vector<16xi1> -> vector<16xi32>
    %reduce_min3A_1073 = arith.xori %reduce_min3A_1072, %reduce_min3A_1070 : vector<16xi32>
    %reduce_min3A_1074 = vector.extract %reduce_min3A_1073[15] : i32 from vector<16xi32>
    %broadcast_in_dim3A_1075 = arith.constant 0.000000e+00 : f32
    %broadcast_in_dim3A_1076 = vector.broadcast %broadcast_in_dim3A_1075 : f32 to vector<16xf32>
    %add3A_1077 = arith.constant 0 : i32
    %add3A_1078 = vector.broadcast %add3A_1077 : i32 to vector<16xi32>
    %add3A_1079 = arith.addi %iota3A_806, %add3A_1078 : vector<16xi32>
    %eq3A_1080 = vector.broadcast %reduce_min3A_1074 : i32 to vector<16xi32>
    %eq3A_1081 = arith.cmpi eq, %add3A_1079, %eq3A_1080 : vector<16xi32>
    %sub3A_1082 = vector.broadcast %reduce_max3A_940 : f32 to vector<16xf32>
    %sub3A_1083 = arith.subf %add3A_819, %sub3A_1082 : vector<16xf32>
    %jit3A_1084 = arith.constant 0.000000e+00 : f32
    %broadcast_in_dim3A_1085 = vector.broadcast %jit3A_1084 : f32 to vector<16xf32>
    %select_n3A_1086 = arith.select %eq3A_1081, %sub3A_1083, %broadcast_in_dim3A_1085 : vector<16xi1>, vector<16xf32>
    %add3A_1087 = arith.addf %broadcast_in_dim3A_1076, %select_n3A_1086 : vector<16xf32>
    %add3A_1088 = arith.constant 16 : i32
    %add3A_1089 = vector.broadcast %add3A_1088 : i32 to vector<16xi32>
    %add3A_1090 = arith.addi %iota3A_806, %add3A_1089 : vector<16xi32>
    %eq3A_1091 = vector.broadcast %reduce_min3A_1074 : i32 to vector<16xi32>
    %eq3A_1092 = arith.cmpi eq, %add3A_1090, %eq3A_1091 : vector<16xi32>
    %sub3A_1093 = vector.broadcast %reduce_max3A_940 : f32 to vector<16xf32>
    %sub3A_1094 = arith.subf %add3A_833, %sub3A_1093 : vector<16xf32>
    %jit3A_1095 = arith.constant 0.000000e+00 : f32
    %broadcast_in_dim3A_1096 = vector.broadcast %jit3A_1095 : f32 to vector<16xf32>
    %select_n3A_1097 = arith.select %eq3A_1092, %sub3A_1094, %broadcast_in_dim3A_1096 : vector<16xi1>, vector<16xf32>
    %add3A_1098 = arith.addf %add3A_1087, %select_n3A_1097 : vector<16xf32>
    %add3A_1099 = arith.constant 32 : i32
    %add3A_1100 = vector.broadcast %add3A_1099 : i32 to vector<16xi32>
    %add3A_1101 = arith.addi %iota3A_806, %add3A_1100 : vector<16xi32>
    %eq3A_1102 = vector.broadcast %reduce_min3A_1074 : i32 to vector<16xi32>
    %eq3A_1103 = arith.cmpi eq, %add3A_1101, %eq3A_1102 : vector<16xi32>
    %sub3A_1104 = vector.broadcast %reduce_max3A_940 : f32 to vector<16xf32>
    %sub3A_1105 = arith.subf %add3A_847, %sub3A_1104 : vector<16xf32>
    %jit3A_1106 = arith.constant 0.000000e+00 : f32
    %broadcast_in_dim3A_1107 = vector.broadcast %jit3A_1106 : f32 to vector<16xf32>
    %select_n3A_1108 = arith.select %eq3A_1103, %sub3A_1105, %broadcast_in_dim3A_1107 : vector<16xi1>, vector<16xf32>
    %add3A_1109 = arith.addf %add3A_1098, %select_n3A_1108 : vector<16xf32>
    %add3A_1110 = arith.constant 48 : i32
    %add3A_1111 = vector.broadcast %add3A_1110 : i32 to vector<16xi32>
    %add3A_1112 = arith.addi %iota3A_806, %add3A_1111 : vector<16xi32>
    %eq3A_1113 = vector.broadcast %reduce_min3A_1074 : i32 to vector<16xi32>
    %eq3A_1114 = arith.cmpi eq, %add3A_1112, %eq3A_1113 : vector<16xi32>
    %sub3A_1115 = vector.broadcast %reduce_max3A_940 : f32 to vector<16xf32>
    %sub3A_1116 = arith.subf %add3A_861, %sub3A_1115 : vector<16xf32>
    %jit3A_1117 = arith.constant 0.000000e+00 : f32
    %broadcast_in_dim3A_1118 = vector.broadcast %jit3A_1117 : f32 to vector<16xf32>
    %select_n3A_1119 = arith.select %eq3A_1114, %sub3A_1116, %broadcast_in_dim3A_1118 : vector<16xi1>, vector<16xf32>
    %add3A_1120 = arith.addf %add3A_1109, %select_n3A_1119 : vector<16xf32>
    %add3A_1121 = arith.constant 64 : i32
    %add3A_1122 = vector.broadcast %add3A_1121 : i32 to vector<16xi32>
    %add3A_1123 = arith.addi %iota3A_806, %add3A_1122 : vector<16xi32>
    %eq3A_1124 = vector.broadcast %reduce_min3A_1074 : i32 to vector<16xi32>
    %eq3A_1125 = arith.cmpi eq, %add3A_1123, %eq3A_1124 : vector<16xi32>
    %sub3A_1126 = vector.broadcast %reduce_max3A_940 : f32 to vector<16xf32>
    %sub3A_1127 = arith.subf %add3A_875, %sub3A_1126 : vector<16xf32>
    %jit3A_1128 = arith.constant 0.000000e+00 : f32
    %broadcast_in_dim3A_1129 = vector.broadcast %jit3A_1128 : f32 to vector<16xf32>
    %select_n3A_1130 = arith.select %eq3A_1125, %sub3A_1127, %broadcast_in_dim3A_1129 : vector<16xi1>, vector<16xf32>
    %add3A_1131 = arith.addf %add3A_1120, %select_n3A_1130 : vector<16xf32>
    %add3A_1132 = arith.constant 80 : i32
    %add3A_1133 = vector.broadcast %add3A_1132 : i32 to vector<16xi32>
    %add3A_1134 = arith.addi %iota3A_806, %add3A_1133 : vector<16xi32>
    %eq3A_1135 = vector.broadcast %reduce_min3A_1074 : i32 to vector<16xi32>
    %eq3A_1136 = arith.cmpi eq, %add3A_1134, %eq3A_1135 : vector<16xi32>
    %sub3A_1137 = vector.broadcast %reduce_max3A_940 : f32 to vector<16xf32>
    %sub3A_1138 = arith.subf %add3A_889, %sub3A_1137 : vector<16xf32>
    %jit3A_1139 = arith.constant 0.000000e+00 : f32
    %broadcast_in_dim3A_1140 = vector.broadcast %jit3A_1139 : f32 to vector<16xf32>
    %select_n3A_1141 = arith.select %eq3A_1136, %sub3A_1138, %broadcast_in_dim3A_1140 : vector<16xi1>, vector<16xf32>
    %add3A_1142 = arith.addf %add3A_1131, %select_n3A_1141 : vector<16xf32>
    %add3A_1143 = arith.constant 96 : i32
    %add3A_1144 = vector.broadcast %add3A_1143 : i32 to vector<16xi32>
    %add3A_1145 = arith.addi %iota3A_806, %add3A_1144 : vector<16xi32>
    %eq3A_1146 = vector.broadcast %reduce_min3A_1074 : i32 to vector<16xi32>
    %eq3A_1147 = arith.cmpi eq, %add3A_1145, %eq3A_1146 : vector<16xi32>
    %sub3A_1148 = vector.broadcast %reduce_max3A_940 : f32 to vector<16xf32>
    %sub3A_1149 = arith.subf %add3A_903, %sub3A_1148 : vector<16xf32>
    %jit3A_1150 = arith.constant 0.000000e+00 : f32
    %broadcast_in_dim3A_1151 = vector.broadcast %jit3A_1150 : f32 to vector<16xf32>
    %select_n3A_1152 = arith.select %eq3A_1147, %sub3A_1149, %broadcast_in_dim3A_1151 : vector<16xi1>, vector<16xf32>
    %add3A_1153 = arith.addf %add3A_1142, %select_n3A_1152 : vector<16xf32>
    %add3A_1154 = arith.constant 112 : i32
    %add3A_1155 = vector.broadcast %add3A_1154 : i32 to vector<16xi32>
    %add3A_1156 = arith.addi %iota3A_806, %add3A_1155 : vector<16xi32>
    %eq3A_1157 = vector.broadcast %reduce_min3A_1074 : i32 to vector<16xi32>
    %eq3A_1158 = arith.cmpi eq, %add3A_1156, %eq3A_1157 : vector<16xi32>
    %sub3A_1159 = vector.broadcast %reduce_max3A_940 : f32 to vector<16xf32>
    %sub3A_1160 = arith.subf %add3A_917, %sub3A_1159 : vector<16xf32>
    %jit3A_1161 = arith.constant 0.000000e+00 : f32
    %broadcast_in_dim3A_1162 = vector.broadcast %jit3A_1161 : f32 to vector<16xf32>
    %select_n3A_1163 = arith.select %eq3A_1158, %sub3A_1160, %broadcast_in_dim3A_1162 : vector<16xi1>, vector<16xf32>
    %add3A_1164 = arith.addf %add3A_1153, %select_n3A_1163 : vector<16xf32>
    %reduce_sum3A_1165 = arith.constant true
    %reduce_sum3A_1166 = vector.broadcast %reduce_sum3A_1165 : i1 to vector<16xi1>
    %reduce_sum3A_1167 = tpu.scan <sum>, %add3A_1064 masked %reduce_sum3A_1166 : vector<16xf32>, vector<16xi1> -> vector<16xf32>
    %reduce_sum3A_1168 = vector.extract %reduce_sum3A_1167[15] : f32 from vector<16xf32>
    %bitcast_convert_type3A_1169 = arith.bitcast %reduce_sum3A_1168 : f32 to i32
    %shift_right_logical3A_1170 = arith.constant 23 : i32
    %shift_right_logical3A_1171 = arith.shrui %bitcast_convert_type3A_1169, %shift_right_logical3A_1170 : i32
    %sub3A_1172 = arith.constant 127 : i32
    %sub3A_1173 = arith.subi %shift_right_logical3A_1171, %sub3A_1172 : i32
    %and3A_1174 = arith.constant 8388607 : i32
    %and3A_1175 = arith.andi %bitcast_convert_type3A_1169, %and3A_1174 : i32
    %or3A_1176 = arith.constant 1065353216 : i32
    %or3A_1177 = arith.ori %and3A_1175, %or3A_1176 : i32
    %bitcast_convert_type3A_1178 = arith.bitcast %or3A_1177 : i32 to f32
    %gt3A_1179 = arith.constant 1.41421354 : f32
    %gt3A_1180 = arith.cmpf ogt, %bitcast_convert_type3A_1178, %gt3A_1179 : f32
    %mul3A_1181 = arith.constant 5.000000e-01 : f32
    %mul3A_1182 = arith.mulf %bitcast_convert_type3A_1178, %mul3A_1181 : f32
    %select_n3A_1183 = arith.select %gt3A_1180, %mul3A_1182, %bitcast_convert_type3A_1178 : f32
    %add3A_1184 = arith.constant 1 : i32
    %add3A_1185 = arith.addi %sub3A_1173, %add3A_1184 : i32
    %select_n3A_1186 = arith.select %gt3A_1180, %add3A_1185, %sub3A_1173 : i32
    %sub3A_1187 = arith.constant 1.000000e+00 : f32
    %sub3A_1188 = arith.subf %select_n3A_1183, %sub3A_1187 : f32
    %add3A_1189 = arith.constant 1.000000e+00 : f32
    %add3A_1190 = arith.addf %select_n3A_1183, %add3A_1189 : f32
    %bitcast_convert_type3A_1191 = arith.bitcast %add3A_1190 : f32 to i32
    %sub3A_1192 = arith.constant 2129859011 : i32
    %sub3A_1193 = arith.subi %sub3A_1192, %bitcast_convert_type3A_1191 : i32
    %bitcast_convert_type3A_1194 = arith.bitcast %sub3A_1193 : i32 to f32
    %mul3A_1195 = arith.mulf %add3A_1190, %bitcast_convert_type3A_1194 : f32
    %sub3A_1196 = arith.constant 2.000000e+00 : f32
    %sub3A_1197 = arith.subf %sub3A_1196, %mul3A_1195 : f32
    %mul3A_1198 = arith.mulf %bitcast_convert_type3A_1194, %sub3A_1197 : f32
    %mul3A_1199 = arith.mulf %add3A_1190, %mul3A_1198 : f32
    %sub3A_1200 = arith.constant 2.000000e+00 : f32
    %sub3A_1201 = arith.subf %sub3A_1200, %mul3A_1199 : f32
    %mul3A_1202 = arith.mulf %mul3A_1198, %sub3A_1201 : f32
    %mul3A_1203 = arith.mulf %add3A_1190, %mul3A_1202 : f32
    %sub3A_1204 = arith.constant 2.000000e+00 : f32
    %sub3A_1205 = arith.subf %sub3A_1204, %mul3A_1203 : f32
    %mul3A_1206 = arith.mulf %mul3A_1202, %sub3A_1205 : f32
    %mul3A_1207 = arith.mulf %sub3A_1188, %mul3A_1206 : f32
    %mul3A_1208 = arith.mulf %mul3A_1207, %mul3A_1207 : f32
    %mul3A_1209 = arith.constant 2.000000e+00 : f32
    %mul3A_1210 = arith.mulf %mul3A_1209, %mul3A_1207 : f32
    %mul3A_1211 = arith.constant 0.111111112 : f32
    %mul3A_1212 = arith.mulf %mul3A_1208, %mul3A_1211 : f32
    %add3A_1213 = arith.constant 0.142857134 : f32
    %add3A_1214 = arith.addf %add3A_1213, %mul3A_1212 : f32
    %mul3A_1215 = arith.mulf %mul3A_1208, %add3A_1214 : f32
    %add3A_1216 = arith.constant 2.000000e-01 : f32
    %add3A_1217 = arith.addf %add3A_1216, %mul3A_1215 : f32
    %mul3A_1218 = arith.mulf %mul3A_1208, %add3A_1217 : f32
    %add3A_1219 = arith.constant 0.333333343 : f32
    %add3A_1220 = arith.addf %add3A_1219, %mul3A_1218 : f32
    %mul3A_1221 = arith.mulf %mul3A_1208, %add3A_1220 : f32
    %add3A_1222 = arith.constant 1.000000e+00 : f32
    %add3A_1223 = arith.addf %add3A_1222, %mul3A_1221 : f32
    %mul3A_1224 = arith.mulf %mul3A_1210, %add3A_1223 : f32
    %convert_element_type3A_1225 = arith.sitofp %select_n3A_1186 : i32 to f32
    %mul3A_1226 = arith.constant 0.693147182 : f32
    %mul3A_1227 = arith.mulf %convert_element_type3A_1225, %mul3A_1226 : f32
    %add3A_1228 = arith.addf %mul3A_1227, %mul3A_1224 : f32
    %reduce_sum3A_1229 = arith.constant true
    %reduce_sum3A_1230 = vector.broadcast %reduce_sum3A_1229 : i1 to vector<16xi1>
    %reduce_sum3A_1231 = tpu.scan <sum>, %add3A_1164 masked %reduce_sum3A_1230 : vector<16xf32>, vector<16xi1> -> vector<16xf32>
    %reduce_sum3A_1232 = vector.extract %reduce_sum3A_1231[15] : f32 from vector<16xf32>
    %sub3A_1233 = arith.subf %reduce_sum3A_1232, %add3A_1228 : f32
    %reduce_sum3A_1234 = arith.constant true
    %reduce_sum3A_1235 = vector.broadcast %reduce_sum3A_1234 : i1 to vector<16xi1>
    %reduce_sum3A_1236 = tpu.scan <sum>, %add3A_1066 masked %reduce_sum3A_1235 : vector<16xf32>, vector<16xi1> -> vector<16xf32>
    %reduce_sum3A_1237 = vector.extract %reduce_sum3A_1236[15] : f32 from vector<16xf32>
    %bitcast_convert_type3A_1238 = arith.bitcast %reduce_sum3A_1168 : f32 to i32
    %sub3A_1239 = arith.constant 2129859011 : i32
    %sub3A_1240 = arith.subi %sub3A_1239, %bitcast_convert_type3A_1238 : i32
    %bitcast_convert_type3A_1241 = arith.bitcast %sub3A_1240 : i32 to f32
    %mul3A_1242 = arith.mulf %reduce_sum3A_1168, %bitcast_convert_type3A_1241 : f32
    %sub3A_1243 = arith.constant 2.000000e+00 : f32
    %sub3A_1244 = arith.subf %sub3A_1243, %mul3A_1242 : f32
    %mul3A_1245 = arith.mulf %bitcast_convert_type3A_1241, %sub3A_1244 : f32
    %mul3A_1246 = arith.mulf %reduce_sum3A_1168, %mul3A_1245 : f32
    %sub3A_1247 = arith.constant 2.000000e+00 : f32
    %sub3A_1248 = arith.subf %sub3A_1247, %mul3A_1246 : f32
    %mul3A_1249 = arith.mulf %mul3A_1245, %sub3A_1248 : f32
    %mul3A_1250 = arith.mulf %reduce_sum3A_1168, %mul3A_1249 : f32
    %sub3A_1251 = arith.constant 2.000000e+00 : f32
    %sub3A_1252 = arith.subf %sub3A_1251, %mul3A_1250 : f32
    %mul3A_1253 = arith.mulf %mul3A_1249, %sub3A_1252 : f32
    %mul3A_1254 = arith.mulf %reduce_sum3A_1237, %mul3A_1253 : f32
    %sub3A_1255 = arith.subf %add3A_1228, %mul3A_1254 : f32
    %iota3A_1256 = tpu.iota {dimensions = array<i32: 0>} : vector<16xi32>
    %get3A_1257 = arith.constant 1 : i32
    %get3A_1258 = arith.index_cast %get3A_1257 : i32 to index
    %get3A_1259 = arith.constant 128 : index
    %get3A_1260 = tpu.vector_load %arg7[%get3A_1258, %get3A_1259] {strides = array<i32>} : memref<2x384xf32, #tpu.memory_space<vmem>>, vector<16xf32>,
    %get3A_1261 = arith.constant 1 : i32
    %get3A_1262 = arith.index_cast %get3A_1261 : i32 to index
    %get3A_1263 = arith.constant 128 : index
    %get3A_1264 = tpu.vector_load %arg8[%get3A_1262, %get3A_1263] {strides = array<i32>} : memref<2x384xf32, #tpu.memory_space<vmem>>, vector<16xf32>,
    %get3A_1265 = arith.constant 1 : i32
    %get3A_1266 = arith.index_cast %get3A_1265 : i32 to index
    %get3A_1267 = arith.constant 0 : index
    %get3A_1268 = tpu.vector_load %arg9[%get3A_1266, %get3A_1267] {strides = array<i32>} : memref<16x256xf32, #tpu.memory_space<vmem>>, vector<16xf32>,
    %add3A_1269 = arith.addf %get3A_1260, %get3A_1268 : vector<16xf32>
    %add3A_1270 = arith.addf %get3A_1264, %get3A_1268 : vector<16xf32>
    %get3A_1271 = arith.constant 1 : i32
    %get3A_1272 = arith.index_cast %get3A_1271 : i32 to index
    %get3A_1273 = arith.constant 144 : index
    %get3A_1274 = tpu.vector_load %arg7[%get3A_1272, %get3A_1273] {strides = array<i32>} : memref<2x384xf32, #tpu.memory_space<vmem>>, vector<16xf32>,
    %get3A_1275 = arith.constant 1 : i32
    %get3A_1276 = arith.index_cast %get3A_1275 : i32 to index
    %get3A_1277 = arith.constant 144 : index
    %get3A_1278 = tpu.vector_load %arg8[%get3A_1276, %get3A_1277] {strides = array<i32>} : memref<2x384xf32, #tpu.memory_space<vmem>>, vector<16xf32>,
    %get3A_1279 = arith.constant 1 : i32
    %get3A_1280 = arith.index_cast %get3A_1279 : i32 to index
    %get3A_1281 = arith.constant 16 : index
    %get3A_1282 = tpu.vector_load %arg9[%get3A_1280, %get3A_1281] {strides = array<i32>} : memref<16x256xf32, #tpu.memory_space<vmem>>, vector<16xf32>,
    %add3A_1283 = arith.addf %get3A_1274, %get3A_1282 : vector<16xf32>
    %add3A_1284 = arith.addf %get3A_1278, %get3A_1282 : vector<16xf32>
    %get3A_1285 = arith.constant 1 : i32
    %get3A_1286 = arith.index_cast %get3A_1285 : i32 to index
    %get3A_1287 = arith.constant 160 : index
    %get3A_1288 = tpu.vector_load %arg7[%get3A_1286, %get3A_1287] {strides = array<i32>} : memref<2x384xf32, #tpu.memory_space<vmem>>, vector<16xf32>,
    %get3A_1289 = arith.constant 1 : i32
    %get3A_1290 = arith.index_cast %get3A_1289 : i32 to index
    %get3A_1291 = arith.constant 160 : index
    %get3A_1292 = tpu.vector_load %arg8[%get3A_1290, %get3A_1291] {strides = array<i32>} : memref<2x384xf32, #tpu.memory_space<vmem>>, vector<16xf32>,
    %get3A_1293 = arith.constant 1 : i32
    %get3A_1294 = arith.index_cast %get3A_1293 : i32 to index
    %get3A_1295 = arith.constant 32 : index
    %get3A_1296 = tpu.vector_load %arg9[%get3A_1294, %get3A_1295] {strides = array<i32>} : memref<16x256xf32, #tpu.memory_space<vmem>>, vector<16xf32>,
    %add3A_1297 = arith.addf %get3A_1288, %get3A_1296 : vector<16xf32>
    %add3A_1298 = arith.addf %get3A_1292, %get3A_1296 : vector<16xf32>
    %get3A_1299 = arith.constant 1 : i32
    %get3A_1300 = arith.index_cast %get3A_1299 : i32 to index
    %get3A_1301 = arith.constant 176 : index
    %get3A_1302 = tpu.vector_load %arg7[%get3A_1300, %get3A_1301] {strides = array<i32>} : memref<2x384xf32, #tpu.memory_space<vmem>>, vector<16xf32>,
    %get3A_1303 = arith.constant 1 : i32
    %get3A_1304 = arith.index_cast %get3A_1303 : i32 to index
    %get3A_1305 = arith.constant 176 : index
    %get3A_1306 = tpu.vector_load %arg8[%get3A_1304, %get3A_1305] {strides = array<i32>} : memref<2x384xf32, #tpu.memory_space<vmem>>, vector<16xf32>,
    %get3A_1307 = arith.constant 1 : i32
    %get3A_1308 = arith.index_cast %get3A_1307 : i32 to index
    %get3A_1309 = arith.constant 48 : index
    %get3A_1310 = tpu.vector_load %arg9[%get3A_1308, %get3A_1309] {strides = array<i32>} : memref<16x256xf32, #tpu.memory_space<vmem>>, vector<16xf32>,
    %add3A_1311 = arith.addf %get3A_1302, %get3A_1310 : vector<16xf32>
    %add3A_1312 = arith.addf %get3A_1306, %get3A_1310 : vector<16xf32>
    %get3A_1313 = arith.constant 1 : i32
    %get3A_1314 = arith.index_cast %get3A_1313 : i32 to index
    %get3A_1315 = arith.constant 192 : index
    %get3A_1316 = tpu.vector_load %arg7[%get3A_1314, %get3A_1315] {strides = array<i32>} : memref<2x384xf32, #tpu.memory_space<vmem>>, vector<16xf32>,
    %get3A_1317 = arith.constant 1 : i32
    %get3A_1318 = arith.index_cast %get3A_1317 : i32 to index
    %get3A_1319 = arith.constant 192 : index
    %get3A_1320 = tpu.vector_load %arg8[%get3A_1318, %get3A_1319] {strides = array<i32>} : memref<2x384xf32, #tpu.memory_space<vmem>>, vector<16xf32>,
    %get3A_1321 = arith.constant 1 : i32
    %get3A_1322 = arith.index_cast %get3A_1321 : i32 to index
    %get3A_1323 = arith.constant 64 : index
    %get3A_1324 = tpu.vector_load %arg9[%get3A_1322, %get3A_1323] {strides = array<i32>} : memref<16x256xf32, #tpu.memory_space<vmem>>, vector<16xf32>,
    %add3A_1325 = arith.addf %get3A_1316, %get3A_1324 : vector<16xf32>
    %add3A_1326 = arith.addf %get3A_1320, %get3A_1324 : vector<16xf32>
    %get3A_1327 = arith.constant 1 : i32
    %get3A_1328 = arith.index_cast %get3A_1327 : i32 to index
    %get3A_1329 = arith.constant 208 : index
    %get3A_1330 = tpu.vector_load %arg7[%get3A_1328, %get3A_1329] {strides = array<i32>} : memref<2x384xf32, #tpu.memory_space<vmem>>, vector<16xf32>,
    %get3A_1331 = arith.constant 1 : i32
    %get3A_1332 = arith.index_cast %get3A_1331 : i32 to index
    %get3A_1333 = arith.constant 208 : index
    %get3A_1334 = tpu.vector_load %arg8[%get3A_1332, %get3A_1333] {strides = array<i32>} : memref<2x384xf32, #tpu.memory_space<vmem>>, vector<16xf32>,
    %get3A_1335 = arith.constant 1 : i32
    %get3A_1336 = arith.index_cast %get3A_1335 : i32 to index
    %get3A_1337 = arith.constant 80 : index
    %get3A_1338 = tpu.vector_load %arg9[%get3A_1336, %get3A_1337] {strides = array<i32>} : memref<16x256xf32, #tpu.memory_space<vmem>>, vector<16xf32>,
    %add3A_1339 = arith.addf %get3A_1330, %get3A_1338 : vector<16xf32>
    %add3A_1340 = arith.addf %get3A_1334, %get3A_1338 : vector<16xf32>
    %get3A_1341 = arith.constant 1 : i32
    %get3A_1342 = arith.index_cast %get3A_1341 : i32 to index
    %get3A_1343 = arith.constant 224 : index
    %get3A_1344 = tpu.vector_load %arg7[%get3A_1342, %get3A_1343] {strides = array<i32>} : memref<2x384xf32, #tpu.memory_space<vmem>>, vector<16xf32>,
    %get3A_1345 = arith.constant 1 : i32
    %get3A_1346 = arith.index_cast %get3A_1345 : i32 to index
    %get3A_1347 = arith.constant 224 : index
    %get3A_1348 = tpu.vector_load %arg8[%get3A_1346, %get3A_1347] {strides = array<i32>} : memref<2x384xf32, #tpu.memory_space<vmem>>, vector<16xf32>,
    %get3A_1349 = arith.constant 1 : i32
    %get3A_1350 = arith.index_cast %get3A_1349 : i32 to index
    %get3A_1351 = arith.constant 96 : index
    %get3A_1352 = tpu.vector_load %arg9[%get3A_1350, %get3A_1351] {strides = array<i32>} : memref<16x256xf32, #tpu.memory_space<vmem>>, vector<16xf32>,
    %add3A_1353 = arith.addf %get3A_1344, %get3A_1352 : vector<16xf32>
    %add3A_1354 = arith.addf %get3A_1348, %get3A_1352 : vector<16xf32>
    %get3A_1355 = arith.constant 1 : i32
    %get3A_1356 = arith.index_cast %get3A_1355 : i32 to index
    %get3A_1357 = arith.constant 240 : index
    %get3A_1358 = tpu.vector_load %arg7[%get3A_1356, %get3A_1357] {strides = array<i32>} : memref<2x384xf32, #tpu.memory_space<vmem>>, vector<16xf32>,
    %get3A_1359 = arith.constant 1 : i32
    %get3A_1360 = arith.index_cast %get3A_1359 : i32 to index
    %get3A_1361 = arith.constant 240 : index
    %get3A_1362 = tpu.vector_load %arg8[%get3A_1360, %get3A_1361] {strides = array<i32>} : memref<2x384xf32, #tpu.memory_space<vmem>>, vector<16xf32>,
    %get3A_1363 = arith.constant 1 : i32
    %get3A_1364 = arith.index_cast %get3A_1363 : i32 to index
    %get3A_1365 = arith.constant 112 : index
    %get3A_1366 = tpu.vector_load %arg9[%get3A_1364, %get3A_1365] {strides = array<i32>} : memref<16x256xf32, #tpu.memory_space<vmem>>, vector<16xf32>,
    %add3A_1367 = arith.addf %get3A_1358, %get3A_1366 : vector<16xf32>
    %add3A_1368 = arith.addf %get3A_1362, %get3A_1366 : vector<16xf32>
    %max3A_1369 = arith.maximumf %add3A_1270, %add3A_1284 : vector<16xf32>
    %max3A_1370 = arith.maximumf %add3A_1269, %add3A_1283 : vector<16xf32>
    %max3A_1371 = arith.maximumf %max3A_1369, %add3A_1298 : vector<16xf32>
    %max3A_1372 = arith.maximumf %max3A_1370, %add3A_1297 : vector<16xf32>
    %max3A_1373 = arith.maximumf %max3A_1371, %add3A_1312 : vector<16xf32>
    %max3A_1374 = arith.maximumf %max3A_1372, %add3A_1311 : vector<16xf32>
    %max3A_1375 = arith.maximumf %max3A_1373, %add3A_1326 : vector<16xf32>
    %max3A_1376 = arith.maximumf %max3A_1374, %add3A_1325 : vector<16xf32>
    %max3A_1377 = arith.maximumf %max3A_1375, %add3A_1340 : vector<16xf32>
    %max3A_1378 = arith.maximumf %max3A_1376, %add3A_1339 : vector<16xf32>
    %max3A_1379 = arith.maximumf %max3A_1377, %add3A_1354 : vector<16xf32>
    %max3A_1380 = arith.maximumf %max3A_1378, %add3A_1353 : vector<16xf32>
    %max3A_1381 = arith.maximumf %max3A_1379, %add3A_1368 : vector<16xf32>
    %max3A_1382 = arith.maximumf %max3A_1380, %add3A_1367 : vector<16xf32>
    %reduce_max3A_1383 = arith.constant true
    %reduce_max3A_1384 = vector.broadcast %reduce_max3A_1383 : i1 to vector<16xi1>
    %reduce_max3A_1385 = tpu.scan <max>, %max3A_1381 masked %reduce_max3A_1384 : vector<16xf32>, vector<16xi1> -> vector<16xf32>
    %reduce_max3A_1386 = vector.extract %reduce_max3A_1385[15] : f32 from vector<16xf32>
    %reduce_max3A_1387 = arith.constant true
    %reduce_max3A_1388 = vector.broadcast %reduce_max3A_1387 : i1 to vector<16xi1>
    %reduce_max3A_1389 = tpu.scan <max>, %max3A_1382 masked %reduce_max3A_1388 : vector<16xf32>, vector<16xi1> -> vector<16xf32>
    %reduce_max3A_1390 = vector.extract %reduce_max3A_1389[15] : f32 from vector<16xf32>
    %broadcast_in_dim3A_1391 = arith.constant 1048576 : i32
    %broadcast_in_dim3A_1392 = vector.broadcast %broadcast_in_dim3A_1391 : i32 to vector<16xi32>
    %broadcast_in_dim3A_1393 = arith.constant 0.000000e+00 : f32
    %broadcast_in_dim3A_1394 = vector.broadcast %broadcast_in_dim3A_1393 : f32 to vector<16xf32>
    %broadcast_in_dim3A_1395 = arith.constant 0.000000e+00 : f32
    %broadcast_in_dim3A_1396 = vector.broadcast %broadcast_in_dim3A_1395 : f32 to vector<16xf32>
    %add3A_1397 = arith.constant 0 : i32
    %add3A_1398 = vector.broadcast %add3A_1397 : i32 to vector<16xi32>
    %add3A_1399 = arith.addi %iota3A_1256, %add3A_1398 : vector<16xi32>
    %ge3A_1400 = vector.broadcast %reduce_max3A_1386 : f32 to vector<16xf32>
    %ge3A_1401 = arith.cmpf oge, %add3A_1270, %ge3A_1400 : vector<16xf32>
    %jit3A_1402 = arith.constant 1048576 : i32
    %broadcast_in_dim3A_1403 = vector.broadcast %jit3A_1402 : i32 to vector<16xi32>
    %select_n3A_1404 = arith.select %ge3A_1401, %add3A_1399, %broadcast_in_dim3A_1403 : vector<16xi1>, vector<16xi32>
    %min3A_1405 = arith.minsi %broadcast_in_dim3A_1392, %select_n3A_1404 : vector<16xi32>
    %sub3A_1406 = vector.broadcast %reduce_max3A_1390 : f32 to vector<16xf32>
    %sub3A_1407 = arith.subf %add3A_1269, %sub3A_1406 : vector<16xf32>
    %exp3A_1408 = math.exp %sub3A_1407 : vector<16xf32>
    %add3A_1409 = arith.addf %broadcast_in_dim3A_1394, %exp3A_1408 : vector<16xf32>
    %mul3A_1410 = arith.mulf %exp3A_1408, %sub3A_1407 : vector<16xf32>
    %add3A_1411 = arith.addf %broadcast_in_dim3A_1396, %mul3A_1410 : vector<16xf32>
    %add3A_1412 = arith.constant 16 : i32
    %add3A_1413 = vector.broadcast %add3A_1412 : i32 to vector<16xi32>
    %add3A_1414 = arith.addi %iota3A_1256, %add3A_1413 : vector<16xi32>
    %ge3A_1415 = vector.broadcast %reduce_max3A_1386 : f32 to vector<16xf32>
    %ge3A_1416 = arith.cmpf oge, %add3A_1284, %ge3A_1415 : vector<16xf32>
    %jit3A_1417 = arith.constant 1048576 : i32
    %broadcast_in_dim3A_1418 = vector.broadcast %jit3A_1417 : i32 to vector<16xi32>
    %select_n3A_1419 = arith.select %ge3A_1416, %add3A_1414, %broadcast_in_dim3A_1418 : vector<16xi1>, vector<16xi32>
    %min3A_1420 = arith.minsi %min3A_1405, %select_n3A_1419 : vector<16xi32>
    %sub3A_1421 = vector.broadcast %reduce_max3A_1390 : f32 to vector<16xf32>
    %sub3A_1422 = arith.subf %add3A_1283, %sub3A_1421 : vector<16xf32>
    %exp3A_1423 = math.exp %sub3A_1422 : vector<16xf32>
    %add3A_1424 = arith.addf %add3A_1409, %exp3A_1423 : vector<16xf32>
    %mul3A_1425 = arith.mulf %exp3A_1423, %sub3A_1422 : vector<16xf32>
    %add3A_1426 = arith.addf %add3A_1411, %mul3A_1425 : vector<16xf32>
    %add3A_1427 = arith.constant 32 : i32
    %add3A_1428 = vector.broadcast %add3A_1427 : i32 to vector<16xi32>
    %add3A_1429 = arith.addi %iota3A_1256, %add3A_1428 : vector<16xi32>
    %ge3A_1430 = vector.broadcast %reduce_max3A_1386 : f32 to vector<16xf32>
    %ge3A_1431 = arith.cmpf oge, %add3A_1298, %ge3A_1430 : vector<16xf32>
    %jit3A_1432 = arith.constant 1048576 : i32
    %broadcast_in_dim3A_1433 = vector.broadcast %jit3A_1432 : i32 to vector<16xi32>
    %select_n3A_1434 = arith.select %ge3A_1431, %add3A_1429, %broadcast_in_dim3A_1433 : vector<16xi1>, vector<16xi32>
    %min3A_1435 = arith.minsi %min3A_1420, %select_n3A_1434 : vector<16xi32>
    %sub3A_1436 = vector.broadcast %reduce_max3A_1390 : f32 to vector<16xf32>
    %sub3A_1437 = arith.subf %add3A_1297, %sub3A_1436 : vector<16xf32>
    %exp3A_1438 = math.exp %sub3A_1437 : vector<16xf32>
    %add3A_1439 = arith.addf %add3A_1424, %exp3A_1438 : vector<16xf32>
    %mul3A_1440 = arith.mulf %exp3A_1438, %sub3A_1437 : vector<16xf32>
    %add3A_1441 = arith.addf %add3A_1426, %mul3A_1440 : vector<16xf32>
    %add3A_1442 = arith.constant 48 : i32
    %add3A_1443 = vector.broadcast %add3A_1442 : i32 to vector<16xi32>
    %add3A_1444 = arith.addi %iota3A_1256, %add3A_1443 : vector<16xi32>
    %ge3A_1445 = vector.broadcast %reduce_max3A_1386 : f32 to vector<16xf32>
    %ge3A_1446 = arith.cmpf oge, %add3A_1312, %ge3A_1445 : vector<16xf32>
    %jit3A_1447 = arith.constant 1048576 : i32
    %broadcast_in_dim3A_1448 = vector.broadcast %jit3A_1447 : i32 to vector<16xi32>
    %select_n3A_1449 = arith.select %ge3A_1446, %add3A_1444, %broadcast_in_dim3A_1448 : vector<16xi1>, vector<16xi32>
    %min3A_1450 = arith.minsi %min3A_1435, %select_n3A_1449 : vector<16xi32>
    %sub3A_1451 = vector.broadcast %reduce_max3A_1390 : f32 to vector<16xf32>
    %sub3A_1452 = arith.subf %add3A_1311, %sub3A_1451 : vector<16xf32>
    %exp3A_1453 = math.exp %sub3A_1452 : vector<16xf32>
    %add3A_1454 = arith.addf %add3A_1439, %exp3A_1453 : vector<16xf32>
    %mul3A_1455 = arith.mulf %exp3A_1453, %sub3A_1452 : vector<16xf32>
    %add3A_1456 = arith.addf %add3A_1441, %mul3A_1455 : vector<16xf32>
    %add3A_1457 = arith.constant 64 : i32
    %add3A_1458 = vector.broadcast %add3A_1457 : i32 to vector<16xi32>
    %add3A_1459 = arith.addi %iota3A_1256, %add3A_1458 : vector<16xi32>
    %ge3A_1460 = vector.broadcast %reduce_max3A_1386 : f32 to vector<16xf32>
    %ge3A_1461 = arith.cmpf oge, %add3A_1326, %ge3A_1460 : vector<16xf32>
    %jit3A_1462 = arith.constant 1048576 : i32
    %broadcast_in_dim3A_1463 = vector.broadcast %jit3A_1462 : i32 to vector<16xi32>
    %select_n3A_1464 = arith.select %ge3A_1461, %add3A_1459, %broadcast_in_dim3A_1463 : vector<16xi1>, vector<16xi32>
    %min3A_1465 = arith.minsi %min3A_1450, %select_n3A_1464 : vector<16xi32>
    %sub3A_1466 = vector.broadcast %reduce_max3A_1390 : f32 to vector<16xf32>
    %sub3A_1467 = arith.subf %add3A_1325, %sub3A_1466 : vector<16xf32>
    %exp3A_1468 = math.exp %sub3A_1467 : vector<16xf32>
    %add3A_1469 = arith.addf %add3A_1454, %exp3A_1468 : vector<16xf32>
    %mul3A_1470 = arith.mulf %exp3A_1468, %sub3A_1467 : vector<16xf32>
    %add3A_1471 = arith.addf %add3A_1456, %mul3A_1470 : vector<16xf32>
    %add3A_1472 = arith.constant 80 : i32
    %add3A_1473 = vector.broadcast %add3A_1472 : i32 to vector<16xi32>
    %add3A_1474 = arith.addi %iota3A_1256, %add3A_1473 : vector<16xi32>
    %ge3A_1475 = vector.broadcast %reduce_max3A_1386 : f32 to vector<16xf32>
    %ge3A_1476 = arith.cmpf oge, %add3A_1340, %ge3A_1475 : vector<16xf32>
    %jit3A_1477 = arith.constant 1048576 : i32
    %broadcast_in_dim3A_1478 = vector.broadcast %jit3A_1477 : i32 to vector<16xi32>
    %select_n3A_1479 = arith.select %ge3A_1476, %add3A_1474, %broadcast_in_dim3A_1478 : vector<16xi1>, vector<16xi32>
    %min3A_1480 = arith.minsi %min3A_1465, %select_n3A_1479 : vector<16xi32>
    %sub3A_1481 = vector.broadcast %reduce_max3A_1390 : f32 to vector<16xf32>
    %sub3A_1482 = arith.subf %add3A_1339, %sub3A_1481 : vector<16xf32>
    %exp3A_1483 = math.exp %sub3A_1482 : vector<16xf32>
    %add3A_1484 = arith.addf %add3A_1469, %exp3A_1483 : vector<16xf32>
    %mul3A_1485 = arith.mulf %exp3A_1483, %sub3A_1482 : vector<16xf32>
    %add3A_1486 = arith.addf %add3A_1471, %mul3A_1485 : vector<16xf32>
    %add3A_1487 = arith.constant 96 : i32
    %add3A_1488 = vector.broadcast %add3A_1487 : i32 to vector<16xi32>
    %add3A_1489 = arith.addi %iota3A_1256, %add3A_1488 : vector<16xi32>
    %ge3A_1490 = vector.broadcast %reduce_max3A_1386 : f32 to vector<16xf32>
    %ge3A_1491 = arith.cmpf oge, %add3A_1354, %ge3A_1490 : vector<16xf32>
    %jit3A_1492 = arith.constant 1048576 : i32
    %broadcast_in_dim3A_1493 = vector.broadcast %jit3A_1492 : i32 to vector<16xi32>
    %select_n3A_1494 = arith.select %ge3A_1491, %add3A_1489, %broadcast_in_dim3A_1493 : vector<16xi1>, vector<16xi32>
    %min3A_1495 = arith.minsi %min3A_1480, %select_n3A_1494 : vector<16xi32>
    %sub3A_1496 = vector.broadcast %reduce_max3A_1390 : f32 to vector<16xf32>
    %sub3A_1497 = arith.subf %add3A_1353, %sub3A_1496 : vector<16xf32>
    %exp3A_1498 = math.exp %sub3A_1497 : vector<16xf32>
    %add3A_1499 = arith.addf %add3A_1484, %exp3A_1498 : vector<16xf32>
    %mul3A_1500 = arith.mulf %exp3A_1498, %sub3A_1497 : vector<16xf32>
    %add3A_1501 = arith.addf %add3A_1486, %mul3A_1500 : vector<16xf32>
    %add3A_1502 = arith.constant 112 : i32
    %add3A_1503 = vector.broadcast %add3A_1502 : i32 to vector<16xi32>
    %add3A_1504 = arith.addi %iota3A_1256, %add3A_1503 : vector<16xi32>
    %ge3A_1505 = vector.broadcast %reduce_max3A_1386 : f32 to vector<16xf32>
    %ge3A_1506 = arith.cmpf oge, %add3A_1368, %ge3A_1505 : vector<16xf32>
    %jit3A_1507 = arith.constant 1048576 : i32
    %broadcast_in_dim3A_1508 = vector.broadcast %jit3A_1507 : i32 to vector<16xi32>
    %select_n3A_1509 = arith.select %ge3A_1506, %add3A_1504, %broadcast_in_dim3A_1508 : vector<16xi1>, vector<16xi32>
    %min3A_1510 = arith.minsi %min3A_1495, %select_n3A_1509 : vector<16xi32>
    %sub3A_1511 = vector.broadcast %reduce_max3A_1390 : f32 to vector<16xf32>
    %sub3A_1512 = arith.subf %add3A_1367, %sub3A_1511 : vector<16xf32>
    %exp3A_1513 = math.exp %sub3A_1512 : vector<16xf32>
    %add3A_1514 = arith.addf %add3A_1499, %exp3A_1513 : vector<16xf32>
    %mul3A_1515 = arith.mulf %exp3A_1513, %sub3A_1512 : vector<16xf32>
    %add3A_1516 = arith.addf %add3A_1501, %mul3A_1515 : vector<16xf32>
    %reduce_min3A_1517 = arith.constant true
    %reduce_min3A_1518 = vector.broadcast %reduce_min3A_1517 : i1 to vector<16xi1>
    %reduce_min3A_1519 = arith.constant -2147483648 : i32
    %reduce_min3A_1520 = vector.broadcast %reduce_min3A_1519 : i32 to vector<16xi32>
    %reduce_min3A_1521 = arith.xori %min3A_1510, %reduce_min3A_1520 : vector<16xi32>
    %reduce_min3A_1522 = tpu.scan <min>, %reduce_min3A_1521 masked %reduce_min3A_1518 : vector<16xi32>, vector<16xi1> -> vector<16xi32>
    %reduce_min3A_1523 = arith.xori %reduce_min3A_1522, %reduce_min3A_1520 : vector<16xi32>
    %reduce_min3A_1524 = vector.extract %reduce_min3A_1523[15] : i32 from vector<16xi32>
    %broadcast_in_dim3A_1525 = arith.constant 0.000000e+00 : f32
    %broadcast_in_dim3A_1526 = vector.broadcast %broadcast_in_dim3A_1525 : f32 to vector<16xf32>
    %add3A_1527 = arith.constant 0 : i32
    %add3A_1528 = vector.broadcast %add3A_1527 : i32 to vector<16xi32>
    %add3A_1529 = arith.addi %iota3A_1256, %add3A_1528 : vector<16xi32>
    %eq3A_1530 = vector.broadcast %reduce_min3A_1524 : i32 to vector<16xi32>
    %eq3A_1531 = arith.cmpi eq, %add3A_1529, %eq3A_1530 : vector<16xi32>
    %sub3A_1532 = vector.broadcast %reduce_max3A_1390 : f32 to vector<16xf32>
    %sub3A_1533 = arith.subf %add3A_1269, %sub3A_1532 : vector<16xf32>
    %jit3A_1534 = arith.constant 0.000000e+00 : f32
    %broadcast_in_dim3A_1535 = vector.broadcast %jit3A_1534 : f32 to vector<16xf32>
    %select_n3A_1536 = arith.select %eq3A_1531, %sub3A_1533, %broadcast_in_dim3A_1535 : vector<16xi1>, vector<16xf32>
    %add3A_1537 = arith.addf %broadcast_in_dim3A_1526, %select_n3A_1536 : vector<16xf32>
    %add3A_1538 = arith.constant 16 : i32
    %add3A_1539 = vector.broadcast %add3A_1538 : i32 to vector<16xi32>
    %add3A_1540 = arith.addi %iota3A_1256, %add3A_1539 : vector<16xi32>
    %eq3A_1541 = vector.broadcast %reduce_min3A_1524 : i32 to vector<16xi32>
    %eq3A_1542 = arith.cmpi eq, %add3A_1540, %eq3A_1541 : vector<16xi32>
    %sub3A_1543 = vector.broadcast %reduce_max3A_1390 : f32 to vector<16xf32>
    %sub3A_1544 = arith.subf %add3A_1283, %sub3A_1543 : vector<16xf32>
    %jit3A_1545 = arith.constant 0.000000e+00 : f32
    %broadcast_in_dim3A_1546 = vector.broadcast %jit3A_1545 : f32 to vector<16xf32>
    %select_n3A_1547 = arith.select %eq3A_1542, %sub3A_1544, %broadcast_in_dim3A_1546 : vector<16xi1>, vector<16xf32>
    %add3A_1548 = arith.addf %add3A_1537, %select_n3A_1547 : vector<16xf32>
    %add3A_1549 = arith.constant 32 : i32
    %add3A_1550 = vector.broadcast %add3A_1549 : i32 to vector<16xi32>
    %add3A_1551 = arith.addi %iota3A_1256, %add3A_1550 : vector<16xi32>
    %eq3A_1552 = vector.broadcast %reduce_min3A_1524 : i32 to vector<16xi32>
    %eq3A_1553 = arith.cmpi eq, %add3A_1551, %eq3A_1552 : vector<16xi32>
    %sub3A_1554 = vector.broadcast %reduce_max3A_1390 : f32 to vector<16xf32>
    %sub3A_1555 = arith.subf %add3A_1297, %sub3A_1554 : vector<16xf32>
    %jit3A_1556 = arith.constant 0.000000e+00 : f32
    %broadcast_in_dim3A_1557 = vector.broadcast %jit3A_1556 : f32 to vector<16xf32>
    %select_n3A_1558 = arith.select %eq3A_1553, %sub3A_1555, %broadcast_in_dim3A_1557 : vector<16xi1>, vector<16xf32>
    %add3A_1559 = arith.addf %add3A_1548, %select_n3A_1558 : vector<16xf32>
    %add3A_1560 = arith.constant 48 : i32
    %add3A_1561 = vector.broadcast %add3A_1560 : i32 to vector<16xi32>
    %add3A_1562 = arith.addi %iota3A_1256, %add3A_1561 : vector<16xi32>
    %eq3A_1563 = vector.broadcast %reduce_min3A_1524 : i32 to vector<16xi32>
    %eq3A_1564 = arith.cmpi eq, %add3A_1562, %eq3A_1563 : vector<16xi32>
    %sub3A_1565 = vector.broadcast %reduce_max3A_1390 : f32 to vector<16xf32>
    %sub3A_1566 = arith.subf %add3A_1311, %sub3A_1565 : vector<16xf32>
    %jit3A_1567 = arith.constant 0.000000e+00 : f32
    %broadcast_in_dim3A_1568 = vector.broadcast %jit3A_1567 : f32 to vector<16xf32>
    %select_n3A_1569 = arith.select %eq3A_1564, %sub3A_1566, %broadcast_in_dim3A_1568 : vector<16xi1>, vector<16xf32>
    %add3A_1570 = arith.addf %add3A_1559, %select_n3A_1569 : vector<16xf32>
    %add3A_1571 = arith.constant 64 : i32
    %add3A_1572 = vector.broadcast %add3A_1571 : i32 to vector<16xi32>
    %add3A_1573 = arith.addi %iota3A_1256, %add3A_1572 : vector<16xi32>
    %eq3A_1574 = vector.broadcast %reduce_min3A_1524 : i32 to vector<16xi32>
    %eq3A_1575 = arith.cmpi eq, %add3A_1573, %eq3A_1574 : vector<16xi32>
    %sub3A_1576 = vector.broadcast %reduce_max3A_1390 : f32 to vector<16xf32>
    %sub3A_1577 = arith.subf %add3A_1325, %sub3A_1576 : vector<16xf32>
    %jit3A_1578 = arith.constant 0.000000e+00 : f32
    %broadcast_in_dim3A_1579 = vector.broadcast %jit3A_1578 : f32 to vector<16xf32>
    %select_n3A_1580 = arith.select %eq3A_1575, %sub3A_1577, %broadcast_in_dim3A_1579 : vector<16xi1>, vector<16xf32>
    %add3A_1581 = arith.addf %add3A_1570, %select_n3A_1580 : vector<16xf32>
    %add3A_1582 = arith.constant 80 : i32
    %add3A_1583 = vector.broadcast %add3A_1582 : i32 to vector<16xi32>
    %add3A_1584 = arith.addi %iota3A_1256, %add3A_1583 : vector<16xi32>
    %eq3A_1585 = vector.broadcast %reduce_min3A_1524 : i32 to vector<16xi32>
    %eq3A_1586 = arith.cmpi eq, %add3A_1584, %eq3A_1585 : vector<16xi32>
    %sub3A_1587 = vector.broadcast %reduce_max3A_1390 : f32 to vector<16xf32>
    %sub3A_1588 = arith.subf %add3A_1339, %sub3A_1587 : vector<16xf32>
    %jit3A_1589 = arith.constant 0.000000e+00 : f32
    %broadcast_in_dim3A_1590 = vector.broadcast %jit3A_1589 : f32 to vector<16xf32>
    %select_n3A_1591 = arith.select %eq3A_1586, %sub3A_1588, %broadcast_in_dim3A_1590 : vector<16xi1>, vector<16xf32>
    %add3A_1592 = arith.addf %add3A_1581, %select_n3A_1591 : vector<16xf32>
    %add3A_1593 = arith.constant 96 : i32
    %add3A_1594 = vector.broadcast %add3A_1593 : i32 to vector<16xi32>
    %add3A_1595 = arith.addi %iota3A_1256, %add3A_1594 : vector<16xi32>
    %eq3A_1596 = vector.broadcast %reduce_min3A_1524 : i32 to vector<16xi32>
    %eq3A_1597 = arith.cmpi eq, %add3A_1595, %eq3A_1596 : vector<16xi32>
    %sub3A_1598 = vector.broadcast %reduce_max3A_1390 : f32 to vector<16xf32>
    %sub3A_1599 = arith.subf %add3A_1353, %sub3A_1598 : vector<16xf32>
    %jit3A_1600 = arith.constant 0.000000e+00 : f32
    %broadcast_in_dim3A_1601 = vector.broadcast %jit3A_1600 : f32 to vector<16xf32>
    %select_n3A_1602 = arith.select %eq3A_1597, %sub3A_1599, %broadcast_in_dim3A_1601 : vector<16xi1>, vector<16xf32>
    %add3A_1603 = arith.addf %add3A_1592, %select_n3A_1602 : vector<16xf32>
    %add3A_1604 = arith.constant 112 : i32
    %add3A_1605 = vector.broadcast %add3A_1604 : i32 to vector<16xi32>
    %add3A_1606 = arith.addi %iota3A_1256, %add3A_1605 : vector<16xi32>
    %eq3A_1607 = vector.broadcast %reduce_min3A_1524 : i32 to vector<16xi32>
    %eq3A_1608 = arith.cmpi eq, %add3A_1606, %eq3A_1607 : vector<16xi32>
    %sub3A_1609 = vector.broadcast %reduce_max3A_1390 : f32 to vector<16xf32>
    %sub3A_1610 = arith.subf %add3A_1367, %sub3A_1609 : vector<16xf32>
    %jit3A_1611 = arith.constant 0.000000e+00 : f32
    %broadcast_in_dim3A_1612 = vector.broadcast %jit3A_1611 : f32 to vector<16xf32>
    %select_n3A_1613 = arith.select %eq3A_1608, %sub3A_1610, %broadcast_in_dim3A_1612 : vector<16xi1>, vector<16xf32>
    %add3A_1614 = arith.addf %add3A_1603, %select_n3A_1613 : vector<16xf32>
    %reduce_sum3A_1615 = arith.constant true
    %reduce_sum3A_1616 = vector.broadcast %reduce_sum3A_1615 : i1 to vector<16xi1>
    %reduce_sum3A_1617 = tpu.scan <sum>, %add3A_1514 masked %reduce_sum3A_1616 : vector<16xf32>, vector<16xi1> -> vector<16xf32>
    %reduce_sum3A_1618 = vector.extract %reduce_sum3A_1617[15] : f32 from vector<16xf32>
    %bitcast_convert_type3A_1619 = arith.bitcast %reduce_sum3A_1618 : f32 to i32
    %shift_right_logical3A_1620 = arith.constant 23 : i32
    %shift_right_logical3A_1621 = arith.shrui %bitcast_convert_type3A_1619, %shift_right_logical3A_1620 : i32
    %sub3A_1622 = arith.constant 127 : i32
    %sub3A_1623 = arith.subi %shift_right_logical3A_1621, %sub3A_1622 : i32
    %and3A_1624 = arith.constant 8388607 : i32
    %and3A_1625 = arith.andi %bitcast_convert_type3A_1619, %and3A_1624 : i32
    %or3A_1626 = arith.constant 1065353216 : i32
    %or3A_1627 = arith.ori %and3A_1625, %or3A_1626 : i32
    %bitcast_convert_type3A_1628 = arith.bitcast %or3A_1627 : i32 to f32
    %gt3A_1629 = arith.constant 1.41421354 : f32
    %gt3A_1630 = arith.cmpf ogt, %bitcast_convert_type3A_1628, %gt3A_1629 : f32
    %mul3A_1631 = arith.constant 5.000000e-01 : f32
    %mul3A_1632 = arith.mulf %bitcast_convert_type3A_1628, %mul3A_1631 : f32
    %select_n3A_1633 = arith.select %gt3A_1630, %mul3A_1632, %bitcast_convert_type3A_1628 : f32
    %add3A_1634 = arith.constant 1 : i32
    %add3A_1635 = arith.addi %sub3A_1623, %add3A_1634 : i32
    %select_n3A_1636 = arith.select %gt3A_1630, %add3A_1635, %sub3A_1623 : i32
    %sub3A_1637 = arith.constant 1.000000e+00 : f32
    %sub3A_1638 = arith.subf %select_n3A_1633, %sub3A_1637 : f32
    %add3A_1639 = arith.constant 1.000000e+00 : f32
    %add3A_1640 = arith.addf %select_n3A_1633, %add3A_1639 : f32
    %bitcast_convert_type3A_1641 = arith.bitcast %add3A_1640 : f32 to i32
    %sub3A_1642 = arith.constant 2129859011 : i32
    %sub3A_1643 = arith.subi %sub3A_1642, %bitcast_convert_type3A_1641 : i32
    %bitcast_convert_type3A_1644 = arith.bitcast %sub3A_1643 : i32 to f32
    %mul3A_1645 = arith.mulf %add3A_1640, %bitcast_convert_type3A_1644 : f32
    %sub3A_1646 = arith.constant 2.000000e+00 : f32
    %sub3A_1647 = arith.subf %sub3A_1646, %mul3A_1645 : f32
    %mul3A_1648 = arith.mulf %bitcast_convert_type3A_1644, %sub3A_1647 : f32
    %mul3A_1649 = arith.mulf %add3A_1640, %mul3A_1648 : f32
    %sub3A_1650 = arith.constant 2.000000e+00 : f32
    %sub3A_1651 = arith.subf %sub3A_1650, %mul3A_1649 : f32
    %mul3A_1652 = arith.mulf %mul3A_1648, %sub3A_1651 : f32
    %mul3A_1653 = arith.mulf %add3A_1640, %mul3A_1652 : f32
    %sub3A_1654 = arith.constant 2.000000e+00 : f32
    %sub3A_1655 = arith.subf %sub3A_1654, %mul3A_1653 : f32
    %mul3A_1656 = arith.mulf %mul3A_1652, %sub3A_1655 : f32
    %mul3A_1657 = arith.mulf %sub3A_1638, %mul3A_1656 : f32
    %mul3A_1658 = arith.mulf %mul3A_1657, %mul3A_1657 : f32
    %mul3A_1659 = arith.constant 2.000000e+00 : f32
    %mul3A_1660 = arith.mulf %mul3A_1659, %mul3A_1657 : f32
    %mul3A_1661 = arith.constant 0.111111112 : f32
    %mul3A_1662 = arith.mulf %mul3A_1658, %mul3A_1661 : f32
    %add3A_1663 = arith.constant 0.142857134 : f32
    %add3A_1664 = arith.addf %add3A_1663, %mul3A_1662 : f32
    %mul3A_1665 = arith.mulf %mul3A_1658, %add3A_1664 : f32
    %add3A_1666 = arith.constant 2.000000e-01 : f32
    %add3A_1667 = arith.addf %add3A_1666, %mul3A_1665 : f32
    %mul3A_1668 = arith.mulf %mul3A_1658, %add3A_1667 : f32
    %add3A_1669 = arith.constant 0.333333343 : f32
    %add3A_1670 = arith.addf %add3A_1669, %mul3A_1668 : f32
    %mul3A_1671 = arith.mulf %mul3A_1658, %add3A_1670 : f32
    %add3A_1672 = arith.constant 1.000000e+00 : f32
    %add3A_1673 = arith.addf %add3A_1672, %mul3A_1671 : f32
    %mul3A_1674 = arith.mulf %mul3A_1660, %add3A_1673 : f32
    %convert_element_type3A_1675 = arith.sitofp %select_n3A_1636 : i32 to f32
    %mul3A_1676 = arith.constant 0.693147182 : f32
    %mul3A_1677 = arith.mulf %convert_element_type3A_1675, %mul3A_1676 : f32
    %add3A_1678 = arith.addf %mul3A_1677, %mul3A_1674 : f32
    %reduce_sum3A_1679 = arith.constant true
    %reduce_sum3A_1680 = vector.broadcast %reduce_sum3A_1679 : i1 to vector<16xi1>
    %reduce_sum3A_1681 = tpu.scan <sum>, %add3A_1614 masked %reduce_sum3A_1680 : vector<16xf32>, vector<16xi1> -> vector<16xf32>
    %reduce_sum3A_1682 = vector.extract %reduce_sum3A_1681[15] : f32 from vector<16xf32>
    %sub3A_1683 = arith.subf %reduce_sum3A_1682, %add3A_1678 : f32
    %reduce_sum3A_1684 = arith.constant true
    %reduce_sum3A_1685 = vector.broadcast %reduce_sum3A_1684 : i1 to vector<16xi1>
    %reduce_sum3A_1686 = tpu.scan <sum>, %add3A_1516 masked %reduce_sum3A_1685 : vector<16xf32>, vector<16xi1> -> vector<16xf32>
    %reduce_sum3A_1687 = vector.extract %reduce_sum3A_1686[15] : f32 from vector<16xf32>
    %bitcast_convert_type3A_1688 = arith.bitcast %reduce_sum3A_1618 : f32 to i32
    %sub3A_1689 = arith.constant 2129859011 : i32
    %sub3A_1690 = arith.subi %sub3A_1689, %bitcast_convert_type3A_1688 : i32
    %bitcast_convert_type3A_1691 = arith.bitcast %sub3A_1690 : i32 to f32
    %mul3A_1692 = arith.mulf %reduce_sum3A_1618, %bitcast_convert_type3A_1691 : f32
    %sub3A_1693 = arith.constant 2.000000e+00 : f32
    %sub3A_1694 = arith.subf %sub3A_1693, %mul3A_1692 : f32
    %mul3A_1695 = arith.mulf %bitcast_convert_type3A_1691, %sub3A_1694 : f32
    %mul3A_1696 = arith.mulf %reduce_sum3A_1618, %mul3A_1695 : f32
    %sub3A_1697 = arith.constant 2.000000e+00 : f32
    %sub3A_1698 = arith.subf %sub3A_1697, %mul3A_1696 : f32
    %mul3A_1699 = arith.mulf %mul3A_1695, %sub3A_1698 : f32
    %mul3A_1700 = arith.mulf %reduce_sum3A_1618, %mul3A_1699 : f32
    %sub3A_1701 = arith.constant 2.000000e+00 : f32
    %sub3A_1702 = arith.subf %sub3A_1701, %mul3A_1700 : f32
    %mul3A_1703 = arith.mulf %mul3A_1699, %sub3A_1702 : f32
    %mul3A_1704 = arith.mulf %reduce_sum3A_1687, %mul3A_1703 : f32
    %sub3A_1705 = arith.subf %add3A_1678, %mul3A_1704 : f32
    %eq3A_1706 = arith.constant 0 : i32
    %eq3A_1707 = vector.broadcast %eq3A_1706 : i32 to vector<16xi32>
    %eq3A_1708 = arith.cmpi eq, %iota3A, %eq3A_1707 : vector<16xi32>
    %eq3A_1709 = arith.constant 1 : i32
    %eq3A_1710 = vector.broadcast %eq3A_1709 : i32 to vector<16xi32>
    %eq3A_1711 = arith.cmpi eq, %iota3A, %eq3A_1710 : vector<16xi32>
    %jit3A_1712 = arith.constant 0 : i32
    %broadcast_in_dim3A_1713 = vector.broadcast %reduce_min3A_1524 : i32 to vector<16xi32>
    %broadcast_in_dim3A_1714 = vector.broadcast %jit3A_1712 : i32 to vector<16xi32>
    %select_n3A_1715 = arith.select %eq3A_1711, %broadcast_in_dim3A_1713, %broadcast_in_dim3A_1714 : vector<16xi1>, vector<16xi32>
    %broadcast_in_dim3A_1716 = vector.broadcast %reduce_min3A_1074 : i32 to vector<16xi32>
    %select_n3A_1717 = arith.select %eq3A_1708, %broadcast_in_dim3A_1716, %select_n3A_1715 : vector<16xi1>, vector<16xi32>
    %dma_start3A_1718 = arith.constant 0 : i32
    %dma_start3A_1719 = arith.constant 0 : i32
    %dma_start3A_1720 = tpu.memref_slice %arg5[%dma_start3A_1718, %dma_start3A_1719] : memref<128x128xf32, #tpu.memory_space<hbm>> -> memref<128x128xf32, #tpu.memory_space<hbm>>
    tpu.enqueue_indirect_dma source(%dma_start3A_1720 : memref<128x128xf32, #tpu.memory_space<hbm>>) target(%arg10 : memref<16x128xf32, #tpu.memory_space<vmem>>) offsets(%select_n3A_1717 : vector<16xi32>) semaphore(%arg12 : memref<!tpu.dma_semaphore, #tpu.memory_space<semaphore_mem>>)
    %dma_wait3A_1721 = arith.constant 0 : i32
    %dma_wait3A_1722 = arith.constant 0 : i32
    %dma_wait3A_1723 = tpu.memref_slice %arg5[%dma_wait3A_1721, %dma_wait3A_1722] : memref<128x128xf32, #tpu.memory_space<hbm>> -> memref<128x128xf32, #tpu.memory_space<hbm>>
    tpu.wait_indirect_dma semaphore(%arg12 : memref<!tpu.dma_semaphore, #tpu.memory_space<semaphore_mem>>) src(%dma_wait3A_1723 : memref<128x128xf32, #tpu.memory_space<hbm>>) dst(%arg10 : memref<16x128xf32, #tpu.memory_space<vmem>>)
    %iota3A_1724 = tpu.iota {dimensions = array<i32: 0>} : vector<16xi32>
    %get3A_1725 = arith.constant 0 : i32
    %get3A_1726 = arith.index_cast %get3A_1725 : i32 to index
    %get3A_1727 = arith.constant 256 : index
    %get3A_1728 = tpu.vector_load %arg7[%get3A_1726, %get3A_1727] {strides = array<i32>} : memref<2x384xf32, #tpu.memory_space<vmem>>, vector<16xf32>,
    %get3A_1729 = arith.constant 0 : i32
    %get3A_1730 = arith.index_cast %get3A_1729 : i32 to index
    %get3A_1731 = arith.constant 256 : index
    %get3A_1732 = tpu.vector_load %arg8[%get3A_1730, %get3A_1731] {strides = array<i32>} : memref<2x384xf32, #tpu.memory_space<vmem>>, vector<16xf32>,
    %get3A_1733 = arith.constant 0 : i32
    %get3A_1734 = arith.index_cast %get3A_1733 : i32 to index
    %get3A_1735 = arith.constant 128 : index
    %get3A_1736 = tpu.vector_load %arg9[%get3A_1734, %get3A_1735] {strides = array<i32>} : memref<16x256xf32, #tpu.memory_space<vmem>>, vector<16xf32>,
    %get3A_1737 = arith.constant 0 : i32
    %get3A_1738 = arith.index_cast %get3A_1737 : i32 to index
    %get3A_1739 = arith.constant 0 : index
    %get3A_1740 = tpu.vector_load %arg10[%get3A_1738, %get3A_1739] {strides = array<i32>} : memref<16x128xf32, #tpu.memory_space<vmem>>, vector<16xf32>,
    %add3A_1741 = arith.addf %get3A_1736, %get3A_1740 : vector<16xf32>
    %add3A_1742 = arith.addf %get3A_1728, %add3A_1741 : vector<16xf32>
    %add3A_1743 = arith.addf %get3A_1732, %add3A_1741 : vector<16xf32>
    %get3A_1744 = arith.constant 0 : i32
    %get3A_1745 = arith.index_cast %get3A_1744 : i32 to index
    %get3A_1746 = arith.constant 272 : index
    %get3A_1747 = tpu.vector_load %arg7[%get3A_1745, %get3A_1746] {strides = array<i32>} : memref<2x384xf32, #tpu.memory_space<vmem>>, vector<16xf32>,
    %get3A_1748 = arith.constant 0 : i32
    %get3A_1749 = arith.index_cast %get3A_1748 : i32 to index
    %get3A_1750 = arith.constant 272 : index
    %get3A_1751 = tpu.vector_load %arg8[%get3A_1749, %get3A_1750] {strides = array<i32>} : memref<2x384xf32, #tpu.memory_space<vmem>>, vector<16xf32>,
    %get3A_1752 = arith.constant 0 : i32
    %get3A_1753 = arith.index_cast %get3A_1752 : i32 to index
    %get3A_1754 = arith.constant 144 : index
    %get3A_1755 = tpu.vector_load %arg9[%get3A_1753, %get3A_1754] {strides = array<i32>} : memref<16x256xf32, #tpu.memory_space<vmem>>, vector<16xf32>,
    %get3A_1756 = arith.constant 0 : i32
    %get3A_1757 = arith.index_cast %get3A_1756 : i32 to index
    %get3A_1758 = arith.constant 16 : index
    %get3A_1759 = tpu.vector_load %arg10[%get3A_1757, %get3A_1758] {strides = array<i32>} : memref<16x128xf32, #tpu.memory_space<vmem>>, vector<16xf32>,
    %add3A_1760 = arith.addf %get3A_1755, %get3A_1759 : vector<16xf32>
    %add3A_1761 = arith.addf %get3A_1747, %add3A_1760 : vector<16xf32>
    %add3A_1762 = arith.addf %get3A_1751, %add3A_1760 : vector<16xf32>
    %get3A_1763 = arith.constant 0 : i32
    %get3A_1764 = arith.index_cast %get3A_1763 : i32 to index
    %get3A_1765 = arith.constant 288 : index
    %get3A_1766 = tpu.vector_load %arg7[%get3A_1764, %get3A_1765] {strides = array<i32>} : memref<2x384xf32, #tpu.memory_space<vmem>>, vector<16xf32>,
    %get3A_1767 = arith.constant 0 : i32
    %get3A_1768 = arith.index_cast %get3A_1767 : i32 to index
    %get3A_1769 = arith.constant 288 : index
    %get3A_1770 = tpu.vector_load %arg8[%get3A_1768, %get3A_1769] {strides = array<i32>} : memref<2x384xf32, #tpu.memory_space<vmem>>, vector<16xf32>,
    %get3A_1771 = arith.constant 0 : i32
    %get3A_1772 = arith.index_cast %get3A_1771 : i32 to index
    %get3A_1773 = arith.constant 160 : index
    %get3A_1774 = tpu.vector_load %arg9[%get3A_1772, %get3A_1773] {strides = array<i32>} : memref<16x256xf32, #tpu.memory_space<vmem>>, vector<16xf32>,
    %get3A_1775 = arith.constant 0 : i32
    %get3A_1776 = arith.index_cast %get3A_1775 : i32 to index
    %get3A_1777 = arith.constant 32 : index
    %get3A_1778 = tpu.vector_load %arg10[%get3A_1776, %get3A_1777] {strides = array<i32>} : memref<16x128xf32, #tpu.memory_space<vmem>>, vector<16xf32>,
    %add3A_1779 = arith.addf %get3A_1774, %get3A_1778 : vector<16xf32>
    %add3A_1780 = arith.addf %get3A_1766, %add3A_1779 : vector<16xf32>
    %add3A_1781 = arith.addf %get3A_1770, %add3A_1779 : vector<16xf32>
    %get3A_1782 = arith.constant 0 : i32
    %get3A_1783 = arith.index_cast %get3A_1782 : i32 to index
    %get3A_1784 = arith.constant 304 : index
    %get3A_1785 = tpu.vector_load %arg7[%get3A_1783, %get3A_1784] {strides = array<i32>} : memref<2x384xf32, #tpu.memory_space<vmem>>, vector<16xf32>,
    %get3A_1786 = arith.constant 0 : i32
    %get3A_1787 = arith.index_cast %get3A_1786 : i32 to index
    %get3A_1788 = arith.constant 304 : index
    %get3A_1789 = tpu.vector_load %arg8[%get3A_1787, %get3A_1788] {strides = array<i32>} : memref<2x384xf32, #tpu.memory_space<vmem>>, vector<16xf32>,
    %get3A_1790 = arith.constant 0 : i32
    %get3A_1791 = arith.index_cast %get3A_1790 : i32 to index
    %get3A_1792 = arith.constant 176 : index
    %get3A_1793 = tpu.vector_load %arg9[%get3A_1791, %get3A_1792] {strides = array<i32>} : memref<16x256xf32, #tpu.memory_space<vmem>>, vector<16xf32>,
    %get3A_1794 = arith.constant 0 : i32
    %get3A_1795 = arith.index_cast %get3A_1794 : i32 to index
    %get3A_1796 = arith.constant 48 : index
    %get3A_1797 = tpu.vector_load %arg10[%get3A_1795, %get3A_1796] {strides = array<i32>} : memref<16x128xf32, #tpu.memory_space<vmem>>, vector<16xf32>,
    %add3A_1798 = arith.addf %get3A_1793, %get3A_1797 : vector<16xf32>
    %add3A_1799 = arith.addf %get3A_1785, %add3A_1798 : vector<16xf32>
    %add3A_1800 = arith.addf %get3A_1789, %add3A_1798 : vector<16xf32>
    %get3A_1801 = arith.constant 0 : i32
    %get3A_1802 = arith.index_cast %get3A_1801 : i32 to index
    %get3A_1803 = arith.constant 320 : index
    %get3A_1804 = tpu.vector_load %arg7[%get3A_1802, %get3A_1803] {strides = array<i32>} : memref<2x384xf32, #tpu.memory_space<vmem>>, vector<16xf32>,
    %get3A_1805 = arith.constant 0 : i32
    %get3A_1806 = arith.index_cast %get3A_1805 : i32 to index
    %get3A_1807 = arith.constant 320 : index
    %get3A_1808 = tpu.vector_load %arg8[%get3A_1806, %get3A_1807] {strides = array<i32>} : memref<2x384xf32, #tpu.memory_space<vmem>>, vector<16xf32>,
    %get3A_1809 = arith.constant 0 : i32
    %get3A_1810 = arith.index_cast %get3A_1809 : i32 to index
    %get3A_1811 = arith.constant 192 : index
    %get3A_1812 = tpu.vector_load %arg9[%get3A_1810, %get3A_1811] {strides = array<i32>} : memref<16x256xf32, #tpu.memory_space<vmem>>, vector<16xf32>,
    %get3A_1813 = arith.constant 0 : i32
    %get3A_1814 = arith.index_cast %get3A_1813 : i32 to index
    %get3A_1815 = arith.constant 64 : index
    %get3A_1816 = tpu.vector_load %arg10[%get3A_1814, %get3A_1815] {strides = array<i32>} : memref<16x128xf32, #tpu.memory_space<vmem>>, vector<16xf32>,
    %add3A_1817 = arith.addf %get3A_1812, %get3A_1816 : vector<16xf32>
    %add3A_1818 = arith.addf %get3A_1804, %add3A_1817 : vector<16xf32>
    %add3A_1819 = arith.addf %get3A_1808, %add3A_1817 : vector<16xf32>
    %get3A_1820 = arith.constant 0 : i32
    %get3A_1821 = arith.index_cast %get3A_1820 : i32 to index
    %get3A_1822 = arith.constant 336 : index
    %get3A_1823 = tpu.vector_load %arg7[%get3A_1821, %get3A_1822] {strides = array<i32>} : memref<2x384xf32, #tpu.memory_space<vmem>>, vector<16xf32>,
    %get3A_1824 = arith.constant 0 : i32
    %get3A_1825 = arith.index_cast %get3A_1824 : i32 to index
    %get3A_1826 = arith.constant 336 : index
    %get3A_1827 = tpu.vector_load %arg8[%get3A_1825, %get3A_1826] {strides = array<i32>} : memref<2x384xf32, #tpu.memory_space<vmem>>, vector<16xf32>,
    %get3A_1828 = arith.constant 0 : i32
    %get3A_1829 = arith.index_cast %get3A_1828 : i32 to index
    %get3A_1830 = arith.constant 208 : index
    %get3A_1831 = tpu.vector_load %arg9[%get3A_1829, %get3A_1830] {strides = array<i32>} : memref<16x256xf32, #tpu.memory_space<vmem>>, vector<16xf32>,
    %get3A_1832 = arith.constant 0 : i32
    %get3A_1833 = arith.index_cast %get3A_1832 : i32 to index
    %get3A_1834 = arith.constant 80 : index
    %get3A_1835 = tpu.vector_load %arg10[%get3A_1833, %get3A_1834] {strides = array<i32>} : memref<16x128xf32, #tpu.memory_space<vmem>>, vector<16xf32>,
    %add3A_1836 = arith.addf %get3A_1831, %get3A_1835 : vector<16xf32>
    %add3A_1837 = arith.addf %get3A_1823, %add3A_1836 : vector<16xf32>
    %add3A_1838 = arith.addf %get3A_1827, %add3A_1836 : vector<16xf32>
    %get3A_1839 = arith.constant 0 : i32
    %get3A_1840 = arith.index_cast %get3A_1839 : i32 to index
    %get3A_1841 = arith.constant 352 : index
    %get3A_1842 = tpu.vector_load %arg7[%get3A_1840, %get3A_1841] {strides = array<i32>} : memref<2x384xf32, #tpu.memory_space<vmem>>, vector<16xf32>,
    %get3A_1843 = arith.constant 0 : i32
    %get3A_1844 = arith.index_cast %get3A_1843 : i32 to index
    %get3A_1845 = arith.constant 352 : index
    %get3A_1846 = tpu.vector_load %arg8[%get3A_1844, %get3A_1845] {strides = array<i32>} : memref<2x384xf32, #tpu.memory_space<vmem>>, vector<16xf32>,
    %get3A_1847 = arith.constant 0 : i32
    %get3A_1848 = arith.index_cast %get3A_1847 : i32 to index
    %get3A_1849 = arith.constant 224 : index
    %get3A_1850 = tpu.vector_load %arg9[%get3A_1848, %get3A_1849] {strides = array<i32>} : memref<16x256xf32, #tpu.memory_space<vmem>>, vector<16xf32>,
    %get3A_1851 = arith.constant 0 : i32
    %get3A_1852 = arith.index_cast %get3A_1851 : i32 to index
    %get3A_1853 = arith.constant 96 : index
    %get3A_1854 = tpu.vector_load %arg10[%get3A_1852, %get3A_1853] {strides = array<i32>} : memref<16x128xf32, #tpu.memory_space<vmem>>, vector<16xf32>,
    %add3A_1855 = arith.addf %get3A_1850, %get3A_1854 : vector<16xf32>
    %add3A_1856 = arith.addf %get3A_1842, %add3A_1855 : vector<16xf32>
    %add3A_1857 = arith.addf %get3A_1846, %add3A_1855 : vector<16xf32>
    %get3A_1858 = arith.constant 0 : i32
    %get3A_1859 = arith.index_cast %get3A_1858 : i32 to index
    %get3A_1860 = arith.constant 368 : index
    %get3A_1861 = tpu.vector_load %arg7[%get3A_1859, %get3A_1860] {strides = array<i32>} : memref<2x384xf32, #tpu.memory_space<vmem>>, vector<16xf32>,
    %get3A_1862 = arith.constant 0 : i32
    %get3A_1863 = arith.index_cast %get3A_1862 : i32 to index
    %get3A_1864 = arith.constant 368 : index
    %get3A_1865 = tpu.vector_load %arg8[%get3A_1863, %get3A_1864] {strides = array<i32>} : memref<2x384xf32, #tpu.memory_space<vmem>>, vector<16xf32>,
    %get3A_1866 = arith.constant 0 : i32
    %get3A_1867 = arith.index_cast %get3A_1866 : i32 to index
    %get3A_1868 = arith.constant 240 : index
    %get3A_1869 = tpu.vector_load %arg9[%get3A_1867, %get3A_1868] {strides = array<i32>} : memref<16x256xf32, #tpu.memory_space<vmem>>, vector<16xf32>,
    %get3A_1870 = arith.constant 0 : i32
    %get3A_1871 = arith.index_cast %get3A_1870 : i32 to index
    %get3A_1872 = arith.constant 112 : index
    %get3A_1873 = tpu.vector_load %arg10[%get3A_1871, %get3A_1872] {strides = array<i32>} : memref<16x128xf32, #tpu.memory_space<vmem>>, vector<16xf32>,
    %add3A_1874 = arith.addf %get3A_1869, %get3A_1873 : vector<16xf32>
    %add3A_1875 = arith.addf %get3A_1861, %add3A_1874 : vector<16xf32>
    %add3A_1876 = arith.addf %get3A_1865, %add3A_1874 : vector<16xf32>
    %max3A_1877 = arith.maximumf %add3A_1743, %add3A_1762 : vector<16xf32>
    %max3A_1878 = arith.maximumf %add3A_1742, %add3A_1761 : vector<16xf32>
    %max3A_1879 = arith.maximumf %max3A_1877, %add3A_1781 : vector<16xf32>
    %max3A_1880 = arith.maximumf %max3A_1878, %add3A_1780 : vector<16xf32>
    %max3A_1881 = arith.maximumf %max3A_1879, %add3A_1800 : vector<16xf32>
    %max3A_1882 = arith.maximumf %max3A_1880, %add3A_1799 : vector<16xf32>
    %max3A_1883 = arith.maximumf %max3A_1881, %add3A_1819 : vector<16xf32>
    %max3A_1884 = arith.maximumf %max3A_1882, %add3A_1818 : vector<16xf32>
    %max3A_1885 = arith.maximumf %max3A_1883, %add3A_1838 : vector<16xf32>
    %max3A_1886 = arith.maximumf %max3A_1884, %add3A_1837 : vector<16xf32>
    %max3A_1887 = arith.maximumf %max3A_1885, %add3A_1857 : vector<16xf32>
    %max3A_1888 = arith.maximumf %max3A_1886, %add3A_1856 : vector<16xf32>
    %max3A_1889 = arith.maximumf %max3A_1887, %add3A_1876 : vector<16xf32>
    %max3A_1890 = arith.maximumf %max3A_1888, %add3A_1875 : vector<16xf32>
    %reduce_max3A_1891 = arith.constant true
    %reduce_max3A_1892 = vector.broadcast %reduce_max3A_1891 : i1 to vector<16xi1>
    %reduce_max3A_1893 = tpu.scan <max>, %max3A_1889 masked %reduce_max3A_1892 : vector<16xf32>, vector<16xi1> -> vector<16xf32>
    %reduce_max3A_1894 = vector.extract %reduce_max3A_1893[15] : f32 from vector<16xf32>
    %reduce_max3A_1895 = arith.constant true
    %reduce_max3A_1896 = vector.broadcast %reduce_max3A_1895 : i1 to vector<16xi1>
    %reduce_max3A_1897 = tpu.scan <max>, %max3A_1890 masked %reduce_max3A_1896 : vector<16xf32>, vector<16xi1> -> vector<16xf32>
    %reduce_max3A_1898 = vector.extract %reduce_max3A_1897[15] : f32 from vector<16xf32>
    %broadcast_in_dim3A_1899 = arith.constant 1048576 : i32
    %broadcast_in_dim3A_1900 = vector.broadcast %broadcast_in_dim3A_1899 : i32 to vector<16xi32>
    %broadcast_in_dim3A_1901 = arith.constant 0.000000e+00 : f32
    %broadcast_in_dim3A_1902 = vector.broadcast %broadcast_in_dim3A_1901 : f32 to vector<16xf32>
    %broadcast_in_dim3A_1903 = arith.constant 0.000000e+00 : f32
    %broadcast_in_dim3A_1904 = vector.broadcast %broadcast_in_dim3A_1903 : f32 to vector<16xf32>
    %add3A_1905 = arith.constant 0 : i32
    %add3A_1906 = vector.broadcast %add3A_1905 : i32 to vector<16xi32>
    %add3A_1907 = arith.addi %iota3A_1724, %add3A_1906 : vector<16xi32>
    %ge3A_1908 = vector.broadcast %reduce_max3A_1894 : f32 to vector<16xf32>
    %ge3A_1909 = arith.cmpf oge, %add3A_1743, %ge3A_1908 : vector<16xf32>
    %jit3A_1910 = arith.constant 1048576 : i32
    %broadcast_in_dim3A_1911 = vector.broadcast %jit3A_1910 : i32 to vector<16xi32>
    %select_n3A_1912 = arith.select %ge3A_1909, %add3A_1907, %broadcast_in_dim3A_1911 : vector<16xi1>, vector<16xi32>
    %min3A_1913 = arith.minsi %broadcast_in_dim3A_1900, %select_n3A_1912 : vector<16xi32>
    %sub3A_1914 = vector.broadcast %reduce_max3A_1898 : f32 to vector<16xf32>
    %sub3A_1915 = arith.subf %add3A_1742, %sub3A_1914 : vector<16xf32>
    %exp3A_1916 = math.exp %sub3A_1915 : vector<16xf32>
    %add3A_1917 = arith.addf %broadcast_in_dim3A_1902, %exp3A_1916 : vector<16xf32>
    %mul3A_1918 = arith.mulf %exp3A_1916, %sub3A_1915 : vector<16xf32>
    %add3A_1919 = arith.addf %broadcast_in_dim3A_1904, %mul3A_1918 : vector<16xf32>
    %add3A_1920 = arith.constant 16 : i32
    %add3A_1921 = vector.broadcast %add3A_1920 : i32 to vector<16xi32>
    %add3A_1922 = arith.addi %iota3A_1724, %add3A_1921 : vector<16xi32>
    %ge3A_1923 = vector.broadcast %reduce_max3A_1894 : f32 to vector<16xf32>
    %ge3A_1924 = arith.cmpf oge, %add3A_1762, %ge3A_1923 : vector<16xf32>
    %jit3A_1925 = arith.constant 1048576 : i32
    %broadcast_in_dim3A_1926 = vector.broadcast %jit3A_1925 : i32 to vector<16xi32>
    %select_n3A_1927 = arith.select %ge3A_1924, %add3A_1922, %broadcast_in_dim3A_1926 : vector<16xi1>, vector<16xi32>
    %min3A_1928 = arith.minsi %min3A_1913, %select_n3A_1927 : vector<16xi32>
    %sub3A_1929 = vector.broadcast %reduce_max3A_1898 : f32 to vector<16xf32>
    %sub3A_1930 = arith.subf %add3A_1761, %sub3A_1929 : vector<16xf32>
    %exp3A_1931 = math.exp %sub3A_1930 : vector<16xf32>
    %add3A_1932 = arith.addf %add3A_1917, %exp3A_1931 : vector<16xf32>
    %mul3A_1933 = arith.mulf %exp3A_1931, %sub3A_1930 : vector<16xf32>
    %add3A_1934 = arith.addf %add3A_1919, %mul3A_1933 : vector<16xf32>
    %add3A_1935 = arith.constant 32 : i32
    %add3A_1936 = vector.broadcast %add3A_1935 : i32 to vector<16xi32>
    %add3A_1937 = arith.addi %iota3A_1724, %add3A_1936 : vector<16xi32>
    %ge3A_1938 = vector.broadcast %reduce_max3A_1894 : f32 to vector<16xf32>
    %ge3A_1939 = arith.cmpf oge, %add3A_1781, %ge3A_1938 : vector<16xf32>
    %jit3A_1940 = arith.constant 1048576 : i32
    %broadcast_in_dim3A_1941 = vector.broadcast %jit3A_1940 : i32 to vector<16xi32>
    %select_n3A_1942 = arith.select %ge3A_1939, %add3A_1937, %broadcast_in_dim3A_1941 : vector<16xi1>, vector<16xi32>
    %min3A_1943 = arith.minsi %min3A_1928, %select_n3A_1942 : vector<16xi32>
    %sub3A_1944 = vector.broadcast %reduce_max3A_1898 : f32 to vector<16xf32>
    %sub3A_1945 = arith.subf %add3A_1780, %sub3A_1944 : vector<16xf32>
    %exp3A_1946 = math.exp %sub3A_1945 : vector<16xf32>
    %add3A_1947 = arith.addf %add3A_1932, %exp3A_1946 : vector<16xf32>
    %mul3A_1948 = arith.mulf %exp3A_1946, %sub3A_1945 : vector<16xf32>
    %add3A_1949 = arith.addf %add3A_1934, %mul3A_1948 : vector<16xf32>
    %add3A_1950 = arith.constant 48 : i32
    %add3A_1951 = vector.broadcast %add3A_1950 : i32 to vector<16xi32>
    %add3A_1952 = arith.addi %iota3A_1724, %add3A_1951 : vector<16xi32>
    %ge3A_1953 = vector.broadcast %reduce_max3A_1894 : f32 to vector<16xf32>
    %ge3A_1954 = arith.cmpf oge, %add3A_1800, %ge3A_1953 : vector<16xf32>
    %jit3A_1955 = arith.constant 1048576 : i32
    %broadcast_in_dim3A_1956 = vector.broadcast %jit3A_1955 : i32 to vector<16xi32>
    %select_n3A_1957 = arith.select %ge3A_1954, %add3A_1952, %broadcast_in_dim3A_1956 : vector<16xi1>, vector<16xi32>
    %min3A_1958 = arith.minsi %min3A_1943, %select_n3A_1957 : vector<16xi32>
    %sub3A_1959 = vector.broadcast %reduce_max3A_1898 : f32 to vector<16xf32>
    %sub3A_1960 = arith.subf %add3A_1799, %sub3A_1959 : vector<16xf32>
    %exp3A_1961 = math.exp %sub3A_1960 : vector<16xf32>
    %add3A_1962 = arith.addf %add3A_1947, %exp3A_1961 : vector<16xf32>
    %mul3A_1963 = arith.mulf %exp3A_1961, %sub3A_1960 : vector<16xf32>
    %add3A_1964 = arith.addf %add3A_1949, %mul3A_1963 : vector<16xf32>
    %add3A_1965 = arith.constant 64 : i32
    %add3A_1966 = vector.broadcast %add3A_1965 : i32 to vector<16xi32>
    %add3A_1967 = arith.addi %iota3A_1724, %add3A_1966 : vector<16xi32>
    %ge3A_1968 = vector.broadcast %reduce_max3A_1894 : f32 to vector<16xf32>
    %ge3A_1969 = arith.cmpf oge, %add3A_1819, %ge3A_1968 : vector<16xf32>
    %jit3A_1970 = arith.constant 1048576 : i32
    %broadcast_in_dim3A_1971 = vector.broadcast %jit3A_1970 : i32 to vector<16xi32>
    %select_n3A_1972 = arith.select %ge3A_1969, %add3A_1967, %broadcast_in_dim3A_1971 : vector<16xi1>, vector<16xi32>
    %min3A_1973 = arith.minsi %min3A_1958, %select_n3A_1972 : vector<16xi32>
    %sub3A_1974 = vector.broadcast %reduce_max3A_1898 : f32 to vector<16xf32>
    %sub3A_1975 = arith.subf %add3A_1818, %sub3A_1974 : vector<16xf32>
    %exp3A_1976 = math.exp %sub3A_1975 : vector<16xf32>
    %add3A_1977 = arith.addf %add3A_1962, %exp3A_1976 : vector<16xf32>
    %mul3A_1978 = arith.mulf %exp3A_1976, %sub3A_1975 : vector<16xf32>
    %add3A_1979 = arith.addf %add3A_1964, %mul3A_1978 : vector<16xf32>
    %add3A_1980 = arith.constant 80 : i32
    %add3A_1981 = vector.broadcast %add3A_1980 : i32 to vector<16xi32>
    %add3A_1982 = arith.addi %iota3A_1724, %add3A_1981 : vector<16xi32>
    %ge3A_1983 = vector.broadcast %reduce_max3A_1894 : f32 to vector<16xf32>
    %ge3A_1984 = arith.cmpf oge, %add3A_1838, %ge3A_1983 : vector<16xf32>
    %jit3A_1985 = arith.constant 1048576 : i32
    %broadcast_in_dim3A_1986 = vector.broadcast %jit3A_1985 : i32 to vector<16xi32>
    %select_n3A_1987 = arith.select %ge3A_1984, %add3A_1982, %broadcast_in_dim3A_1986 : vector<16xi1>, vector<16xi32>
    %min3A_1988 = arith.minsi %min3A_1973, %select_n3A_1987 : vector<16xi32>
    %sub3A_1989 = vector.broadcast %reduce_max3A_1898 : f32 to vector<16xf32>
    %sub3A_1990 = arith.subf %add3A_1837, %sub3A_1989 : vector<16xf32>
    %exp3A_1991 = math.exp %sub3A_1990 : vector<16xf32>
    %add3A_1992 = arith.addf %add3A_1977, %exp3A_1991 : vector<16xf32>
    %mul3A_1993 = arith.mulf %exp3A_1991, %sub3A_1990 : vector<16xf32>
    %add3A_1994 = arith.addf %add3A_1979, %mul3A_1993 : vector<16xf32>
    %add3A_1995 = arith.constant 96 : i32
    %add3A_1996 = vector.broadcast %add3A_1995 : i32 to vector<16xi32>
    %add3A_1997 = arith.addi %iota3A_1724, %add3A_1996 : vector<16xi32>
    %ge3A_1998 = vector.broadcast %reduce_max3A_1894 : f32 to vector<16xf32>
    %ge3A_1999 = arith.cmpf oge, %add3A_1857, %ge3A_1998 : vector<16xf32>
    %jit3A_2000 = arith.constant 1048576 : i32
    %broadcast_in_dim3A_2001 = vector.broadcast %jit3A_2000 : i32 to vector<16xi32>
    %select_n3A_2002 = arith.select %ge3A_1999, %add3A_1997, %broadcast_in_dim3A_2001 : vector<16xi1>, vector<16xi32>
    %min3A_2003 = arith.minsi %min3A_1988, %select_n3A_2002 : vector<16xi32>
    %sub3A_2004 = vector.broadcast %reduce_max3A_1898 : f32 to vector<16xf32>
    %sub3A_2005 = arith.subf %add3A_1856, %sub3A_2004 : vector<16xf32>
    %exp3A_2006 = math.exp %sub3A_2005 : vector<16xf32>
    %add3A_2007 = arith.addf %add3A_1992, %exp3A_2006 : vector<16xf32>
    %mul3A_2008 = arith.mulf %exp3A_2006, %sub3A_2005 : vector<16xf32>
    %add3A_2009 = arith.addf %add3A_1994, %mul3A_2008 : vector<16xf32>
    %add3A_2010 = arith.constant 112 : i32
    %add3A_2011 = vector.broadcast %add3A_2010 : i32 to vector<16xi32>
    %add3A_2012 = arith.addi %iota3A_1724, %add3A_2011 : vector<16xi32>
    %ge3A_2013 = vector.broadcast %reduce_max3A_1894 : f32 to vector<16xf32>
    %ge3A_2014 = arith.cmpf oge, %add3A_1876, %ge3A_2013 : vector<16xf32>
    %jit3A_2015 = arith.constant 1048576 : i32
    %broadcast_in_dim3A_2016 = vector.broadcast %jit3A_2015 : i32 to vector<16xi32>
    %select_n3A_2017 = arith.select %ge3A_2014, %add3A_2012, %broadcast_in_dim3A_2016 : vector<16xi1>, vector<16xi32>
    %min3A_2018 = arith.minsi %min3A_2003, %select_n3A_2017 : vector<16xi32>
    %sub3A_2019 = vector.broadcast %reduce_max3A_1898 : f32 to vector<16xf32>
    %sub3A_2020 = arith.subf %add3A_1875, %sub3A_2019 : vector<16xf32>
    %exp3A_2021 = math.exp %sub3A_2020 : vector<16xf32>
    %add3A_2022 = arith.addf %add3A_2007, %exp3A_2021 : vector<16xf32>
    %mul3A_2023 = arith.mulf %exp3A_2021, %sub3A_2020 : vector<16xf32>
    %add3A_2024 = arith.addf %add3A_2009, %mul3A_2023 : vector<16xf32>
    %reduce_min3A_2025 = arith.constant true
    %reduce_min3A_2026 = vector.broadcast %reduce_min3A_2025 : i1 to vector<16xi1>
    %reduce_min3A_2027 = arith.constant -2147483648 : i32
    %reduce_min3A_2028 = vector.broadcast %reduce_min3A_2027 : i32 to vector<16xi32>
    %reduce_min3A_2029 = arith.xori %min3A_2018, %reduce_min3A_2028 : vector<16xi32>
    %reduce_min3A_2030 = tpu.scan <min>, %reduce_min3A_2029 masked %reduce_min3A_2026 : vector<16xi32>, vector<16xi1> -> vector<16xi32>
    %reduce_min3A_2031 = arith.xori %reduce_min3A_2030, %reduce_min3A_2028 : vector<16xi32>
    %reduce_min3A_2032 = vector.extract %reduce_min3A_2031[15] : i32 from vector<16xi32>
    %broadcast_in_dim3A_2033 = arith.constant 0.000000e+00 : f32
    %broadcast_in_dim3A_2034 = vector.broadcast %broadcast_in_dim3A_2033 : f32 to vector<16xf32>
    %add3A_2035 = arith.constant 0 : i32
    %add3A_2036 = vector.broadcast %add3A_2035 : i32 to vector<16xi32>
    %add3A_2037 = arith.addi %iota3A_1724, %add3A_2036 : vector<16xi32>
    %eq3A_2038 = vector.broadcast %reduce_min3A_2032 : i32 to vector<16xi32>
    %eq3A_2039 = arith.cmpi eq, %add3A_2037, %eq3A_2038 : vector<16xi32>
    %sub3A_2040 = vector.broadcast %reduce_max3A_1898 : f32 to vector<16xf32>
    %sub3A_2041 = arith.subf %add3A_1742, %sub3A_2040 : vector<16xf32>
    %jit3A_2042 = arith.constant 0.000000e+00 : f32
    %broadcast_in_dim3A_2043 = vector.broadcast %jit3A_2042 : f32 to vector<16xf32>
    %select_n3A_2044 = arith.select %eq3A_2039, %sub3A_2041, %broadcast_in_dim3A_2043 : vector<16xi1>, vector<16xf32>
    %add3A_2045 = arith.addf %broadcast_in_dim3A_2034, %select_n3A_2044 : vector<16xf32>
    %add3A_2046 = arith.constant 16 : i32
    %add3A_2047 = vector.broadcast %add3A_2046 : i32 to vector<16xi32>
    %add3A_2048 = arith.addi %iota3A_1724, %add3A_2047 : vector<16xi32>
    %eq3A_2049 = vector.broadcast %reduce_min3A_2032 : i32 to vector<16xi32>
    %eq3A_2050 = arith.cmpi eq, %add3A_2048, %eq3A_2049 : vector<16xi32>
    %sub3A_2051 = vector.broadcast %reduce_max3A_1898 : f32 to vector<16xf32>
    %sub3A_2052 = arith.subf %add3A_1761, %sub3A_2051 : vector<16xf32>
    %jit3A_2053 = arith.constant 0.000000e+00 : f32
    %broadcast_in_dim3A_2054 = vector.broadcast %jit3A_2053 : f32 to vector<16xf32>
    %select_n3A_2055 = arith.select %eq3A_2050, %sub3A_2052, %broadcast_in_dim3A_2054 : vector<16xi1>, vector<16xf32>
    %add3A_2056 = arith.addf %add3A_2045, %select_n3A_2055 : vector<16xf32>
    %add3A_2057 = arith.constant 32 : i32
    %add3A_2058 = vector.broadcast %add3A_2057 : i32 to vector<16xi32>
    %add3A_2059 = arith.addi %iota3A_1724, %add3A_2058 : vector<16xi32>
    %eq3A_2060 = vector.broadcast %reduce_min3A_2032 : i32 to vector<16xi32>
    %eq3A_2061 = arith.cmpi eq, %add3A_2059, %eq3A_2060 : vector<16xi32>
    %sub3A_2062 = vector.broadcast %reduce_max3A_1898 : f32 to vector<16xf32>
    %sub3A_2063 = arith.subf %add3A_1780, %sub3A_2062 : vector<16xf32>
    %jit3A_2064 = arith.constant 0.000000e+00 : f32
    %broadcast_in_dim3A_2065 = vector.broadcast %jit3A_2064 : f32 to vector<16xf32>
    %select_n3A_2066 = arith.select %eq3A_2061, %sub3A_2063, %broadcast_in_dim3A_2065 : vector<16xi1>, vector<16xf32>
    %add3A_2067 = arith.addf %add3A_2056, %select_n3A_2066 : vector<16xf32>
    %add3A_2068 = arith.constant 48 : i32
    %add3A_2069 = vector.broadcast %add3A_2068 : i32 to vector<16xi32>
    %add3A_2070 = arith.addi %iota3A_1724, %add3A_2069 : vector<16xi32>
    %eq3A_2071 = vector.broadcast %reduce_min3A_2032 : i32 to vector<16xi32>
    %eq3A_2072 = arith.cmpi eq, %add3A_2070, %eq3A_2071 : vector<16xi32>
    %sub3A_2073 = vector.broadcast %reduce_max3A_1898 : f32 to vector<16xf32>
    %sub3A_2074 = arith.subf %add3A_1799, %sub3A_2073 : vector<16xf32>
    %jit3A_2075 = arith.constant 0.000000e+00 : f32
    %broadcast_in_dim3A_2076 = vector.broadcast %jit3A_2075 : f32 to vector<16xf32>
    %select_n3A_2077 = arith.select %eq3A_2072, %sub3A_2074, %broadcast_in_dim3A_2076 : vector<16xi1>, vector<16xf32>
    %add3A_2078 = arith.addf %add3A_2067, %select_n3A_2077 : vector<16xf32>
    %add3A_2079 = arith.constant 64 : i32
    %add3A_2080 = vector.broadcast %add3A_2079 : i32 to vector<16xi32>
    %add3A_2081 = arith.addi %iota3A_1724, %add3A_2080 : vector<16xi32>
    %eq3A_2082 = vector.broadcast %reduce_min3A_2032 : i32 to vector<16xi32>
    %eq3A_2083 = arith.cmpi eq, %add3A_2081, %eq3A_2082 : vector<16xi32>
    %sub3A_2084 = vector.broadcast %reduce_max3A_1898 : f32 to vector<16xf32>
    %sub3A_2085 = arith.subf %add3A_1818, %sub3A_2084 : vector<16xf32>
    %jit3A_2086 = arith.constant 0.000000e+00 : f32
    %broadcast_in_dim3A_2087 = vector.broadcast %jit3A_2086 : f32 to vector<16xf32>
    %select_n3A_2088 = arith.select %eq3A_2083, %sub3A_2085, %broadcast_in_dim3A_2087 : vector<16xi1>, vector<16xf32>
    %add3A_2089 = arith.addf %add3A_2078, %select_n3A_2088 : vector<16xf32>
    %add3A_2090 = arith.constant 80 : i32
    %add3A_2091 = vector.broadcast %add3A_2090 : i32 to vector<16xi32>
    %add3A_2092 = arith.addi %iota3A_1724, %add3A_2091 : vector<16xi32>
    %eq3A_2093 = vector.broadcast %reduce_min3A_2032 : i32 to vector<16xi32>
    %eq3A_2094 = arith.cmpi eq, %add3A_2092, %eq3A_2093 : vector<16xi32>
    %sub3A_2095 = vector.broadcast %reduce_max3A_1898 : f32 to vector<16xf32>
    %sub3A_2096 = arith.subf %add3A_1837, %sub3A_2095 : vector<16xf32>
    %jit3A_2097 = arith.constant 0.000000e+00 : f32
    %broadcast_in_dim3A_2098 = vector.broadcast %jit3A_2097 : f32 to vector<16xf32>
    %select_n3A_2099 = arith.select %eq3A_2094, %sub3A_2096, %broadcast_in_dim3A_2098 : vector<16xi1>, vector<16xf32>
    %add3A_2100 = arith.addf %add3A_2089, %select_n3A_2099 : vector<16xf32>
    %add3A_2101 = arith.constant 96 : i32
    %add3A_2102 = vector.broadcast %add3A_2101 : i32 to vector<16xi32>
    %add3A_2103 = arith.addi %iota3A_1724, %add3A_2102 : vector<16xi32>
    %eq3A_2104 = vector.broadcast %reduce_min3A_2032 : i32 to vector<16xi32>
    %eq3A_2105 = arith.cmpi eq, %add3A_2103, %eq3A_2104 : vector<16xi32>
    %sub3A_2106 = vector.broadcast %reduce_max3A_1898 : f32 to vector<16xf32>
    %sub3A_2107 = arith.subf %add3A_1856, %sub3A_2106 : vector<16xf32>
    %jit3A_2108 = arith.constant 0.000000e+00 : f32
    %broadcast_in_dim3A_2109 = vector.broadcast %jit3A_2108 : f32 to vector<16xf32>
    %select_n3A_2110 = arith.select %eq3A_2105, %sub3A_2107, %broadcast_in_dim3A_2109 : vector<16xi1>, vector<16xf32>
    %add3A_2111 = arith.addf %add3A_2100, %select_n3A_2110 : vector<16xf32>
    %add3A_2112 = arith.constant 112 : i32
    %add3A_2113 = vector.broadcast %add3A_2112 : i32 to vector<16xi32>
    %add3A_2114 = arith.addi %iota3A_1724, %add3A_2113 : vector<16xi32>
    %eq3A_2115 = vector.broadcast %reduce_min3A_2032 : i32 to vector<16xi32>
    %eq3A_2116 = arith.cmpi eq, %add3A_2114, %eq3A_2115 : vector<16xi32>
    %sub3A_2117 = vector.broadcast %reduce_max3A_1898 : f32 to vector<16xf32>
    %sub3A_2118 = arith.subf %add3A_1875, %sub3A_2117 : vector<16xf32>
    %jit3A_2119 = arith.constant 0.000000e+00 : f32
    %broadcast_in_dim3A_2120 = vector.broadcast %jit3A_2119 : f32 to vector<16xf32>
    %select_n3A_2121 = arith.select %eq3A_2116, %sub3A_2118, %broadcast_in_dim3A_2120 : vector<16xi1>, vector<16xf32>
    %add3A_2122 = arith.addf %add3A_2111, %select_n3A_2121 : vector<16xf32>
    %reduce_sum3A_2123 = arith.constant true
    %reduce_sum3A_2124 = vector.broadcast %reduce_sum3A_2123 : i1 to vector<16xi1>
    %reduce_sum3A_2125 = tpu.scan <sum>, %add3A_2022 masked %reduce_sum3A_2124 : vector<16xf32>, vector<16xi1> -> vector<16xf32>
    %reduce_sum3A_2126 = vector.extract %reduce_sum3A_2125[15] : f32 from vector<16xf32>
    %bitcast_convert_type3A_2127 = arith.bitcast %reduce_sum3A_2126 : f32 to i32
    %shift_right_logical3A_2128 = arith.constant 23 : i32
    %shift_right_logical3A_2129 = arith.shrui %bitcast_convert_type3A_2127, %shift_right_logical3A_2128 : i32
    %sub3A_2130 = arith.constant 127 : i32
    %sub3A_2131 = arith.subi %shift_right_logical3A_2129, %sub3A_2130 : i32
    %and3A_2132 = arith.constant 8388607 : i32
    %and3A_2133 = arith.andi %bitcast_convert_type3A_2127, %and3A_2132 : i32
    %or3A_2134 = arith.constant 1065353216 : i32
    %or3A_2135 = arith.ori %and3A_2133, %or3A_2134 : i32
    %bitcast_convert_type3A_2136 = arith.bitcast %or3A_2135 : i32 to f32
    %gt3A_2137 = arith.constant 1.41421354 : f32
    %gt3A_2138 = arith.cmpf ogt, %bitcast_convert_type3A_2136, %gt3A_2137 : f32
    %mul3A_2139 = arith.constant 5.000000e-01 : f32
    %mul3A_2140 = arith.mulf %bitcast_convert_type3A_2136, %mul3A_2139 : f32
    %select_n3A_2141 = arith.select %gt3A_2138, %mul3A_2140, %bitcast_convert_type3A_2136 : f32
    %add3A_2142 = arith.constant 1 : i32
    %add3A_2143 = arith.addi %sub3A_2131, %add3A_2142 : i32
    %select_n3A_2144 = arith.select %gt3A_2138, %add3A_2143, %sub3A_2131 : i32
    %sub3A_2145 = arith.constant 1.000000e+00 : f32
    %sub3A_2146 = arith.subf %select_n3A_2141, %sub3A_2145 : f32
    %add3A_2147 = arith.constant 1.000000e+00 : f32
    %add3A_2148 = arith.addf %select_n3A_2141, %add3A_2147 : f32
    %bitcast_convert_type3A_2149 = arith.bitcast %add3A_2148 : f32 to i32
    %sub3A_2150 = arith.constant 2129859011 : i32
    %sub3A_2151 = arith.subi %sub3A_2150, %bitcast_convert_type3A_2149 : i32
    %bitcast_convert_type3A_2152 = arith.bitcast %sub3A_2151 : i32 to f32
    %mul3A_2153 = arith.mulf %add3A_2148, %bitcast_convert_type3A_2152 : f32
    %sub3A_2154 = arith.constant 2.000000e+00 : f32
    %sub3A_2155 = arith.subf %sub3A_2154, %mul3A_2153 : f32
    %mul3A_2156 = arith.mulf %bitcast_convert_type3A_2152, %sub3A_2155 : f32
    %mul3A_2157 = arith.mulf %add3A_2148, %mul3A_2156 : f32
    %sub3A_2158 = arith.constant 2.000000e+00 : f32
    %sub3A_2159 = arith.subf %sub3A_2158, %mul3A_2157 : f32
    %mul3A_2160 = arith.mulf %mul3A_2156, %sub3A_2159 : f32
    %mul3A_2161 = arith.mulf %add3A_2148, %mul3A_2160 : f32
    %sub3A_2162 = arith.constant 2.000000e+00 : f32
    %sub3A_2163 = arith.subf %sub3A_2162, %mul3A_2161 : f32
    %mul3A_2164 = arith.mulf %mul3A_2160, %sub3A_2163 : f32
    %mul3A_2165 = arith.mulf %sub3A_2146, %mul3A_2164 : f32
    %mul3A_2166 = arith.mulf %mul3A_2165, %mul3A_2165 : f32
    %mul3A_2167 = arith.constant 2.000000e+00 : f32
    %mul3A_2168 = arith.mulf %mul3A_2167, %mul3A_2165 : f32
    %mul3A_2169 = arith.constant 0.111111112 : f32
    %mul3A_2170 = arith.mulf %mul3A_2166, %mul3A_2169 : f32
    %add3A_2171 = arith.constant 0.142857134 : f32
    %add3A_2172 = arith.addf %add3A_2171, %mul3A_2170 : f32
    %mul3A_2173 = arith.mulf %mul3A_2166, %add3A_2172 : f32
    %add3A_2174 = arith.constant 2.000000e-01 : f32
    %add3A_2175 = arith.addf %add3A_2174, %mul3A_2173 : f32
    %mul3A_2176 = arith.mulf %mul3A_2166, %add3A_2175 : f32
    %add3A_2177 = arith.constant 0.333333343 : f32
    %add3A_2178 = arith.addf %add3A_2177, %mul3A_2176 : f32
    %mul3A_2179 = arith.mulf %mul3A_2166, %add3A_2178 : f32
    %add3A_2180 = arith.constant 1.000000e+00 : f32
    %add3A_2181 = arith.addf %add3A_2180, %mul3A_2179 : f32
    %mul3A_2182 = arith.mulf %mul3A_2168, %add3A_2181 : f32
    %convert_element_type3A_2183 = arith.sitofp %select_n3A_2144 : i32 to f32
    %mul3A_2184 = arith.constant 0.693147182 : f32
    %mul3A_2185 = arith.mulf %convert_element_type3A_2183, %mul3A_2184 : f32
    %add3A_2186 = arith.addf %mul3A_2185, %mul3A_2182 : f32
    %reduce_sum3A_2187 = arith.constant true
    %reduce_sum3A_2188 = vector.broadcast %reduce_sum3A_2187 : i1 to vector<16xi1>
    %reduce_sum3A_2189 = tpu.scan <sum>, %add3A_2122 masked %reduce_sum3A_2188 : vector<16xf32>, vector<16xi1> -> vector<16xf32>
    %reduce_sum3A_2190 = vector.extract %reduce_sum3A_2189[15] : f32 from vector<16xf32>
    %sub3A_2191 = arith.subf %reduce_sum3A_2190, %add3A_2186 : f32
    %reduce_sum3A_2192 = arith.constant true
    %reduce_sum3A_2193 = vector.broadcast %reduce_sum3A_2192 : i1 to vector<16xi1>
    %reduce_sum3A_2194 = tpu.scan <sum>, %add3A_2024 masked %reduce_sum3A_2193 : vector<16xf32>, vector<16xi1> -> vector<16xf32>
    %reduce_sum3A_2195 = vector.extract %reduce_sum3A_2194[15] : f32 from vector<16xf32>
    %bitcast_convert_type3A_2196 = arith.bitcast %reduce_sum3A_2126 : f32 to i32
    %sub3A_2197 = arith.constant 2129859011 : i32
    %sub3A_2198 = arith.subi %sub3A_2197, %bitcast_convert_type3A_2196 : i32
    %bitcast_convert_type3A_2199 = arith.bitcast %sub3A_2198 : i32 to f32
    %mul3A_2200 = arith.mulf %reduce_sum3A_2126, %bitcast_convert_type3A_2199 : f32
    %sub3A_2201 = arith.constant 2.000000e+00 : f32
    %sub3A_2202 = arith.subf %sub3A_2201, %mul3A_2200 : f32
    %mul3A_2203 = arith.mulf %bitcast_convert_type3A_2199, %sub3A_2202 : f32
    %mul3A_2204 = arith.mulf %reduce_sum3A_2126, %mul3A_2203 : f32
    %sub3A_2205 = arith.constant 2.000000e+00 : f32
    %sub3A_2206 = arith.subf %sub3A_2205, %mul3A_2204 : f32
    %mul3A_2207 = arith.mulf %mul3A_2203, %sub3A_2206 : f32
    %mul3A_2208 = arith.mulf %reduce_sum3A_2126, %mul3A_2207 : f32
    %sub3A_2209 = arith.constant 2.000000e+00 : f32
    %sub3A_2210 = arith.subf %sub3A_2209, %mul3A_2208 : f32
    %mul3A_2211 = arith.mulf %mul3A_2207, %sub3A_2210 : f32
    %mul3A_2212 = arith.mulf %reduce_sum3A_2195, %mul3A_2211 : f32
    %sub3A_2213 = arith.subf %add3A_2186, %mul3A_2212 : f32
    %iota3A_2214 = tpu.iota {dimensions = array<i32: 0>} : vector<16xi32>
    %get3A_2215 = arith.constant 1 : i32
    %get3A_2216 = arith.index_cast %get3A_2215 : i32 to index
    %get3A_2217 = arith.constant 256 : index
    %get3A_2218 = tpu.vector_load %arg7[%get3A_2216, %get3A_2217] {strides = array<i32>} : memref<2x384xf32, #tpu.memory_space<vmem>>, vector<16xf32>,
    %get3A_2219 = arith.constant 1 : i32
    %get3A_2220 = arith.index_cast %get3A_2219 : i32 to index
    %get3A_2221 = arith.constant 256 : index
    %get3A_2222 = tpu.vector_load %arg8[%get3A_2220, %get3A_2221] {strides = array<i32>} : memref<2x384xf32, #tpu.memory_space<vmem>>, vector<16xf32>,
    %get3A_2223 = arith.constant 1 : i32
    %get3A_2224 = arith.index_cast %get3A_2223 : i32 to index
    %get3A_2225 = arith.constant 128 : index
    %get3A_2226 = tpu.vector_load %arg9[%get3A_2224, %get3A_2225] {strides = array<i32>} : memref<16x256xf32, #tpu.memory_space<vmem>>, vector<16xf32>,
    %get3A_2227 = arith.constant 1 : i32
    %get3A_2228 = arith.index_cast %get3A_2227 : i32 to index
    %get3A_2229 = arith.constant 0 : index
    %get3A_2230 = tpu.vector_load %arg10[%get3A_2228, %get3A_2229] {strides = array<i32>} : memref<16x128xf32, #tpu.memory_space<vmem>>, vector<16xf32>,
    %add3A_2231 = arith.addf %get3A_2226, %get3A_2230 : vector<16xf32>
    %add3A_2232 = arith.addf %get3A_2218, %add3A_2231 : vector<16xf32>
    %add3A_2233 = arith.addf %get3A_2222, %add3A_2231 : vector<16xf32>
    %get3A_2234 = arith.constant 1 : i32
    %get3A_2235 = arith.index_cast %get3A_2234 : i32 to index
    %get3A_2236 = arith.constant 272 : index
    %get3A_2237 = tpu.vector_load %arg7[%get3A_2235, %get3A_2236] {strides = array<i32>} : memref<2x384xf32, #tpu.memory_space<vmem>>, vector<16xf32>,
    %get3A_2238 = arith.constant 1 : i32
    %get3A_2239 = arith.index_cast %get3A_2238 : i32 to index
    %get3A_2240 = arith.constant 272 : index
    %get3A_2241 = tpu.vector_load %arg8[%get3A_2239, %get3A_2240] {strides = array<i32>} : memref<2x384xf32, #tpu.memory_space<vmem>>, vector<16xf32>,
    %get3A_2242 = arith.constant 1 : i32
    %get3A_2243 = arith.index_cast %get3A_2242 : i32 to index
    %get3A_2244 = arith.constant 144 : index
    %get3A_2245 = tpu.vector_load %arg9[%get3A_2243, %get3A_2244] {strides = array<i32>} : memref<16x256xf32, #tpu.memory_space<vmem>>, vector<16xf32>,
    %get3A_2246 = arith.constant 1 : i32
    %get3A_2247 = arith.index_cast %get3A_2246 : i32 to index
    %get3A_2248 = arith.constant 16 : index
    %get3A_2249 = tpu.vector_load %arg10[%get3A_2247, %get3A_2248] {strides = array<i32>} : memref<16x128xf32, #tpu.memory_space<vmem>>, vector<16xf32>,
    %add3A_2250 = arith.addf %get3A_2245, %get3A_2249 : vector<16xf32>
    %add3A_2251 = arith.addf %get3A_2237, %add3A_2250 : vector<16xf32>
    %add3A_2252 = arith.addf %get3A_2241, %add3A_2250 : vector<16xf32>
    %get3A_2253 = arith.constant 1 : i32
    %get3A_2254 = arith.index_cast %get3A_2253 : i32 to index
    %get3A_2255 = arith.constant 288 : index
    %get3A_2256 = tpu.vector_load %arg7[%get3A_2254, %get3A_2255] {strides = array<i32>} : memref<2x384xf32, #tpu.memory_space<vmem>>, vector<16xf32>,
    %get3A_2257 = arith.constant 1 : i32
    %get3A_2258 = arith.index_cast %get3A_2257 : i32 to index
    %get3A_2259 = arith.constant 288 : index
    %get3A_2260 = tpu.vector_load %arg8[%get3A_2258, %get3A_2259] {strides = array<i32>} : memref<2x384xf32, #tpu.memory_space<vmem>>, vector<16xf32>,
    %get3A_2261 = arith.constant 1 : i32
    %get3A_2262 = arith.index_cast %get3A_2261 : i32 to index
    %get3A_2263 = arith.constant 160 : index
    %get3A_2264 = tpu.vector_load %arg9[%get3A_2262, %get3A_2263] {strides = array<i32>} : memref<16x256xf32, #tpu.memory_space<vmem>>, vector<16xf32>,
    %get3A_2265 = arith.constant 1 : i32
    %get3A_2266 = arith.index_cast %get3A_2265 : i32 to index
    %get3A_2267 = arith.constant 32 : index
    %get3A_2268 = tpu.vector_load %arg10[%get3A_2266, %get3A_2267] {strides = array<i32>} : memref<16x128xf32, #tpu.memory_space<vmem>>, vector<16xf32>,
    %add3A_2269 = arith.addf %get3A_2264, %get3A_2268 : vector<16xf32>
    %add3A_2270 = arith.addf %get3A_2256, %add3A_2269 : vector<16xf32>
    %add3A_2271 = arith.addf %get3A_2260, %add3A_2269 : vector<16xf32>
    %get3A_2272 = arith.constant 1 : i32
    %get3A_2273 = arith.index_cast %get3A_2272 : i32 to index
    %get3A_2274 = arith.constant 304 : index
    %get3A_2275 = tpu.vector_load %arg7[%get3A_2273, %get3A_2274] {strides = array<i32>} : memref<2x384xf32, #tpu.memory_space<vmem>>, vector<16xf32>,
    %get3A_2276 = arith.constant 1 : i32
    %get3A_2277 = arith.index_cast %get3A_2276 : i32 to index
    %get3A_2278 = arith.constant 304 : index
    %get3A_2279 = tpu.vector_load %arg8[%get3A_2277, %get3A_2278] {strides = array<i32>} : memref<2x384xf32, #tpu.memory_space<vmem>>, vector<16xf32>,
    %get3A_2280 = arith.constant 1 : i32
    %get3A_2281 = arith.index_cast %get3A_2280 : i32 to index
    %get3A_2282 = arith.constant 176 : index
    %get3A_2283 = tpu.vector_load %arg9[%get3A_2281, %get3A_2282] {strides = array<i32>} : memref<16x256xf32, #tpu.memory_space<vmem>>, vector<16xf32>,
    %get3A_2284 = arith.constant 1 : i32
    %get3A_2285 = arith.index_cast %get3A_2284 : i32 to index
    %get3A_2286 = arith.constant 48 : index
    %get3A_2287 = tpu.vector_load %arg10[%get3A_2285, %get3A_2286] {strides = array<i32>} : memref<16x128xf32, #tpu.memory_space<vmem>>, vector<16xf32>,
    %add3A_2288 = arith.addf %get3A_2283, %get3A_2287 : vector<16xf32>
    %add3A_2289 = arith.addf %get3A_2275, %add3A_2288 : vector<16xf32>
    %add3A_2290 = arith.addf %get3A_2279, %add3A_2288 : vector<16xf32>
    %get3A_2291 = arith.constant 1 : i32
    %get3A_2292 = arith.index_cast %get3A_2291 : i32 to index
    %get3A_2293 = arith.constant 320 : index
    %get3A_2294 = tpu.vector_load %arg7[%get3A_2292, %get3A_2293] {strides = array<i32>} : memref<2x384xf32, #tpu.memory_space<vmem>>, vector<16xf32>,
    %get3A_2295 = arith.constant 1 : i32
    %get3A_2296 = arith.index_cast %get3A_2295 : i32 to index
    %get3A_2297 = arith.constant 320 : index
    %get3A_2298 = tpu.vector_load %arg8[%get3A_2296, %get3A_2297] {strides = array<i32>} : memref<2x384xf32, #tpu.memory_space<vmem>>, vector<16xf32>,
    %get3A_2299 = arith.constant 1 : i32
    %get3A_2300 = arith.index_cast %get3A_2299 : i32 to index
    %get3A_2301 = arith.constant 192 : index
    %get3A_2302 = tpu.vector_load %arg9[%get3A_2300, %get3A_2301] {strides = array<i32>} : memref<16x256xf32, #tpu.memory_space<vmem>>, vector<16xf32>,
    %get3A_2303 = arith.constant 1 : i32
    %get3A_2304 = arith.index_cast %get3A_2303 : i32 to index
    %get3A_2305 = arith.constant 64 : index
    %get3A_2306 = tpu.vector_load %arg10[%get3A_2304, %get3A_2305] {strides = array<i32>} : memref<16x128xf32, #tpu.memory_space<vmem>>, vector<16xf32>,
    %add3A_2307 = arith.addf %get3A_2302, %get3A_2306 : vector<16xf32>
    %add3A_2308 = arith.addf %get3A_2294, %add3A_2307 : vector<16xf32>
    %add3A_2309 = arith.addf %get3A_2298, %add3A_2307 : vector<16xf32>
    %get3A_2310 = arith.constant 1 : i32
    %get3A_2311 = arith.index_cast %get3A_2310 : i32 to index
    %get3A_2312 = arith.constant 336 : index
    %get3A_2313 = tpu.vector_load %arg7[%get3A_2311, %get3A_2312] {strides = array<i32>} : memref<2x384xf32, #tpu.memory_space<vmem>>, vector<16xf32>,
    %get3A_2314 = arith.constant 1 : i32
    %get3A_2315 = arith.index_cast %get3A_2314 : i32 to index
    %get3A_2316 = arith.constant 336 : index
    %get3A_2317 = tpu.vector_load %arg8[%get3A_2315, %get3A_2316] {strides = array<i32>} : memref<2x384xf32, #tpu.memory_space<vmem>>, vector<16xf32>,
    %get3A_2318 = arith.constant 1 : i32
    %get3A_2319 = arith.index_cast %get3A_2318 : i32 to index
    %get3A_2320 = arith.constant 208 : index
    %get3A_2321 = tpu.vector_load %arg9[%get3A_2319, %get3A_2320] {strides = array<i32>} : memref<16x256xf32, #tpu.memory_space<vmem>>, vector<16xf32>,
    %get3A_2322 = arith.constant 1 : i32
    %get3A_2323 = arith.index_cast %get3A_2322 : i32 to index
    %get3A_2324 = arith.constant 80 : index
    %get3A_2325 = tpu.vector_load %arg10[%get3A_2323, %get3A_2324] {strides = array<i32>} : memref<16x128xf32, #tpu.memory_space<vmem>>, vector<16xf32>,
    %add3A_2326 = arith.addf %get3A_2321, %get3A_2325 : vector<16xf32>
    %add3A_2327 = arith.addf %get3A_2313, %add3A_2326 : vector<16xf32>
    %add3A_2328 = arith.addf %get3A_2317, %add3A_2326 : vector<16xf32>
    %get3A_2329 = arith.constant 1 : i32
    %get3A_2330 = arith.index_cast %get3A_2329 : i32 to index
    %get3A_2331 = arith.constant 352 : index
    %get3A_2332 = tpu.vector_load %arg7[%get3A_2330, %get3A_2331] {strides = array<i32>} : memref<2x384xf32, #tpu.memory_space<vmem>>, vector<16xf32>,
    %get3A_2333 = arith.constant 1 : i32
    %get3A_2334 = arith.index_cast %get3A_2333 : i32 to index
    %get3A_2335 = arith.constant 352 : index
    %get3A_2336 = tpu.vector_load %arg8[%get3A_2334, %get3A_2335] {strides = array<i32>} : memref<2x384xf32, #tpu.memory_space<vmem>>, vector<16xf32>,
    %get3A_2337 = arith.constant 1 : i32
    %get3A_2338 = arith.index_cast %get3A_2337 : i32 to index
    %get3A_2339 = arith.constant 224 : index
    %get3A_2340 = tpu.vector_load %arg9[%get3A_2338, %get3A_2339] {strides = array<i32>} : memref<16x256xf32, #tpu.memory_space<vmem>>, vector<16xf32>,
    %get3A_2341 = arith.constant 1 : i32
    %get3A_2342 = arith.index_cast %get3A_2341 : i32 to index
    %get3A_2343 = arith.constant 96 : index
    %get3A_2344 = tpu.vector_load %arg10[%get3A_2342, %get3A_2343] {strides = array<i32>} : memref<16x128xf32, #tpu.memory_space<vmem>>, vector<16xf32>,
    %add3A_2345 = arith.addf %get3A_2340, %get3A_2344 : vector<16xf32>
    %add3A_2346 = arith.addf %get3A_2332, %add3A_2345 : vector<16xf32>
    %add3A_2347 = arith.addf %get3A_2336, %add3A_2345 : vector<16xf32>
    %get3A_2348 = arith.constant 1 : i32
    %get3A_2349 = arith.index_cast %get3A_2348 : i32 to index
    %get3A_2350 = arith.constant 368 : index
    %get3A_2351 = tpu.vector_load %arg7[%get3A_2349, %get3A_2350] {strides = array<i32>} : memref<2x384xf32, #tpu.memory_space<vmem>>, vector<16xf32>,
    %get3A_2352 = arith.constant 1 : i32
    %get3A_2353 = arith.index_cast %get3A_2352 : i32 to index
    %get3A_2354 = arith.constant 368 : index
    %get3A_2355 = tpu.vector_load %arg8[%get3A_2353, %get3A_2354] {strides = array<i32>} : memref<2x384xf32, #tpu.memory_space<vmem>>, vector<16xf32>,
    %get3A_2356 = arith.constant 1 : i32
    %get3A_2357 = arith.index_cast %get3A_2356 : i32 to index
    %get3A_2358 = arith.constant 240 : index
    %get3A_2359 = tpu.vector_load %arg9[%get3A_2357, %get3A_2358] {strides = array<i32>} : memref<16x256xf32, #tpu.memory_space<vmem>>, vector<16xf32>,
    %get3A_2360 = arith.constant 1 : i32
    %get3A_2361 = arith.index_cast %get3A_2360 : i32 to index
    %get3A_2362 = arith.constant 112 : index
    %get3A_2363 = tpu.vector_load %arg10[%get3A_2361, %get3A_2362] {strides = array<i32>} : memref<16x128xf32, #tpu.memory_space<vmem>>, vector<16xf32>,
    %add3A_2364 = arith.addf %get3A_2359, %get3A_2363 : vector<16xf32>
    %add3A_2365 = arith.addf %get3A_2351, %add3A_2364 : vector<16xf32>
    %add3A_2366 = arith.addf %get3A_2355, %add3A_2364 : vector<16xf32>
    %max3A_2367 = arith.maximumf %add3A_2233, %add3A_2252 : vector<16xf32>
    %max3A_2368 = arith.maximumf %add3A_2232, %add3A_2251 : vector<16xf32>
    %max3A_2369 = arith.maximumf %max3A_2367, %add3A_2271 : vector<16xf32>
    %max3A_2370 = arith.maximumf %max3A_2368, %add3A_2270 : vector<16xf32>
    %max3A_2371 = arith.maximumf %max3A_2369, %add3A_2290 : vector<16xf32>
    %max3A_2372 = arith.maximumf %max3A_2370, %add3A_2289 : vector<16xf32>
    %max3A_2373 = arith.maximumf %max3A_2371, %add3A_2309 : vector<16xf32>
    %max3A_2374 = arith.maximumf %max3A_2372, %add3A_2308 : vector<16xf32>
    %max3A_2375 = arith.maximumf %max3A_2373, %add3A_2328 : vector<16xf32>
    %max3A_2376 = arith.maximumf %max3A_2374, %add3A_2327 : vector<16xf32>
    %max3A_2377 = arith.maximumf %max3A_2375, %add3A_2347 : vector<16xf32>
    %max3A_2378 = arith.maximumf %max3A_2376, %add3A_2346 : vector<16xf32>
    %max3A_2379 = arith.maximumf %max3A_2377, %add3A_2366 : vector<16xf32>
    %max3A_2380 = arith.maximumf %max3A_2378, %add3A_2365 : vector<16xf32>
    %reduce_max3A_2381 = arith.constant true
    %reduce_max3A_2382 = vector.broadcast %reduce_max3A_2381 : i1 to vector<16xi1>
    %reduce_max3A_2383 = tpu.scan <max>, %max3A_2379 masked %reduce_max3A_2382 : vector<16xf32>, vector<16xi1> -> vector<16xf32>
    %reduce_max3A_2384 = vector.extract %reduce_max3A_2383[15] : f32 from vector<16xf32>
    %reduce_max3A_2385 = arith.constant true
    %reduce_max3A_2386 = vector.broadcast %reduce_max3A_2385 : i1 to vector<16xi1>
    %reduce_max3A_2387 = tpu.scan <max>, %max3A_2380 masked %reduce_max3A_2386 : vector<16xf32>, vector<16xi1> -> vector<16xf32>
    %reduce_max3A_2388 = vector.extract %reduce_max3A_2387[15] : f32 from vector<16xf32>
    %broadcast_in_dim3A_2389 = arith.constant 1048576 : i32
    %broadcast_in_dim3A_2390 = vector.broadcast %broadcast_in_dim3A_2389 : i32 to vector<16xi32>
    %broadcast_in_dim3A_2391 = arith.constant 0.000000e+00 : f32
    %broadcast_in_dim3A_2392 = vector.broadcast %broadcast_in_dim3A_2391 : f32 to vector<16xf32>
    %broadcast_in_dim3A_2393 = arith.constant 0.000000e+00 : f32
    %broadcast_in_dim3A_2394 = vector.broadcast %broadcast_in_dim3A_2393 : f32 to vector<16xf32>
    %add3A_2395 = arith.constant 0 : i32
    %add3A_2396 = vector.broadcast %add3A_2395 : i32 to vector<16xi32>
    %add3A_2397 = arith.addi %iota3A_2214, %add3A_2396 : vector<16xi32>
    %ge3A_2398 = vector.broadcast %reduce_max3A_2384 : f32 to vector<16xf32>
    %ge3A_2399 = arith.cmpf oge, %add3A_2233, %ge3A_2398 : vector<16xf32>
    %jit3A_2400 = arith.constant 1048576 : i32
    %broadcast_in_dim3A_2401 = vector.broadcast %jit3A_2400 : i32 to vector<16xi32>
    %select_n3A_2402 = arith.select %ge3A_2399, %add3A_2397, %broadcast_in_dim3A_2401 : vector<16xi1>, vector<16xi32>
    %min3A_2403 = arith.minsi %broadcast_in_dim3A_2390, %select_n3A_2402 : vector<16xi32>
    %sub3A_2404 = vector.broadcast %reduce_max3A_2388 : f32 to vector<16xf32>
    %sub3A_2405 = arith.subf %add3A_2232, %sub3A_2404 : vector<16xf32>
    %exp3A_2406 = math.exp %sub3A_2405 : vector<16xf32>
    %add3A_2407 = arith.addf %broadcast_in_dim3A_2392, %exp3A_2406 : vector<16xf32>
    %mul3A_2408 = arith.mulf %exp3A_2406, %sub3A_2405 : vector<16xf32>
    %add3A_2409 = arith.addf %broadcast_in_dim3A_2394, %mul3A_2408 : vector<16xf32>
    %add3A_2410 = arith.constant 16 : i32
    %add3A_2411 = vector.broadcast %add3A_2410 : i32 to vector<16xi32>
    %add3A_2412 = arith.addi %iota3A_2214, %add3A_2411 : vector<16xi32>
    %ge3A_2413 = vector.broadcast %reduce_max3A_2384 : f32 to vector<16xf32>
    %ge3A_2414 = arith.cmpf oge, %add3A_2252, %ge3A_2413 : vector<16xf32>
    %jit3A_2415 = arith.constant 1048576 : i32
    %broadcast_in_dim3A_2416 = vector.broadcast %jit3A_2415 : i32 to vector<16xi32>
    %select_n3A_2417 = arith.select %ge3A_2414, %add3A_2412, %broadcast_in_dim3A_2416 : vector<16xi1>, vector<16xi32>
    %min3A_2418 = arith.minsi %min3A_2403, %select_n3A_2417 : vector<16xi32>
    %sub3A_2419 = vector.broadcast %reduce_max3A_2388 : f32 to vector<16xf32>
    %sub3A_2420 = arith.subf %add3A_2251, %sub3A_2419 : vector<16xf32>
    %exp3A_2421 = math.exp %sub3A_2420 : vector<16xf32>
    %add3A_2422 = arith.addf %add3A_2407, %exp3A_2421 : vector<16xf32>
    %mul3A_2423 = arith.mulf %exp3A_2421, %sub3A_2420 : vector<16xf32>
    %add3A_2424 = arith.addf %add3A_2409, %mul3A_2423 : vector<16xf32>
    %add3A_2425 = arith.constant 32 : i32
    %add3A_2426 = vector.broadcast %add3A_2425 : i32 to vector<16xi32>
    %add3A_2427 = arith.addi %iota3A_2214, %add3A_2426 : vector<16xi32>
    %ge3A_2428 = vector.broadcast %reduce_max3A_2384 : f32 to vector<16xf32>
    %ge3A_2429 = arith.cmpf oge, %add3A_2271, %ge3A_2428 : vector<16xf32>
    %jit3A_2430 = arith.constant 1048576 : i32
    %broadcast_in_dim3A_2431 = vector.broadcast %jit3A_2430 : i32 to vector<16xi32>
    %select_n3A_2432 = arith.select %ge3A_2429, %add3A_2427, %broadcast_in_dim3A_2431 : vector<16xi1>, vector<16xi32>
    %min3A_2433 = arith.minsi %min3A_2418, %select_n3A_2432 : vector<16xi32>
    %sub3A_2434 = vector.broadcast %reduce_max3A_2388 : f32 to vector<16xf32>
    %sub3A_2435 = arith.subf %add3A_2270, %sub3A_2434 : vector<16xf32>
    %exp3A_2436 = math.exp %sub3A_2435 : vector<16xf32>
    %add3A_2437 = arith.addf %add3A_2422, %exp3A_2436 : vector<16xf32>
    %mul3A_2438 = arith.mulf %exp3A_2436, %sub3A_2435 : vector<16xf32>
    %add3A_2439 = arith.addf %add3A_2424, %mul3A_2438 : vector<16xf32>
    %add3A_2440 = arith.constant 48 : i32
    %add3A_2441 = vector.broadcast %add3A_2440 : i32 to vector<16xi32>
    %add3A_2442 = arith.addi %iota3A_2214, %add3A_2441 : vector<16xi32>
    %ge3A_2443 = vector.broadcast %reduce_max3A_2384 : f32 to vector<16xf32>
    %ge3A_2444 = arith.cmpf oge, %add3A_2290, %ge3A_2443 : vector<16xf32>
    %jit3A_2445 = arith.constant 1048576 : i32
    %broadcast_in_dim3A_2446 = vector.broadcast %jit3A_2445 : i32 to vector<16xi32>
    %select_n3A_2447 = arith.select %ge3A_2444, %add3A_2442, %broadcast_in_dim3A_2446 : vector<16xi1>, vector<16xi32>
    %min3A_2448 = arith.minsi %min3A_2433, %select_n3A_2447 : vector<16xi32>
    %sub3A_2449 = vector.broadcast %reduce_max3A_2388 : f32 to vector<16xf32>
    %sub3A_2450 = arith.subf %add3A_2289, %sub3A_2449 : vector<16xf32>
    %exp3A_2451 = math.exp %sub3A_2450 : vector<16xf32>
    %add3A_2452 = arith.addf %add3A_2437, %exp3A_2451 : vector<16xf32>
    %mul3A_2453 = arith.mulf %exp3A_2451, %sub3A_2450 : vector<16xf32>
    %add3A_2454 = arith.addf %add3A_2439, %mul3A_2453 : vector<16xf32>
    %add3A_2455 = arith.constant 64 : i32
    %add3A_2456 = vector.broadcast %add3A_2455 : i32 to vector<16xi32>
    %add3A_2457 = arith.addi %iota3A_2214, %add3A_2456 : vector<16xi32>
    %ge3A_2458 = vector.broadcast %reduce_max3A_2384 : f32 to vector<16xf32>
    %ge3A_2459 = arith.cmpf oge, %add3A_2309, %ge3A_2458 : vector<16xf32>
    %jit3A_2460 = arith.constant 1048576 : i32
    %broadcast_in_dim3A_2461 = vector.broadcast %jit3A_2460 : i32 to vector<16xi32>
    %select_n3A_2462 = arith.select %ge3A_2459, %add3A_2457, %broadcast_in_dim3A_2461 : vector<16xi1>, vector<16xi32>
    %min3A_2463 = arith.minsi %min3A_2448, %select_n3A_2462 : vector<16xi32>
    %sub3A_2464 = vector.broadcast %reduce_max3A_2388 : f32 to vector<16xf32>
    %sub3A_2465 = arith.subf %add3A_2308, %sub3A_2464 : vector<16xf32>
    %exp3A_2466 = math.exp %sub3A_2465 : vector<16xf32>
    %add3A_2467 = arith.addf %add3A_2452, %exp3A_2466 : vector<16xf32>
    %mul3A_2468 = arith.mulf %exp3A_2466, %sub3A_2465 : vector<16xf32>
    %add3A_2469 = arith.addf %add3A_2454, %mul3A_2468 : vector<16xf32>
    %add3A_2470 = arith.constant 80 : i32
    %add3A_2471 = vector.broadcast %add3A_2470 : i32 to vector<16xi32>
    %add3A_2472 = arith.addi %iota3A_2214, %add3A_2471 : vector<16xi32>
    %ge3A_2473 = vector.broadcast %reduce_max3A_2384 : f32 to vector<16xf32>
    %ge3A_2474 = arith.cmpf oge, %add3A_2328, %ge3A_2473 : vector<16xf32>
    %jit3A_2475 = arith.constant 1048576 : i32
    %broadcast_in_dim3A_2476 = vector.broadcast %jit3A_2475 : i32 to vector<16xi32>
    %select_n3A_2477 = arith.select %ge3A_2474, %add3A_2472, %broadcast_in_dim3A_2476 : vector<16xi1>, vector<16xi32>
    %min3A_2478 = arith.minsi %min3A_2463, %select_n3A_2477 : vector<16xi32>
    %sub3A_2479 = vector.broadcast %reduce_max3A_2388 : f32 to vector<16xf32>
    %sub3A_2480 = arith.subf %add3A_2327, %sub3A_2479 : vector<16xf32>
    %exp3A_2481 = math.exp %sub3A_2480 : vector<16xf32>
    %add3A_2482 = arith.addf %add3A_2467, %exp3A_2481 : vector<16xf32>
    %mul3A_2483 = arith.mulf %exp3A_2481, %sub3A_2480 : vector<16xf32>
    %add3A_2484 = arith.addf %add3A_2469, %mul3A_2483 : vector<16xf32>
    %add3A_2485 = arith.constant 96 : i32
    %add3A_2486 = vector.broadcast %add3A_2485 : i32 to vector<16xi32>
    %add3A_2487 = arith.addi %iota3A_2214, %add3A_2486 : vector<16xi32>
    %ge3A_2488 = vector.broadcast %reduce_max3A_2384 : f32 to vector<16xf32>
    %ge3A_2489 = arith.cmpf oge, %add3A_2347, %ge3A_2488 : vector<16xf32>
    %jit3A_2490 = arith.constant 1048576 : i32
    %broadcast_in_dim3A_2491 = vector.broadcast %jit3A_2490 : i32 to vector<16xi32>
    %select_n3A_2492 = arith.select %ge3A_2489, %add3A_2487, %broadcast_in_dim3A_2491 : vector<16xi1>, vector<16xi32>
    %min3A_2493 = arith.minsi %min3A_2478, %select_n3A_2492 : vector<16xi32>
    %sub3A_2494 = vector.broadcast %reduce_max3A_2388 : f32 to vector<16xf32>
    %sub3A_2495 = arith.subf %add3A_2346, %sub3A_2494 : vector<16xf32>
    %exp3A_2496 = math.exp %sub3A_2495 : vector<16xf32>
    %add3A_2497 = arith.addf %add3A_2482, %exp3A_2496 : vector<16xf32>
    %mul3A_2498 = arith.mulf %exp3A_2496, %sub3A_2495 : vector<16xf32>
    %add3A_2499 = arith.addf %add3A_2484, %mul3A_2498 : vector<16xf32>
    %add3A_2500 = arith.constant 112 : i32
    %add3A_2501 = vector.broadcast %add3A_2500 : i32 to vector<16xi32>
    %add3A_2502 = arith.addi %iota3A_2214, %add3A_2501 : vector<16xi32>
    %ge3A_2503 = vector.broadcast %reduce_max3A_2384 : f32 to vector<16xf32>
    %ge3A_2504 = arith.cmpf oge, %add3A_2366, %ge3A_2503 : vector<16xf32>
    %jit3A_2505 = arith.constant 1048576 : i32
    %broadcast_in_dim3A_2506 = vector.broadcast %jit3A_2505 : i32 to vector<16xi32>
    %select_n3A_2507 = arith.select %ge3A_2504, %add3A_2502, %broadcast_in_dim3A_2506 : vector<16xi1>, vector<16xi32>
    %min3A_2508 = arith.minsi %min3A_2493, %select_n3A_2507 : vector<16xi32>
    %sub3A_2509 = vector.broadcast %reduce_max3A_2388 : f32 to vector<16xf32>
    %sub3A_2510 = arith.subf %add3A_2365, %sub3A_2509 : vector<16xf32>
    %exp3A_2511 = math.exp %sub3A_2510 : vector<16xf32>
    %add3A_2512 = arith.addf %add3A_2497, %exp3A_2511 : vector<16xf32>
    %mul3A_2513 = arith.mulf %exp3A_2511, %sub3A_2510 : vector<16xf32>
    %add3A_2514 = arith.addf %add3A_2499, %mul3A_2513 : vector<16xf32>
    %reduce_min3A_2515 = arith.constant true
    %reduce_min3A_2516 = vector.broadcast %reduce_min3A_2515 : i1 to vector<16xi1>
    %reduce_min3A_2517 = arith.constant -2147483648 : i32
    %reduce_min3A_2518 = vector.broadcast %reduce_min3A_2517 : i32 to vector<16xi32>
    %reduce_min3A_2519 = arith.xori %min3A_2508, %reduce_min3A_2518 : vector<16xi32>
    %reduce_min3A_2520 = tpu.scan <min>, %reduce_min3A_2519 masked %reduce_min3A_2516 : vector<16xi32>, vector<16xi1> -> vector<16xi32>
    %reduce_min3A_2521 = arith.xori %reduce_min3A_2520, %reduce_min3A_2518 : vector<16xi32>
    %reduce_min3A_2522 = vector.extract %reduce_min3A_2521[15] : i32 from vector<16xi32>
    %broadcast_in_dim3A_2523 = arith.constant 0.000000e+00 : f32
    %broadcast_in_dim3A_2524 = vector.broadcast %broadcast_in_dim3A_2523 : f32 to vector<16xf32>
    %add3A_2525 = arith.constant 0 : i32
    %add3A_2526 = vector.broadcast %add3A_2525 : i32 to vector<16xi32>
    %add3A_2527 = arith.addi %iota3A_2214, %add3A_2526 : vector<16xi32>
    %eq3A_2528 = vector.broadcast %reduce_min3A_2522 : i32 to vector<16xi32>
    %eq3A_2529 = arith.cmpi eq, %add3A_2527, %eq3A_2528 : vector<16xi32>
    %sub3A_2530 = vector.broadcast %reduce_max3A_2388 : f32 to vector<16xf32>
    %sub3A_2531 = arith.subf %add3A_2232, %sub3A_2530 : vector<16xf32>
    %jit3A_2532 = arith.constant 0.000000e+00 : f32
    %broadcast_in_dim3A_2533 = vector.broadcast %jit3A_2532 : f32 to vector<16xf32>
    %select_n3A_2534 = arith.select %eq3A_2529, %sub3A_2531, %broadcast_in_dim3A_2533 : vector<16xi1>, vector<16xf32>
    %add3A_2535 = arith.addf %broadcast_in_dim3A_2524, %select_n3A_2534 : vector<16xf32>
    %add3A_2536 = arith.constant 16 : i32
    %add3A_2537 = vector.broadcast %add3A_2536 : i32 to vector<16xi32>
    %add3A_2538 = arith.addi %iota3A_2214, %add3A_2537 : vector<16xi32>
    %eq3A_2539 = vector.broadcast %reduce_min3A_2522 : i32 to vector<16xi32>
    %eq3A_2540 = arith.cmpi eq, %add3A_2538, %eq3A_2539 : vector<16xi32>
    %sub3A_2541 = vector.broadcast %reduce_max3A_2388 : f32 to vector<16xf32>
    %sub3A_2542 = arith.subf %add3A_2251, %sub3A_2541 : vector<16xf32>
    %jit3A_2543 = arith.constant 0.000000e+00 : f32
    %broadcast_in_dim3A_2544 = vector.broadcast %jit3A_2543 : f32 to vector<16xf32>
    %select_n3A_2545 = arith.select %eq3A_2540, %sub3A_2542, %broadcast_in_dim3A_2544 : vector<16xi1>, vector<16xf32>
    %add3A_2546 = arith.addf %add3A_2535, %select_n3A_2545 : vector<16xf32>
    %add3A_2547 = arith.constant 32 : i32
    %add3A_2548 = vector.broadcast %add3A_2547 : i32 to vector<16xi32>
    %add3A_2549 = arith.addi %iota3A_2214, %add3A_2548 : vector<16xi32>
    %eq3A_2550 = vector.broadcast %reduce_min3A_2522 : i32 to vector<16xi32>
    %eq3A_2551 = arith.cmpi eq, %add3A_2549, %eq3A_2550 : vector<16xi32>
    %sub3A_2552 = vector.broadcast %reduce_max3A_2388 : f32 to vector<16xf32>
    %sub3A_2553 = arith.subf %add3A_2270, %sub3A_2552 : vector<16xf32>
    %jit3A_2554 = arith.constant 0.000000e+00 : f32
    %broadcast_in_dim3A_2555 = vector.broadcast %jit3A_2554 : f32 to vector<16xf32>
    %select_n3A_2556 = arith.select %eq3A_2551, %sub3A_2553, %broadcast_in_dim3A_2555 : vector<16xi1>, vector<16xf32>
    %add3A_2557 = arith.addf %add3A_2546, %select_n3A_2556 : vector<16xf32>
    %add3A_2558 = arith.constant 48 : i32
    %add3A_2559 = vector.broadcast %add3A_2558 : i32 to vector<16xi32>
    %add3A_2560 = arith.addi %iota3A_2214, %add3A_2559 : vector<16xi32>
    %eq3A_2561 = vector.broadcast %reduce_min3A_2522 : i32 to vector<16xi32>
    %eq3A_2562 = arith.cmpi eq, %add3A_2560, %eq3A_2561 : vector<16xi32>
    %sub3A_2563 = vector.broadcast %reduce_max3A_2388 : f32 to vector<16xf32>
    %sub3A_2564 = arith.subf %add3A_2289, %sub3A_2563 : vector<16xf32>
    %jit3A_2565 = arith.constant 0.000000e+00 : f32
    %broadcast_in_dim3A_2566 = vector.broadcast %jit3A_2565 : f32 to vector<16xf32>
    %select_n3A_2567 = arith.select %eq3A_2562, %sub3A_2564, %broadcast_in_dim3A_2566 : vector<16xi1>, vector<16xf32>
    %add3A_2568 = arith.addf %add3A_2557, %select_n3A_2567 : vector<16xf32>
    %add3A_2569 = arith.constant 64 : i32
    %add3A_2570 = vector.broadcast %add3A_2569 : i32 to vector<16xi32>
    %add3A_2571 = arith.addi %iota3A_2214, %add3A_2570 : vector<16xi32>
    %eq3A_2572 = vector.broadcast %reduce_min3A_2522 : i32 to vector<16xi32>
    %eq3A_2573 = arith.cmpi eq, %add3A_2571, %eq3A_2572 : vector<16xi32>
    %sub3A_2574 = vector.broadcast %reduce_max3A_2388 : f32 to vector<16xf32>
    %sub3A_2575 = arith.subf %add3A_2308, %sub3A_2574 : vector<16xf32>
    %jit3A_2576 = arith.constant 0.000000e+00 : f32
    %broadcast_in_dim3A_2577 = vector.broadcast %jit3A_2576 : f32 to vector<16xf32>
    %select_n3A_2578 = arith.select %eq3A_2573, %sub3A_2575, %broadcast_in_dim3A_2577 : vector<16xi1>, vector<16xf32>
    %add3A_2579 = arith.addf %add3A_2568, %select_n3A_2578 : vector<16xf32>
    %add3A_2580 = arith.constant 80 : i32
    %add3A_2581 = vector.broadcast %add3A_2580 : i32 to vector<16xi32>
    %add3A_2582 = arith.addi %iota3A_2214, %add3A_2581 : vector<16xi32>
    %eq3A_2583 = vector.broadcast %reduce_min3A_2522 : i32 to vector<16xi32>
    %eq3A_2584 = arith.cmpi eq, %add3A_2582, %eq3A_2583 : vector<16xi32>
    %sub3A_2585 = vector.broadcast %reduce_max3A_2388 : f32 to vector<16xf32>
    %sub3A_2586 = arith.subf %add3A_2327, %sub3A_2585 : vector<16xf32>
    %jit3A_2587 = arith.constant 0.000000e+00 : f32
    %broadcast_in_dim3A_2588 = vector.broadcast %jit3A_2587 : f32 to vector<16xf32>
    %select_n3A_2589 = arith.select %eq3A_2584, %sub3A_2586, %broadcast_in_dim3A_2588 : vector<16xi1>, vector<16xf32>
    %add3A_2590 = arith.addf %add3A_2579, %select_n3A_2589 : vector<16xf32>
    %add3A_2591 = arith.constant 96 : i32
    %add3A_2592 = vector.broadcast %add3A_2591 : i32 to vector<16xi32>
    %add3A_2593 = arith.addi %iota3A_2214, %add3A_2592 : vector<16xi32>
    %eq3A_2594 = vector.broadcast %reduce_min3A_2522 : i32 to vector<16xi32>
    %eq3A_2595 = arith.cmpi eq, %add3A_2593, %eq3A_2594 : vector<16xi32>
    %sub3A_2596 = vector.broadcast %reduce_max3A_2388 : f32 to vector<16xf32>
    %sub3A_2597 = arith.subf %add3A_2346, %sub3A_2596 : vector<16xf32>
    %jit3A_2598 = arith.constant 0.000000e+00 : f32
    %broadcast_in_dim3A_2599 = vector.broadcast %jit3A_2598 : f32 to vector<16xf32>
    %select_n3A_2600 = arith.select %eq3A_2595, %sub3A_2597, %broadcast_in_dim3A_2599 : vector<16xi1>, vector<16xf32>
    %add3A_2601 = arith.addf %add3A_2590, %select_n3A_2600 : vector<16xf32>
    %add3A_2602 = arith.constant 112 : i32
    %add3A_2603 = vector.broadcast %add3A_2602 : i32 to vector<16xi32>
    %add3A_2604 = arith.addi %iota3A_2214, %add3A_2603 : vector<16xi32>
    %eq3A_2605 = vector.broadcast %reduce_min3A_2522 : i32 to vector<16xi32>
    %eq3A_2606 = arith.cmpi eq, %add3A_2604, %eq3A_2605 : vector<16xi32>
    %sub3A_2607 = vector.broadcast %reduce_max3A_2388 : f32 to vector<16xf32>
    %sub3A_2608 = arith.subf %add3A_2365, %sub3A_2607 : vector<16xf32>
    %jit3A_2609 = arith.constant 0.000000e+00 : f32
    %broadcast_in_dim3A_2610 = vector.broadcast %jit3A_2609 : f32 to vector<16xf32>
    %select_n3A_2611 = arith.select %eq3A_2606, %sub3A_2608, %broadcast_in_dim3A_2610 : vector<16xi1>, vector<16xf32>
    %add3A_2612 = arith.addf %add3A_2601, %select_n3A_2611 : vector<16xf32>
    %reduce_sum3A_2613 = arith.constant true
    %reduce_sum3A_2614 = vector.broadcast %reduce_sum3A_2613 : i1 to vector<16xi1>
    %reduce_sum3A_2615 = tpu.scan <sum>, %add3A_2512 masked %reduce_sum3A_2614 : vector<16xf32>, vector<16xi1> -> vector<16xf32>
    %reduce_sum3A_2616 = vector.extract %reduce_sum3A_2615[15] : f32 from vector<16xf32>
    %bitcast_convert_type3A_2617 = arith.bitcast %reduce_sum3A_2616 : f32 to i32
    %shift_right_logical3A_2618 = arith.constant 23 : i32
    %shift_right_logical3A_2619 = arith.shrui %bitcast_convert_type3A_2617, %shift_right_logical3A_2618 : i32
    %sub3A_2620 = arith.constant 127 : i32
    %sub3A_2621 = arith.subi %shift_right_logical3A_2619, %sub3A_2620 : i32
    %and3A_2622 = arith.constant 8388607 : i32
    %and3A_2623 = arith.andi %bitcast_convert_type3A_2617, %and3A_2622 : i32
    %or3A_2624 = arith.constant 1065353216 : i32
    %or3A_2625 = arith.ori %and3A_2623, %or3A_2624 : i32
    %bitcast_convert_type3A_2626 = arith.bitcast %or3A_2625 : i32 to f32
    %gt3A_2627 = arith.constant 1.41421354 : f32
    %gt3A_2628 = arith.cmpf ogt, %bitcast_convert_type3A_2626, %gt3A_2627 : f32
    %mul3A_2629 = arith.constant 5.000000e-01 : f32
    %mul3A_2630 = arith.mulf %bitcast_convert_type3A_2626, %mul3A_2629 : f32
    %select_n3A_2631 = arith.select %gt3A_2628, %mul3A_2630, %bitcast_convert_type3A_2626 : f32
    %add3A_2632 = arith.constant 1 : i32
    %add3A_2633 = arith.addi %sub3A_2621, %add3A_2632 : i32
    %select_n3A_2634 = arith.select %gt3A_2628, %add3A_2633, %sub3A_2621 : i32
    %sub3A_2635 = arith.constant 1.000000e+00 : f32
    %sub3A_2636 = arith.subf %select_n3A_2631, %sub3A_2635 : f32
    %add3A_2637 = arith.constant 1.000000e+00 : f32
    %add3A_2638 = arith.addf %select_n3A_2631, %add3A_2637 : f32
    %bitcast_convert_type3A_2639 = arith.bitcast %add3A_2638 : f32 to i32
    %sub3A_2640 = arith.constant 2129859011 : i32
    %sub3A_2641 = arith.subi %sub3A_2640, %bitcast_convert_type3A_2639 : i32
    %bitcast_convert_type3A_2642 = arith.bitcast %sub3A_2641 : i32 to f32
    %mul3A_2643 = arith.mulf %add3A_2638, %bitcast_convert_type3A_2642 : f32
    %sub3A_2644 = arith.constant 2.000000e+00 : f32
    %sub3A_2645 = arith.subf %sub3A_2644, %mul3A_2643 : f32
    %mul3A_2646 = arith.mulf %bitcast_convert_type3A_2642, %sub3A_2645 : f32
    %mul3A_2647 = arith.mulf %add3A_2638, %mul3A_2646 : f32
    %sub3A_2648 = arith.constant 2.000000e+00 : f32
    %sub3A_2649 = arith.subf %sub3A_2648, %mul3A_2647 : f32
    %mul3A_2650 = arith.mulf %mul3A_2646, %sub3A_2649 : f32
    %mul3A_2651 = arith.mulf %add3A_2638, %mul3A_2650 : f32
    %sub3A_2652 = arith.constant 2.000000e+00 : f32
    %sub3A_2653 = arith.subf %sub3A_2652, %mul3A_2651 : f32
    %mul3A_2654 = arith.mulf %mul3A_2650, %sub3A_2653 : f32
    %mul3A_2655 = arith.mulf %sub3A_2636, %mul3A_2654 : f32
    %mul3A_2656 = arith.mulf %mul3A_2655, %mul3A_2655 : f32
    %mul3A_2657 = arith.constant 2.000000e+00 : f32
    %mul3A_2658 = arith.mulf %mul3A_2657, %mul3A_2655 : f32
    %mul3A_2659 = arith.constant 0.111111112 : f32
    %mul3A_2660 = arith.mulf %mul3A_2656, %mul3A_2659 : f32
    %add3A_2661 = arith.constant 0.142857134 : f32
    %add3A_2662 = arith.addf %add3A_2661, %mul3A_2660 : f32
    %mul3A_2663 = arith.mulf %mul3A_2656, %add3A_2662 : f32
    %add3A_2664 = arith.constant 2.000000e-01 : f32
    %add3A_2665 = arith.addf %add3A_2664, %mul3A_2663 : f32
    %mul3A_2666 = arith.mulf %mul3A_2656, %add3A_2665 : f32
    %add3A_2667 = arith.constant 0.333333343 : f32
    %add3A_2668 = arith.addf %add3A_2667, %mul3A_2666 : f32
    %mul3A_2669 = arith.mulf %mul3A_2656, %add3A_2668 : f32
    %add3A_2670 = arith.constant 1.000000e+00 : f32
    %add3A_2671 = arith.addf %add3A_2670, %mul3A_2669 : f32
    %mul3A_2672 = arith.mulf %mul3A_2658, %add3A_2671 : f32
    %convert_element_type3A_2673 = arith.sitofp %select_n3A_2634 : i32 to f32
    %mul3A_2674 = arith.constant 0.693147182 : f32
    %mul3A_2675 = arith.mulf %convert_element_type3A_2673, %mul3A_2674 : f32
    %add3A_2676 = arith.addf %mul3A_2675, %mul3A_2672 : f32
    %reduce_sum3A_2677 = arith.constant true
    %reduce_sum3A_2678 = vector.broadcast %reduce_sum3A_2677 : i1 to vector<16xi1>
    %reduce_sum3A_2679 = tpu.scan <sum>, %add3A_2612 masked %reduce_sum3A_2678 : vector<16xf32>, vector<16xi1> -> vector<16xf32>
    %reduce_sum3A_2680 = vector.extract %reduce_sum3A_2679[15] : f32 from vector<16xf32>
    %sub3A_2681 = arith.subf %reduce_sum3A_2680, %add3A_2676 : f32
    %reduce_sum3A_2682 = arith.constant true
    %reduce_sum3A_2683 = vector.broadcast %reduce_sum3A_2682 : i1 to vector<16xi1>
    %reduce_sum3A_2684 = tpu.scan <sum>, %add3A_2514 masked %reduce_sum3A_2683 : vector<16xf32>, vector<16xi1> -> vector<16xf32>
    %reduce_sum3A_2685 = vector.extract %reduce_sum3A_2684[15] : f32 from vector<16xf32>
    %bitcast_convert_type3A_2686 = arith.bitcast %reduce_sum3A_2616 : f32 to i32
    %sub3A_2687 = arith.constant 2129859011 : i32
    %sub3A_2688 = arith.subi %sub3A_2687, %bitcast_convert_type3A_2686 : i32
    %bitcast_convert_type3A_2689 = arith.bitcast %sub3A_2688 : i32 to f32
    %mul3A_2690 = arith.mulf %reduce_sum3A_2616, %bitcast_convert_type3A_2689 : f32
    %sub3A_2691 = arith.constant 2.000000e+00 : f32
    %sub3A_2692 = arith.subf %sub3A_2691, %mul3A_2690 : f32
    %mul3A_2693 = arith.mulf %bitcast_convert_type3A_2689, %sub3A_2692 : f32
    %mul3A_2694 = arith.mulf %reduce_sum3A_2616, %mul3A_2693 : f32
    %sub3A_2695 = arith.constant 2.000000e+00 : f32
    %sub3A_2696 = arith.subf %sub3A_2695, %mul3A_2694 : f32
    %mul3A_2697 = arith.mulf %mul3A_2693, %sub3A_2696 : f32
    %mul3A_2698 = arith.mulf %reduce_sum3A_2616, %mul3A_2697 : f32
    %sub3A_2699 = arith.constant 2.000000e+00 : f32
    %sub3A_2700 = arith.subf %sub3A_2699, %mul3A_2698 : f32
    %mul3A_2701 = arith.mulf %mul3A_2697, %sub3A_2700 : f32
    %mul3A_2702 = arith.mulf %reduce_sum3A_2685, %mul3A_2701 : f32
    %sub3A_2703 = arith.subf %add3A_2676, %mul3A_2702 : f32
    %add3A_2704 = arith.addf %sub3A_365, %sub3A_1233 : f32
    %add3A_2705 = arith.addf %add3A_2704, %sub3A_2191 : f32
    %add3A_2706 = arith.addf %sub3A_387, %sub3A_1255 : f32
    %add3A_2707 = arith.addf %add3A_2706, %sub3A_2213 : f32
    %add3A_2708 = arith.addf %sub3A_767, %sub3A_1683 : f32
    %add3A_2709 = arith.addf %add3A_2708, %sub3A_2681 : f32
    %add3A_2710 = arith.addf %sub3A_789, %sub3A_1705 : f32
    %add3A_2711 = arith.addf %add3A_2710, %sub3A_2703 : f32
    %eq3A_2712 = arith.constant 0 : i32
    %eq3A_2713 = vector.broadcast %eq3A_2712 : i32 to vector<16xi32>
    %eq3A_2714 = arith.cmpi eq, %iota3A, %eq3A_2713 : vector<16xi32>
    %jit3A_2715 = arith.constant 0.000000e+00 : f32
    %broadcast_in_dim3A_2716 = vector.broadcast %add3A_2705 : f32 to vector<16xf32>
    %broadcast_in_dim3A_2717 = vector.broadcast %jit3A_2715 : f32 to vector<16xf32>
    %select_n3A_2718 = arith.select %eq3A_2714, %broadcast_in_dim3A_2716, %broadcast_in_dim3A_2717 : vector<16xi1>, vector<16xf32>
    %eq3A_2719 = arith.constant 1 : i32
    %eq3A_2720 = vector.broadcast %eq3A_2719 : i32 to vector<16xi32>
    %eq3A_2721 = arith.cmpi eq, %iota3A, %eq3A_2720 : vector<16xi32>
    %jit3A_2722 = arith.constant 0.000000e+00 : f32
    %broadcast_in_dim3A_2723 = vector.broadcast %add3A_2707 : f32 to vector<16xf32>
    %broadcast_in_dim3A_2724 = vector.broadcast %jit3A_2722 : f32 to vector<16xf32>
    %select_n3A_2725 = arith.select %eq3A_2721, %broadcast_in_dim3A_2723, %broadcast_in_dim3A_2724 : vector<16xi1>, vector<16xf32>
    %add3A_2726 = arith.addf %select_n3A_2718, %select_n3A_2725 : vector<16xf32>
    %eq3A_2727 = arith.constant 2 : i32
    %eq3A_2728 = vector.broadcast %eq3A_2727 : i32 to vector<16xi32>
    %eq3A_2729 = arith.cmpi eq, %iota3A, %eq3A_2728 : vector<16xi32>
    %jit3A_2730 = arith.constant 0.000000e+00 : f32
    %broadcast_in_dim3A_2731 = vector.broadcast %add3A_2709 : f32 to vector<16xf32>
    %broadcast_in_dim3A_2732 = vector.broadcast %jit3A_2730 : f32 to vector<16xf32>
    %select_n3A_2733 = arith.select %eq3A_2729, %broadcast_in_dim3A_2731, %broadcast_in_dim3A_2732 : vector<16xi1>, vector<16xf32>
    %add3A_2734 = arith.addf %add3A_2726, %select_n3A_2733 : vector<16xf32>
    %eq3A_2735 = arith.constant 3 : i32
    %eq3A_2736 = vector.broadcast %eq3A_2735 : i32 to vector<16xi32>
    %eq3A_2737 = arith.cmpi eq, %iota3A, %eq3A_2736 : vector<16xi32>
    %jit3A_2738 = arith.constant 0.000000e+00 : f32
    %broadcast_in_dim3A_2739 = vector.broadcast %add3A_2711 : f32 to vector<16xf32>
    %broadcast_in_dim3A_2740 = vector.broadcast %jit3A_2738 : f32 to vector<16xf32>
    %select_n3A_2741 = arith.select %eq3A_2737, %broadcast_in_dim3A_2739, %broadcast_in_dim3A_2740 : vector<16xi1>, vector<16xf32>
    %add3A_2742 = arith.addf %add3A_2734, %select_n3A_2741 : vector<16xf32>
    %swap3A = arith.constant 0 : index
    %swap3A_2743 = tpu.vector_load %arg11[%swap3A] {strides = array<i32>} : memref<16xf32, #tpu.memory_space<vmem>>, vector<16xf32>,
    tpu.vector_store %arg11[%swap3A], %add3A_2742 {strides = array<i32>} : memref<16xf32, #tpu.memory_space<vmem>>, vector<16xf32>,
    "tpu.region"() ({
      %run_scoped3A = tpu.sem_alloc : memref<!tpu.dma_semaphore, #tpu.memory_space<semaphore_mem>>
      %dma_start3A_2744 = arith.constant 0 : i32
      %dma_start3A_2745 = tpu.memref_slice %arg6[%add3A, %dma_start3A_2744] : memref<32x16xf32, #tpu.memory_space<hbm>> -> memref<1x16xf32, #tpu.memory_space<hbm>>
      %dma_start3A_2746 = tpu.memref_squeeze %dma_start3A_2745 : memref<1x16xf32, #tpu.memory_space<hbm>> -> memref<16xf32, #tpu.memory_space<hbm>>
      %dma_start3A_2747 = arith.constant 0 : i32
      %dma_start3A_2748 = tpu.memref_slice %arg6[%add3A, %dma_start3A_2747] : memref<32x16xf32, #tpu.memory_space<hbm>> -> memref<1x16xf32, #tpu.memory_space<hbm>>
      %dma_start3A_2749 = tpu.memref_squeeze %dma_start3A_2748 : memref<1x16xf32, #tpu.memory_space<hbm>> -> memref<16xf32, #tpu.memory_space<hbm>>
      tpu.enqueue_dma source(%arg11 : memref<16xf32, #tpu.memory_space<vmem>>) target(%dma_start3A_2749 : memref<16xf32, #tpu.memory_space<hbm>>) target_semaphore(%run_scoped3A : memref<!tpu.dma_semaphore, #tpu.memory_space<semaphore_mem>>)
      %dma_wait3A_2750 = arith.constant 0 : i32
      %dma_wait3A_2751 = tpu.memref_slice %arg6[%add3A, %dma_wait3A_2750] : memref<32x16xf32, #tpu.memory_space<hbm>> -> memref<1x16xf32, #tpu.memory_space<hbm>>
      %dma_wait3A_2752 = tpu.memref_squeeze %dma_wait3A_2751 : memref<1x16xf32, #tpu.memory_space<hbm>> -> memref<16xf32, #tpu.memory_space<hbm>>
      %dma_wait3A_2753 = arith.constant 0 : i32
      %dma_wait3A_2754 = tpu.memref_slice %arg6[%add3A, %dma_wait3A_2753] : memref<32x16xf32, #tpu.memory_space<hbm>> -> memref<1x16xf32, #tpu.memory_space<hbm>>
      %dma_wait3A_2755 = tpu.memref_squeeze %dma_wait3A_2754 : memref<1x16xf32, #tpu.memory_space<hbm>> -> memref<16xf32, #tpu.memory_space<hbm>>
      tpu.wait_dma2 semaphore(%run_scoped3A : memref<!tpu.dma_semaphore, #tpu.memory_space<semaphore_mem>>) src(%arg11 : memref<16xf32, #tpu.memory_space<vmem>>) dst(%dma_wait3A_2755 : memref<16xf32, #tpu.memory_space<hbm>>)
      tpu.yield
    }) : () -> ()
    return
  }
}

module attributes {stable_mosaic.version = 14 : i64} {
  func.func @_tc_body(%arg0: memref<64x2048xf32, #tpu.memory_space<vmem>>, %arg1: memref<13x64xf32, #tpu.memory_space<vmem>>, %arg2: memref<64x128xf32, #tpu.memory_space<vmem>>, %arg3: memref<64x128xf32, #tpu.memory_space<vmem>>, %arg4: memref<13x2048xf32, #tpu.memory_space<vmem>>, %arg5: memref<13xf32, #tpu.memory_space<vmem>>, %arg6: memref<2061x128xf32, #tpu.memory_space<vmem>>, %arg7: memref<128xf32, #tpu.memory_space<vmem>>, %arg8: memref<2189x128xf32, #tpu.memory_space<vmem>>, %arg9: memref<128xf32, #tpu.memory_space<vmem>>, %arg10: memref<64x384xf32, #tpu.memory_space<vmem>>, %arg11: memref<64x384xf32, #tpu.memory_space<vmem>>, %arg12: memref<64x384xf32, #tpu.memory_space<vmem>>, %arg13: memref<16x256xf32, #tpu.memory_space<vmem>>, %arg14: memref<128x128xf32, #tpu.memory_space<vmem>>) attributes {dimension_semantics = [], scalar_prefetch = 0 : i64, scratch_operands = 0 : i64, tpu.core_type = #tpu.core_type<tc>} {
    %get3A = arith.constant 0 : index
    %get3A_0 = arith.constant 0 : index
    %get3A_1 = vector.load %arg0[%get3A, %get3A_0] : memref<64x2048xf32, #tpu.memory_space<vmem>>, vector<64x2048xf32>
    %get3A_2 = arith.constant 0 : index
    %get3A_3 = arith.constant 0 : index
    %get3A_4 = vector.load %arg4[%get3A_2, %get3A_3] : memref<13x2048xf32, #tpu.memory_space<vmem>>, vector<13x2048xf32>
    %dot_general3A = arith.constant dense<0.000000e+00> : vector<64x13xf32>
    %dot_general3A_5 = tpu.matmul %get3A_1, %get3A_4, %dot_general3A {dimension_numbers = #tpu.dot_dimension_numbers<[1], [1], [0], [0], [0, 0, 1, 0], [], []>, transpose_lhs_hint = false} : vector<64x2048xf32>, vector<13x2048xf32>, vector<64x13xf32> -> vector<64x13xf32>
    %get3A_6 = arith.constant 0 : index
    %get3A_7 = vector.load %arg5[%get3A_6] : memref<13xf32, #tpu.memory_space<vmem>>, vector<13xf32>
    %broadcast_in_dim3A = vector.shape_cast %get3A_7 : vector<13xf32> to vector<1x13xf32>
    %add3A = vector.broadcast %broadcast_in_dim3A : vector<1x13xf32> to vector<64x13xf32>
    %add3A_8 = arith.addf %dot_general3A_5, %add3A : vector<64x13xf32>
    %get3A_9 = arith.constant 0 : index
    %get3A_10 = arith.constant 0 : index
    %get3A_11 = vector.load %arg1[%get3A_9, %get3A_10] : memref<13x64xf32, #tpu.memory_space<vmem>>, vector<13x64xf32>
    %transpose3A = tpu.transpose %get3A_11, [1, 0] : vector<13x64xf32> -> vector<64x13xf32>
    %gt3A = arith.constant 0.000000e+00 : f32
    %gt3A_12 = vector.broadcast %gt3A : f32 to vector<64x13xf32>
    %gt3A_13 = arith.cmpf ogt, %transpose3A, %gt3A_12 : vector<64x13xf32>
    %jit3A = arith.constant -1.000000e+09 : f32
    %broadcast_in_dim3A_14 = vector.broadcast %jit3A : f32 to vector<64x13xf32>
    %select_n3A = arith.select %gt3A_13, %add3A_8, %broadcast_in_dim3A_14 : vector<64x13xi1>, vector<64x13xf32>
    %jit3A_15 = arith.constant -1.000000e+09 : f32
    %pad3A = vector.broadcast %jit3A_15 : f32 to vector<64x115xf32>
    %pad3A_16 = tpu.concatenate %select_n3A, %pad3A in 1 : vector<64x13xf32>, vector<64x115xf32> -> vector<64x128xf32>
    %get3A_17 = arith.constant 0 : index
    %get3A_18 = arith.constant 0 : index
    %get3A_19 = vector.load %arg6[%get3A_17, %get3A_18] : memref<2061x128xf32, #tpu.memory_space<vmem>>, vector<2048x128xf32>
    %dot_general3A_20 = arith.constant dense<0.000000e+00> : vector<64x128xf32>
    %dot_general3A_21 = tpu.matmul %get3A_1, %get3A_19, %dot_general3A_20 {dimension_numbers = #tpu.dot_dimension_numbers<[1], [0], [0], [1], [0, 0, 1, 1], [], []>, transpose_lhs_hint = false} : vector<64x2048xf32>, vector<2048x128xf32>, vector<64x128xf32> -> vector<64x128xf32>
    %get3A_22 = arith.constant 0 : index
    %get3A_23 = vector.load %arg7[%get3A_22] : memref<128xf32, #tpu.memory_space<vmem>>, vector<128xf32>
    %broadcast_in_dim3A_24 = vector.shape_cast %get3A_23 : vector<128xf32> to vector<1x128xf32>
    %add3A_25 = vector.broadcast %broadcast_in_dim3A_24 : vector<1x128xf32> to vector<64x128xf32>
    %add3A_26 = arith.addf %dot_general3A_21, %add3A_25 : vector<64x128xf32>
    %get3A_27 = arith.constant 0 : index
    %get3A_28 = arith.constant 0 : index
    %get3A_29 = vector.load %arg2[%get3A_27, %get3A_28] : memref<64x128xf32, #tpu.memory_space<vmem>>, vector<64x128xf32>
    %gt3A_30 = arith.constant 0.000000e+00 : f32
    %gt3A_31 = vector.broadcast %gt3A_30 : f32 to vector<64x128xf32>
    %gt3A_32 = arith.cmpf ogt, %get3A_29, %gt3A_31 : vector<64x128xf32>
    %jit3A_33 = arith.constant -1.000000e+09 : f32
    %broadcast_in_dim3A_34 = vector.broadcast %jit3A_33 : f32 to vector<64x128xf32>
    %select_n3A_35 = arith.select %gt3A_32, %add3A_26, %broadcast_in_dim3A_34 : vector<64x128xi1>, vector<64x128xf32>
    %get3A_36 = arith.constant 0 : index
    %get3A_37 = arith.constant 0 : index
    %get3A_38 = vector.load %arg8[%get3A_36, %get3A_37] : memref<2189x128xf32, #tpu.memory_space<vmem>>, vector<2048x128xf32>
    %dot_general3A_39 = arith.constant dense<0.000000e+00> : vector<64x128xf32>
    %dot_general3A_40 = tpu.matmul %get3A_1, %get3A_38, %dot_general3A_39 {dimension_numbers = #tpu.dot_dimension_numbers<[1], [0], [0], [1], [0, 0, 1, 1], [], []>, transpose_lhs_hint = false} : vector<64x2048xf32>, vector<2048x128xf32>, vector<64x128xf32> -> vector<64x128xf32>
    %get3A_41 = arith.constant 0 : index
    %get3A_42 = vector.load %arg9[%get3A_41] : memref<128xf32, #tpu.memory_space<vmem>>, vector<128xf32>
    %broadcast_in_dim3A_43 = vector.shape_cast %get3A_42 : vector<128xf32> to vector<1x128xf32>
    %add3A_44 = vector.broadcast %broadcast_in_dim3A_43 : vector<1x128xf32> to vector<64x128xf32>
    %add3A_45 = arith.addf %dot_general3A_40, %add3A_44 : vector<64x128xf32>
    %get3A_46 = arith.constant 0 : index
    %get3A_47 = arith.constant 0 : index
    %get3A_48 = vector.load %arg3[%get3A_46, %get3A_47] : memref<64x128xf32, #tpu.memory_space<vmem>>, vector<64x128xf32>
    %gt3A_49 = arith.constant 0.000000e+00 : f32
    %gt3A_50 = vector.broadcast %gt3A_49 : f32 to vector<64x128xf32>
    %gt3A_51 = arith.cmpf ogt, %get3A_48, %gt3A_50 : vector<64x128xf32>
    %jit3A_52 = arith.constant -1.000000e+09 : f32
    %broadcast_in_dim3A_53 = vector.broadcast %jit3A_52 : f32 to vector<64x128xf32>
    %select_n3A_54 = arith.select %gt3A_51, %add3A_45, %broadcast_in_dim3A_53 : vector<64x128xi1>, vector<64x128xf32>
    %concatenate3A = tpu.concatenate %pad3A_16, %select_n3A_35, %select_n3A_54 in 1 : vector<64x128xf32>, vector<64x128xf32>, vector<64x128xf32> -> vector<64x384xf32>
    %swap3A = arith.constant 0 : index
    %swap3A_55 = arith.constant 0 : index
    %swap3A_56 = vector.load %arg11[%swap3A, %swap3A_55] : memref<64x384xf32, #tpu.memory_space<vmem>>, vector<64x384xf32>
    tpu.vector_store %arg11[%swap3A, %swap3A_55], %concatenate3A {strides = array<i32>} : memref<64x384xf32, #tpu.memory_space<vmem>>, vector<64x384xf32>,
    %get3A_57 = arith.constant 0 : index
    %get3A_58 = arith.constant 0 : index
    %get3A_59 = vector.load %arg10[%get3A_57, %get3A_58] : memref<64x384xf32, #tpu.memory_space<vmem>>, vector<64x384xf32>
    %add3A_60 = arith.addf %concatenate3A, %get3A_59 : vector<64x384xf32>
    %swap3A_61 = arith.constant 0 : index
    %swap3A_62 = arith.constant 0 : index
    %swap3A_63 = vector.load %arg12[%swap3A_61, %swap3A_62] : memref<64x384xf32, #tpu.memory_space<vmem>>, vector<64x384xf32>
    tpu.vector_store %arg12[%swap3A_61, %swap3A_62], %add3A_60 {strides = array<i32>} : memref<64x384xf32, #tpu.memory_space<vmem>>, vector<64x384xf32>,
    %get3A_64 = arith.constant 2048 : index
    %get3A_65 = arith.constant 0 : index
    %get3A_66 = vector.load %arg6[%get3A_64, %get3A_65] : memref<2061x128xf32, #tpu.memory_space<vmem>>, vector<13x128xf32>
    %get3A_67 = arith.constant 2048 : index
    %get3A_68 = arith.constant 0 : index
    %get3A_69 = vector.load %arg8[%get3A_67, %get3A_68] : memref<2189x128xf32, #tpu.memory_space<vmem>>, vector<13x128xf32>
    %concatenate3A_70 = tpu.concatenate %get3A_66, %get3A_69 in 1 : vector<13x128xf32>, vector<13x128xf32> -> vector<13x256xf32>
    %jit3A_71 = arith.constant 0 : i32
    %convert_element_type3A = arith.sitofp %jit3A_71 : i32 to f32
    %pad3A_72 = vector.broadcast %convert_element_type3A : f32 to vector<3x256xf32>
    %pad3A_73 = tpu.concatenate %concatenate3A_70, %pad3A_72 in 0 : vector<13x256xf32>, vector<3x256xf32> -> vector<16x256xf32>
    %swap3A_74 = arith.constant 0 : index
    %swap3A_75 = arith.constant 0 : index
    %swap3A_76 = vector.load %arg13[%swap3A_74, %swap3A_75] : memref<16x256xf32, #tpu.memory_space<vmem>>, vector<16x256xf32>
    tpu.vector_store %arg13[%swap3A_74, %swap3A_75], %pad3A_73 {strides = array<i32>} : memref<16x256xf32, #tpu.memory_space<vmem>>, vector<16x256xf32>,
    %get3A_77 = arith.constant 2061 : index
    %get3A_78 = arith.constant 0 : index
    %get3A_79 = vector.load %arg8[%get3A_77, %get3A_78] : memref<2189x128xf32, #tpu.memory_space<vmem>>, vector<128x128xf32>
    %swap3A_80 = arith.constant 0 : index
    %swap3A_81 = arith.constant 0 : index
    %swap3A_82 = vector.load %arg14[%swap3A_80, %swap3A_81] : memref<128x128xf32, #tpu.memory_space<vmem>>, vector<128x128xf32>
    tpu.vector_store %arg14[%swap3A_80, %swap3A_81], %get3A_79 {strides = array<i32>} : memref<128x128xf32, #tpu.memory_space<vmem>>, vector<128x128xf32>,
    return
  }
}

</mosaic_0001>

<sc_bundles>
// kernel: kernel.4.cloned.1.call-start
scs
__scs_entry_jumppad:
0x0: {  	(pc) =	sbr.rel $0x88, $3  }
0x1: {  	(tag) =	ssettag $0x0;
	lr =	simm.s32 $0x1  }
0x2: {  	[smem:$0x3F97] =	sst lr;
	_ =	strace $0xD0000000  }
0x3: {  	_ = 	snop  }
0x4: {  	_ = 	snop  }
0x5: {  	_ = 	snop  }
0x6: {  	_ = 	snop  }
0x7: {  	_ = 	snop  }
__scs_overlays_trampoline_lowered:
0x8: {  	[smem:$0x3FA6] =	sst s0  }
0x9: {  	[smem:$0x3FA7] =	sst s1  }
0xa: {  	[smem:$0x3FA8] =	sst s2  }
0xb: {  	[smem:$0x3FA9] =	sst s3  }
0xc: {  	[smem:$0x3FAA] =	sst s4  }
0xd: {  	[smem:$0x3FAB] =	sst s5  }
0xe: {  	[smem:$0x3FAC] =	sst s6  }
0xf: {  	[smem:$0x3FAD] =	sst s7  }
0x10: {  	[smem:$0x3FAE] =	sst s8  }
0x11: {  	[smem:$0x3FAF] =	sst s9;
	s0 =	simm.s32 @!p0 $0x0  }
0x12: {  	s1 =	sld [smem:$0x3F95];
	s0 =	simm.s32 @p0 $0x1  }
0x13: {  	[smem:$0x3FB0] =	sst s0;
	s0 =	simm.s32 @!p1 $0x0  }
0x14: {  	s2 =	sld [smem:$0x3F94];
	s0 =	simm.s32 @p1 $0x1  }
0x15: {  	[smem:$0x3FB1] =	sst s0;
	s0 =	simm.s32 @!p2 $0x0  }
0x16: {  	s3 =	sld [smem:$0x3FDB];
	s0 =	simm.s32 @p2 $0x1  }
0x17: {  	s4 =	simm.s32 $0x1BF5;
	[smem:$0x3FB3] =	sst s0  }
0x18: {  	s0 =	sld [smem:$0x3F96];
	_ =	swait.ge [sflag:s4], $0x0  }
0x19: {  	s7 =	sld [smem:$0x3F97]  }
0x1a: {  	s8 =	sadd.s32 $0xFFFFE003, lr  }
0x1b: {  	s9 =	sadd.s32 $0xFFFFFEF7, lr;
	s5 =	simm.s32 $0xFFFFFFFF;
	p2 =	slt.u32 s8, $0xFFFFF086  }
0x1c: {  	p1 =	slt.u32 s9, $0xF7A;
	s5 =	simm.s32 @!p2 $0x0  }
0x1d: {  	s5 =	simm.s32 @p1 $0x1;
	p0 =	seq.s32 s7, s2  }
0x1e: {  	s7 =	smul.u32 @!p0 $0xF7A, s2;
	p2 =	seq.s32 @!p0 s5, $0x0  }
0x1f: {  	s9 =	smul.u32 $0xF7A, s1;
	s8 =	simm.s32 @!p0 $0x1BF5;
	p2 =	por !p2, p0  }
0x20: {  	[sflag:s8] =	ssyncset.s32 @!p0 $0xFFFFF086;
	s6 =	sadd.s32 @!p0 s3, s7;
	s7 =	simm.s32 @!p0 $0x108  }
0x21: {  	s3 =	sadd.s32 s3, s9;
	s6 =	sadd.s32 @!p0 $0x88, s6;
	s7 =	simm.s32 @p2 $0x1082  }
0x22: {  	[simem:s7], [sflag:s8] =	dma.local @!p0 [hbm:s6], $0xF7A  }
0x23: {  	s9 =	sor.u32 $0xD0000000, s2;
	s6 =	simm.s32 $0x108;
	_ =	swait.ge @!p0 [sflag:s8], $0x0  }
0x24: {  	s3 =	sadd.s32 $0x88, s3;
	s6 =	simm.s32 @!p1 $0x1082;
	[sflag:s4] =	ssyncset.s32 $0xFFFFF086  }
0x25: {  	[simem:s6], [sflag:s4] =	dma.local [hbm:s3], $0xF7A  }
0x26: {  	[smem:$0x3F97] =	sst s1;
	(tag) =	ssettag s2;
	_ =	strace s9  }
0x27: {  	s1 =	sld [smem:$0x3FA7]  }
0x28: {  	s2 =	sld [smem:$0x3FA8]  }
0x29: {  	s4 =	sld [smem:$0x3FAA]  }
0x2a: {  	p0 =	seq.s32 s5, $0x0;
	s5 =	sld [smem:$0x3FAB]  }
0x2b: {  	s6 =	sld [smem:$0x3FAC]  }
0x2c: {  	s7 =	sld [smem:$0x3FAD]  }
0x2d: {  	s3 =	simm.s32 $0x108;
	s8 =	sld [smem:$0x3FAE]  }
0x2e: {  	s3 =	simm.s32 @!p0 $0x1082;
	s9 =	sld [smem:$0x3FAF]  }
0x2f: {  	lr =	sadd.s32 s0, s3;
	s0 =	sld [smem:$0x3FA6]  }
0x30: {  	s3 =	sld [smem:$0x3FA9]  }
0x31: {  	[smem:$0x3FB2] =	sst s10  }
0x32: {  	s10 =	sld [smem:$0x3FB0];
	_ =	sdelay $0x3  }
0x33: {  	p0 =	seq.s32 s10, $0x1;
	s10 =	sld [smem:$0x3FB2];
	_ =	sdelay $0x3  }
0x34: {  	[smem:$0x3FB2] =	sst s10  }
0x35: {  	s10 =	sld [smem:$0x3FB1];
	_ =	sdelay $0x3  }
0x36: {  	p1 =	seq.s32 s10, $0x1;
	s10 =	sld [smem:$0x3FB2];
	_ =	sdelay $0x3  }
0x37: {  	[smem:$0x3FB2] =	sst s10  }
0x38: {  	s10 =	sld [smem:$0x3FB3]  }
0x39: {  	_ = 	snop;
	(pc) =	sbr.ind lr, $3  }
0x3a: {  	_ = 	snop  }
0x3b: {  	_ = 	snop  }
0x3c: {  	p2 =	seq.s32 s10, $0x1;
	s10 =	sld [smem:$0x3FB2]  }
0x3d: {  	_ =	shalt  }
0x3e: {  	_ =	shalt  }
0x3f: {  	_ =	shalt  }
0x40: {  	_ =	shalt  }
0x41: {  	_ =	shalt  }
0x42: {  	_ =	shalt  }
0x43: {  	_ =	shalt  }
0x44: {  	_ =	shalt  }
0x45: {  	_ =	shalt  }
0x46: {  	_ =	shalt  }
0x47: {  	_ =	shalt  }
0x48: {  	_ =	shalt  }
0x49: {  	_ =	shalt  }
0x4a: {  	_ =	shalt  }
0x4b: {  	_ =	shalt  }
0x4c: {  	_ =	shalt  }
0x4d: {  	_ =	shalt  }
0x4e: {  	_ =	shalt  }
0x4f: {  	_ =	shalt  }
0x50: {  	_ =	shalt  }
0x51: {  	_ =	shalt  }
0x52: {  	_ =	shalt  }
0x53: {  	_ =	shalt  }
0x54: {  	_ =	shalt  }
0x55: {  	_ =	shalt  }
0x56: {  	_ =	shalt  }
0x57: {  	_ =	shalt  }
0x58: {  	_ =	shalt  }
0x59: {  	_ =	shalt  }
0x5a: {  	_ =	shalt  }
0x5b: {  	_ =	shalt  }
0x5c: {  	_ =	shalt  }
0x5d: {  	_ =	shalt  }
0x5e: {  	_ =	shalt  }
0x5f: {  	_ =	shalt  }
0x60: {  	_ =	shalt  }
0x61: {  	_ =	shalt  }
0x62: {  	_ =	shalt  }
0x63: {  	_ =	shalt  }
0x64: {  	_ =	shalt  }
0x65: {  	_ =	shalt  }
0x66: {  	_ =	shalt  }
0x67: {  	_ =	shalt  }
0x68: {  	_ =	shalt  }
0x69: {  	_ =	shalt  }
0x6a: {  	_ =	shalt  }
0x6b: {  	_ =	shalt  }
0x6c: {  	_ =	shalt  }
0x6d: {  	_ =	shalt  }
0x6e: {  	_ =	shalt  }
0x6f: {  	_ =	shalt  }
0x70: {  	_ =	shalt  }
0x71: {  	_ =	shalt  }
0x72: {  	_ =	shalt  }
0x73: {  	_ =	shalt  }
0x74: {  	_ =	shalt  }
0x75: {  	_ =	shalt  }
0x76: {  	_ =	shalt  }
0x77: {  	_ =	shalt  }
0x78: {  	_ =	shalt  }
0x79: {  	_ =	shalt  }
0x7a: {  	_ =	shalt  }
0x7b: {  	_ =	shalt  }
0x7c: {  	_ =	shalt  }
0x7d: {  	_ =	shalt  }
0x7e: {  	_ =	shalt  }
0x7f: {  	_ =	shalt  }
0x80: {  	_ =	shalt  }
0x81: {  	_ =	shalt  }
0x82: {  	_ =	shalt  }
0x83: {  	_ =	shalt  }
0x84: {  	_ =	shalt  }
0x85: {  	_ =	shalt  }
0x86: {  	_ =	shalt  }
0x87: {  	_ =	shalt  }
.Lfunc_end0:
.L_simem_size_0:
called_computation_lowered:
.L_overlay_start_0:
0x88: {  	s2 =	sld [smem:$0x3FD9]  }
0x89: {  	s3 =	sld [smem:$0x3FFE];
	_ =	sdelay $0x1  }
0x8a: {  	s1 =	srdreg.scid  }
0x8b: {  	s0 =	sand.u32 $0x1, s1  }
0x8c: {  	s16 =	sshll.u32 s0, $0xA;
	s2 =	sadd.s32 s3, s2  }
0x8d: {  	s2 =	sadd.s32 s2, s16  }
0x8e: {  	[smem:$0x3FBE] =	sst s2  }
0x8f: {  	_ = 	snop  }
0x90: {  	(tm) =	ssettm $0x1  }
0x91: {  	s17 =	sld [smem:$0x3FFB];
	_ =	sdelay $0x3  }
0x92: {  	_ =	strace s17  }
0x93: {  	s2 =	sld [smem:$0x3FFC];
	_ =	sdelay $0x3  }
0x94: {  	_ =	strace s2  }
0x95: {  	s2 =	sld [smem:$0x3FFD];
	_ =	sdelay $0x3  }
0x96: {  	_ =	strace s2  }
0x97: {  	_ =	strace $0x8FFFFFFF  }
0x98: {  	s18 =	sld [smem:$0x3FDB];
	_ =	sdelay $0x1  }
0x99: {  	s19 =	simm.s32 $_scs_section_size  }
0x9a: {  	s4 =	simm.s32 $_size__tile_overlayer_lowered;
	s5 =	simm.s32 $_tile_overlayer_lowered  }
0x9b: {  	s22 =	simm.s32 $0x1BFF;
	s21 =	sshll.u32 s5, $0x1;
	s2 =	sadd.s32 s19, s18  }
0x9c: {  	s6 =	simm.s32 $0x0;
	s20 =	sshll.u32 s4, $0x1;
	s4 =	sadd.s32 s21, s2  }
0x9d: {  	[timem:s6], [sflag:s22] =	dma.local [hbm:s4], s20  }
0x9e: {  	_ =	swait.ge [sflag:s22], s20  }
0x9f: {  	s3 =	ssub.s32 $0x0, s20;
	[sflag:s22] =	ssyncset.done $0x0  }
0xa0: {  	[sflag:s22] =	ssyncadd.s32 s3;
	_ =	sdelay $0x1  }
0xa1: {  	s23 =	simm.s32 $0x1B8B  }
0xa2: {  	_ =	swait.ge [sflag:s23], $0x1  }
0xa3: {  	[sflag:s23] =	ssyncset.done $0x0  }
0xa4: {  	s25 =	simm.s32 $0x1B8E;
	s24 =	sld [smem:$0x3FFE];
	[sflag:s23] =	ssyncadd.s32 $0xFFFFFFFF  }
0xa5: {  	s26 =	simm.s32 $execute0_lowered;
	[smem:$0x3FD2] =	sst s25  }
0xa6: {  	s4 =	sshll.u32 s26, $0x1;
	_ =	strace $0x80000046;
	[dreg:$0x1] =	wrdreg $0xFFFFFFFF  }
0xa7: {  	s28 =	simm.s32 $_size_execute0_lowered;
	s2 =	sadd.s32 s2, s4;
	[dreg:$0x0] =	wrdreg $0x0  }
0xa8: {  	s4 =	sshll.u32 s28, $0x1;
	[dreg:$0x2] =	wrdreg s2  }
0xa9: {  	[dreg:$0x3] =	wrdreg s4  }
0xaa: {  	[dreg:$0x4] =	wrdreg $0xC0  }
0xab: {  	_ =	task [dreg:s6], $0x5FFFF  }
0xac: {  	[dreg:$0x1] =	wrdreg $0xFFFFFFFF  }
0xad: {  	[dreg:$0x0] =	wrdreg $0x60  }
0xae: {  	[dreg:$0x2] =	wrdreg s24  }
0xaf: {  	[dreg:$0x3] =	wrdreg $0x9  }
0xb0: {  	_ =	task.clear_ibuf [dreg:s6], $0x4FFFF;
	_ =	strace $0x90000046  }
0xb1: {  	s29 =	simm.s32 $0x9;
	_ =	strace $0x80000048  }
0xb2: {  	_ =	swait.ge [sflag:s29], $0x1  }
0xb3: {  	[sflag:s29] =	ssyncadd.s32 $0xFFFFFFFF  }
0xb4: {  	_ =	strace $0x90000048  }
0xb5: {  	_ =	sfence  }
0xb6: {  	s30 =	sld [smem:$0x0];
	_ =	sdelay $0x2  }
0xb7: {  	s31 =	sshll.u32 s1, $0xD;
	s1 =	sshrl.u32 s1, $0x2  }
0xb8: {  	s3 =	sand.u32 $0x4000, s31;
	s1 =	sadd.s32 s1, s30  }
0xb9: {  	s0 =	sor.u32 s3, s0;
	s1 =	sshll.u32 s1, $0x11  }
0xba: {  	s0 =	sor.u32 s1, s0  }
0xbb: {  	s0 =	sadd.s32 $0x8F2B, s0  }
0xbc: {  	[sflag:s0] =	ssyncadd.remote.s32 $0x1  }
0xbd: {  	_ =	sfence.sel $0xFFFF  }
0xbe: {  	[dreg:$0x0] =	wrdreg $0xFFFFFFFF;
	(pc) =	sbr.abs _section_cstart, $3  }
0xbf: {  	[dreg:$0x1] =	wrdreg $0xFFFFFFFF  }
0xc0: {  	_ =	task.clear_ibuf [dreg:s6], $0x2FFFF;
	_ =	strace $0x9FFFFFFF  }
0xc1: {  	(tm) =	ssettm $0x7FFFFFFF  }
tec
execute0_lowered:
.L_overlay_start_1:
0x0: {  	(tag) =	ssettag $0x1  }
0x1: {  	s0 =	srdreg.scid;
	s2 =	stileid.u32  }
0x2: {  	s4 =	rddreg [dreg:$0x0];
	s21 =	simm.s32 $0x0;
	s25 =	simm.s32 $0x300  }
0x3: {  	s28 =	simm.s32 $0x600;
	s29 =	simm.s32 $0xE00;
	s30 =	simm.s32 $0x1600  }
0x4: {  	s31 =	simm.s32 $0x1E00;
	s16 =	simm.f32 $1.414213540e+00;
	s0 =	sand.u32 $0x1, s0  }
0x5: {  	s1 =	sshll.u32 s2, $0x1;
	[smem:$0x7FF] =	sst s21;
	s23 =	sadd.s32 $0x4400, s4  }
0x6: {  	s6 =	sadd.s32 $0x3C00, s4;
	_ =	strace $0x80000047;
	[dreg:$0xb] =	wrdreg s23  }
0x7: {  	v0 =	vlaneseq.u32;
	s2 =	sshrl.u32 s2, $0x1;
	s1 =	sor.u32 s0, s1;
	[dreg:$0x2] =	wrdreg s6  }
0x8: {  	vm0 =	vmmov $0xffff;
	vm1 =	vcmask $0x704;
	vm2 =	vcmask $0x300;
	s3 =	smul.u32 $0xC00, s2;
	[dreg:$0x6] =	wrdreg s25;
	s5 =	sshll.u32 s1, $0x8  }
0x9: {  	vm3 =	vcmask $0xB08;
	vm4 =	vcmask $0xF0C;
	v1 =	vor.u32 $0x80000070, v0;
	s0 =	ssub.s32 $0x2, s0;
	[dreg:$0x7] =	wrdreg s28;
	s5 =	sand.u32 $0x300, s5  }
0xa: {  	v2 =	vor.u32 $0x80000060, v0;
	v3 =	vor.u32 $0x80000050, v0;
	v4 =	vor.u32 $0x80000040, v0;
	[dreg:$0x8] =	wrdreg s29;
	s1 =	sshll.u32 s1, $0x4;
	s3 =	sor.u32 s3, s5  }
0xb: {  	v5 =	vor.u32 $0x80000030, v0;
	v6 =	vor.u32 $0x80000020, v0;
	v7 =	vor.u32 $0x80000010, v0;
	[dreg:$0x9] =	wrdreg s30;
	s1 =	sadd.s32 s1, s4;
	s3 =	sshrl.u32 s3, $0x3  }
0xc: {  	v8 =	vor.u32 $0x80000000, v0;
	v9 =	vor.u32 $0x10, v0;
	v10 =	vor.u32 $0x20, v0;
	[dreg:$0xa] =	wrdreg s31;
	s1 =	sadd.s32 $0x4600, s1;
	s22 =	sadd.s32 s3, s4  }
0xd: {  	v11 =	vor.u32 $0x30, v0;
	v12 =	vor.u32 $0x40, v0;
	v13 =	vor.u32 $0x50, v0;
	s26 =	sshrl.u32 s0, $0x1;
	[dreg:$0x5] =	wrdreg s1;
	s24 =	sadd.s32 $0x2400, s22  }
0xe: {  	v14 =	vor.u32 $0x60, v0;
	v15 =	vor.u32 $0x70, v0;
	v17 =	vshrl.u32 v0, $0x3;
	s0 =	ssub.s32 s0, s26;
	s5 =	sadd.s32 $0x3000, s22;
	[dreg:$0x3] =	wrdreg s24  }
0xf: {  	v16 =	vand.u32 $0x7, v0;
	v18 =	vor.u32 $0x8, v0;
	s21 =	simm.s32 $0x2;
	v17 =	vmul.u32 $0x8, v17;
	s4 =	smax.u32 s0, $0x1;
	[dreg:$0x4] =	wrdreg s5  }
.LBB2_1:
0x10: {  	s0 =	rddreg [dreg:$0x3]  }
0x11: {  	s1 =	simm.s32 $0x0;
	s2 =	simm.s32 $0x100;
	s3 =	simm.s32 $0x400  }
0x12: {  	[tilespmem:s1], [sflag:$0x2] =	stream.strided.gather [hbm4b:s0+s2], $0x300, s3, s2, $0x38;
	[tilespmem:$0x1E80] =	vst v63  }
0x13: {  	_ =	swait.ge [sflag:s21], $0x300  }
0x14: {  	s13 =	rddreg [dreg:$0x4];
	[sflag:s21] =	ssyncset.done $0x0  }
0x15: {  	s14 =	rddreg [dreg:$0x6];
	[sflag:s21] =	ssyncadd.s32 $0xFFFFFD00  }
0x16: {  	[tilespmem:s14], [sflag:$0x2] =	stream.strided.gather [hbm4b:s13+s2], $0x300, s3, s2, $0x38;
	[tilespmem:$0x1E80] =	vst v63  }
0x17: {  	_ =	swait.ge [sflag:s21], $0x300  }
0x18: {  	[sflag:s21] =	ssyncset.done $0x0  }
0x19: {  	[sflag:s21] =	ssyncadd.s32 $0xFFFFFD00  }
0x1a: {  	v19 =	vld [tilespmem:$0x300]  }
0x1b: {  	v20 =	vld [tilespmem:$0x310]  }
0x1c: {  	v21 =	vld [tilespmem:$0x320]  }
0x1d: {  	v22 =	vld [tilespmem:$0x330]  }
0x1e: {  	v23 =	vld [tilespmem:$0x340]  }
0x1f: {  	v24 =	vld [tilespmem:$0x350]  }
0x20: {  	v25 =	vld [tilespmem:$0x360];
	v26 =	vmax.f32 v19, v20  }
0x21: {  	v27 =	vld [tilespmem:$0x370];
	v26 =	vmax.f32 v26, v21  }
0x22: {  	v26 =	vmax.f32 v26, v22  }
0x23: {  	v26 =	vmax.f32 v26, v23  }
0x24: {  	v26 =	vmax.f32 v26, v24  }
0x25: {  	v28 =	vld [tilespmem:$0x0];
	v26 =	vmax.f32 v26, v25  }
0x26: {  	v29 =	vld [tilespmem:$0x10];
	v26 =	vmax.f32 v26, v27  }
0x27: {  	v30 =	vld [tilespmem:$0x20];
	(xrf0) =	vmax.scan.msk.f32 $0xffff, v26  }
0x28: {  	v31 =	vld [tilespmem:$0x30]  }
0x29: {  	v32 =	vld [tilespmem:$0x40]  }
0x2a: {  	v52 =	vld [tilespmem:$0x50]  }
0x2b: {  	v33 =	vld [tilespmem:$0x60];
	v34 =	vmax.f32 v28, v29  }
0x2c: {  	v35 =	vld [tilespmem:$0x70];
	v34 =	vmax.f32 v34, v30  }
0x2d: {  	v34 =	vmax.f32 v34, v31;
	v36, _, _ =	vpop (xrf0)  }
0x2e: {  	v34 =	vmax.f32 v34, v32;
	v36 =	vbroadcast v36, $0xF  }
0x2f: {  	v34 =	vmax.f32 v34, v52  }
0x30: {  	v34 =	vmax.f32 v34, v33;
	vm5 =	vge.f32 v27, v36  }
0x31: {  	v34 =	vmax.f32 v34, v35;
	vm6 =	vge.f32 v25, v36;
	v53 =	vnsel vm5, $0x80100000, v1  }
0x32: {  	(xrf0) =	vmax.scan.msk.f32 $0xffff, v34;
	vm5 =	vge.f32 v24, v36;
	v54 =	vsel vm6, v2, v53  }
0x33: {  	vm6 =	vge.f32 v23, v36;
	v55 =	vsel vm5, v3, v54  }
0x34: {  	vm5 =	vge.f32 v22, v36;
	v56 =	vsel vm6, v4, v55  }
0x35: {  	vm6 =	vge.f32 v21, v36;
	v57 =	vsel vm5, v5, v56  }
0x36: {  	vm5 =	vge.f32 v20, v36;
	v20 =	vsel vm6, v6, v57  }
0x37: {  	vm6 =	vge.f32 v19, v36;
	v20 =	vsel vm5, v7, v20  }
0x38: {  	v58, _, _ =	vpop (xrf0);
	v20 =	vsel vm6, v8, v20  }
0x39: {  	v19 =	vbroadcast v58, $0xF;
	(xrf0) =	vmin.scan.msk.u32 $0xffff, v20;
	_ =	sdelay $0x1  }
0x3a: {  	v59 =	vsub.f32 v28, v19;
	_ =	sdelay $0x1  }
0x3b: {  	v22 =	vsub.f32 v29, v19;
	v20 =	vmul.f32 $1.442695020e+00, v59;
	_ =	sdelay $0x1  }
0x3c: {  	v60 =	vsub.f32 v30, v19;
	(erf) = vpow2.f32 v20;
	v20 =	vmul.f32 $1.442695020e+00, v22;
	v62, _, _ =	vpop (xrf0)  }
0x3d: {  	(v2sf) =	vpush v62, $0xF  }
0x3e: {  	v61 =	vsub.f32 v31, v19;
	(erf) = vpow2.f32 v20;
	v20 =	vmul.f32 $1.442695020e+00, v60;
	_ =	sdelay $0x1  }
0x3f: {  	(erf) = vpow2.f32 v20;
	v20 =	vmul.f32 $1.442695020e+00, v61;
	_ =	sdelay $0x1  }
0x40: {  	v63 =	vsub.f32 v32, v19;
	v31 =	vld [tilespmem:$0x380];
	(erf) = vpow2.f32 v20  }
0x41: {  	v43 =	vsub.f32 v33, v19;
	v33 =	vld [tilespmem:$0x390]  }
0x42: {  	v26 =	vsub.f32 v52, v19;
	v19 =	vsub.f32 v35, v19;
	v35 =	vld [tilespmem:$0x3A0];
	v20 =	vmul.f32 $1.442695020e+00, v63  }
0x43: {  	v32 =	vld [tilespmem:$0x3B0]  }
0x44: {  	v34 =	vld [tilespmem:$0x3C0];
	(erf) = vpow2.f32 v20;
	v39 =	vpop (erf)  }
0x45: {  	v55 =	vld [tilespmem:$0x80];
	v45 =	vmul.f32 $1.442695020e+00, v26;
	v20 =	vmul.f32 v39, v59  }
0x46: {  	v58 =	vld [tilespmem:$0x90];
	v47 =	vmul.f32 $1.442695020e+00, v43;
	v38 =	vmax.f32 v31, v33;
	v27 =	vadd.f32 $0.0e+00, v39;
	v40 =	vpop (erf)  }
0x47: {  	v38 =	vmax.f32 v38, v35;
	v20 =	vadd.f32 $0.0e+00, v20;
	v29 =	vmul.f32 v40, v22  }
0x48: {  	v48 =	vmul.f32 $1.442695020e+00, v19;
	v38 =	vmax.f32 v38, v32;
	v27 =	vadd.f32 v27, v40;
	v41 =	vpop (erf)  }
0x49: {  	v20 =	vadd.f32 v20, v29;
	v42 =	vmul.f32 v41, v60;
	v44 =	vpop (erf);
	(erf) = vpow2.f32 v45  }
0x4a: {  	v50 =	vld [tilespmem:$0x3D0];
	v21 =	vadd.f32 $0.0e+00, v59;
	v52 =	vmax.f32 v38, v34;
	v27 =	vadd.f32 v27, v41;
	s15 =	spop (v2sf)  }
0x4b: {  	v37 =	vld [tilespmem:$0x3E0];
	v40 =	vmax.f32 v55, v58;
	v20 =	vadd.f32 v20, v42;
	(erf) = vpow2.f32 v47;
	s11 =	sxor.u32 $0x80000000, s15  }
0x4c: {  	v39 =	vld [tilespmem:$0x3F0];
	v46 =	vmul.f32 v44, v61;
	v27 =	vadd.f32 v27, v44;
	v51 =	vmov s11  }
0x4d: {  	v49 =	vpop (erf);
	(erf) = vpow2.f32 v48;
	vm5 =	veq.s32 v51, v0;
	vm6 =	veq.s32 v51, v9  }
0x4e: {  	v20 =	vadd.f32 v20, v46;
	v21 =	vnsel vm5, $0x0, v21;
	v22 =	vnsel vm6, $0x0, v22  }
0x4f: {  	vm5 =	veq.s32 v51, v10;
	v21 =	vadd.f32 v22, v21;
	v22 =	vmax.f32 v52, v50  }
0x50: {  	v36 =	vmul.f32 v49, v63;
	v23 =	vnsel vm5, $0x0, v60;
	v22 =	vmax.f32 v22, v37  }
0x51: {  	vm5 =	veq.s32 v51, v11;
	v21 =	vadd.f32 v21, v23;
	v22 =	vmax.f32 v22, v39  }
0x52: {  	v27 =	vadd.f32 v27, v49;
	v20 =	vadd.f32 v20, v36;
	v53 =	vpop (erf);
	v24 =	vnsel vm5, $0x0, v61;
	(xrf0) =	vmax.scan.msk.f32 $0xffff, v22  }
0x53: {  	v54 =	vmul.f32 v53, v26;
	vm5 =	veq.s32 v51, v12;
	v21 =	vadd.f32 v21, v24  }
0x54: {  	v60 =	vld [tilespmem:$0xA0];
	v56 =	vadd.f32 v27, v53;
	v59 =	vpop (erf);
	v57 =	vnsel vm5, $0x0, v63;
	vm5 =	veq.s32 v51, v13  }
0x55: {  	v61 =	vld [tilespmem:$0xB0];
	v27 =	vmul.f32 v59, v43;
	v20 =	vadd.f32 v20, v54;
	v21 =	vadd.f32 v21, v57  }
0x56: {  	v62 =	vpop (erf);
	v63 =	vld [tilespmem:$0xC0];
	v22 =	vadd.f32 v56, v59;
	v26 =	vnsel vm5, $0x0, v26;
	vm5 =	veq.s32 v51, v14  }
0x57: {  	v44 =	vld [tilespmem:$0xD0];
	v38 =	vmul.f32 v62, v19;
	v43 =	vnsel vm5, $0x0, v43;
	v21 =	vadd.f32 v21, v26  }
0x58: {  	v45 =	vld [tilespmem:$0xE0];
	vm5 =	veq.s32 v51, v15;
	v20 =	vadd.f32 v20, v27;
	v22 =	vadd.f32 v22, v62;
	v41, _, _ =	vpop (xrf0)  }
0x59: {  	v46 =	vld [tilespmem:$0xF0];
	v40 =	vmax.f32 v40, v60;
	v21 =	vadd.f32 v21, v43;
	v41 =	vbroadcast v41, $0xF  }
0x5a: {  	v19 =	vnsel vm5, $0x0, v19;
	v47 =	vmax.f32 v40, v61;
	v20 =	vadd.f32 v20, v38  }
0x5b: {  	v48 =	vmax.f32 v47, v63;
	v19 =	vadd.f32 v21, v19;
	vm5 =	vge.f32 v39, v41  }
0x5c: {  	(xrf2) =	vadd.scan.msk.f32 $0xffff, v22;
	v21 =	vmax.f32 v48, v44;
	vm6 =	vge.f32 v37, v41;
	v49 =	vnsel vm5, $0x80100000, v1  }
0x5d: {  	vm5 =	vge.f32 v50, v41;
	(xrf2) =	vadd.scan.msk.f32 $0xffff, v19;
	v19 =	vmax.f32 v21, v45;
	v50 =	vsel vm6, v2, v49  }
0x5e: {  	vm6 =	vge.f32 v34, v41;
	(xrf2) =	vadd.scan.msk.f32 $0xffff, v20;
	v19 =	vmax.f32 v19, v46;
	v20 =	vsel vm5, v3, v50  }
0x5f: {  	vm5 =	vge.f32 v32, v41;
	(xrf0) =	vmax.scan.msk.f32 $0xffff, v19;
	v19 =	vsel vm6, v4, v20  }
0x60: {  	vm6 =	vge.f32 v35, v41;
	v19 =	vsel vm5, v5, v19  }
0x61: {  	vm5 =	vge.f32 v33, v41;
	v19 =	vsel vm6, v6, v19  }
0x62: {  	vm6 =	vge.f32 v31, v41;
	v19 =	vsel vm5, v7, v19  }
0x63: {  	v19 =	vsel vm6, v8, v19  }
0x64: {  	(xrf0) =	vmin.scan.msk.u32 $0xffff, v19;
	_ =	sdelay $0x1  }
0x65: {  	v20, _, _ =	vpop (xrf2)  }
0x66: {  	v19, _, _ =	vpop (xrf0)  }
0x67: {  	(v2sf) =	vpush v20, $0xF;
	v19 =	vbroadcast v19, $0xF;
	v20, _, _ =	vpop (xrf2)  }
0x68: {  	(v2sf) =	vpush v20, $0xF;
	v20, _, _ =	vpop (xrf2)  }
0x69: {  	v51 =	vsub.f32 v55, v19;
	(v2sf) =	vpush v20, $0xF;
	v53, _, _ =	vpop (xrf0)  }
0x6a: {  	(v2sf) =	vpush v53, $0xF  }
0x6b: {  	v52 =	vsub.f32 v58, v19;
	v20 =	vmul.f32 $1.442695020e+00, v51;
	_ =	sdelay $0x1  }
0x6c: {  	v23 =	vsub.f32 v60, v19;
	(erf) = vpow2.f32 v20;
	v20 =	vmul.f32 $1.442695020e+00, v52;
	_ =	sdelay $0x1  }
0x6d: {  	(erf) = vpow2.f32 v20;
	v20 =	vmul.f32 $1.442695020e+00, v23;
	_ =	sdelay $0x1  }
0x6e: {  	(erf) = vpow2.f32 v20;
	v20 =	vsub.f32 v61, v19;
	_ =	sdelay $0x1  }
0x6f: {  	v54 =	vmul.f32 $1.442695020e+00, v20  }
0x70: {  	v26 =	vsub.f32 v63, v19  }
0x71: {  	v30 =	vsub.f32 v44, v19;
	(erf) = vpow2.f32 v54  }
0x72: {  	v58 =	vmul.f32 $1.442695020e+00, v26;
	s12 =	spop (v2sf)  }
0x73: {  	v27 =	vsub.f32 v45, v19;
	v60 =	vmul.f32 $1.442695020e+00, v30;
	v55 =	vpop (erf);
	s10 =	spop (v2sf)  }
0x74: {  	v19 =	vsub.f32 v46, v19;
	(erf) = vpow2.f32 v58;
	v25 =	vmul.f32 v55, v51;
	s15 =	spop (v2sf)  }
0x75: {  	v62 =	vmul.f32 $1.442695020e+00, v27;
	v21 =	vadd.f32 $0.0e+00, v51;
	v56 =	vadd.f32 $0.0e+00, v55;
	s17 =	spop (v2sf)  }
0x76: {  	v33 =	vmul.f32 $1.442695020e+00, v19;
	v57 =	vpop (erf);
	(erf) = vpow2.f32 v60;
	v25 =	vadd.f32 $0.0e+00, v25;
	s0 =	sxor.u32 $0x80000000, s17  }
0x77: {  	v28 =	vadd.f32 v56, v57;
	v24 =	vmul.f32 v57, v52;
	v63 =	vmov s0  }
0x78: {  	v59 =	vpop (erf);
	(erf) = vpow2.f32 v62;
	vm5 =	veq.s32 v63, v0;
	vm6 =	veq.s32 v63, v9  }
0x79: {  	v28 =	vadd.f32 v28, v59;
	v21 =	vnsel vm5, $0x0, v21;
	v22 =	vnsel vm6, $0x0, v52  }
0x7a: {  	v34 =	vpop (erf);
	vm5 =	veq.s32 v63, v10;
	(erf) = vpow2.f32 v33;
	v21 =	vadd.f32 v22, v21  }
0x7b: {  	v24 =	vadd.f32 v25, v24;
	v61 =	vmul.f32 v59, v23;
	v23 =	vnsel vm5, $0x0, v23  }
0x7c: {  	vm5 =	veq.s32 v63, v11;
	v36 =	vadd.f32 v28, v34;
	v21 =	vadd.f32 v21, v23  }
0x7d: {  	v24 =	vadd.f32 v24, v61;
	v35 =	vmul.f32 v34, v20;
	v37 =	vpop (erf);
	v20 =	vnsel vm5, $0x0, v20  }
0x7e: {  	vm5 =	veq.s32 v63, v12;
	v39 =	vadd.f32 v36, v37;
	v20 =	vadd.f32 v21, v20  }
0x7f: {  	v38 =	vmul.f32 v37, v26;
	v22 =	vadd.f32 v24, v35;
	v40 =	vnsel vm5, $0x0, v26;
	v41 =	vpop (erf)  }
0x80: {  	vm5 =	veq.s32 v63, v13;
	v21 =	vadd.f32 v39, v41;
	v20 =	vadd.f32 v20, v40  }
0x81: {  	v42 =	vmul.f32 v41, v30;
	v43 =	vnsel vm5, $0x0, v30;
	v22 =	vadd.f32 v22, v38;
	v44 =	vpop (erf)  }
0x82: {  	vm5 =	veq.s32 v63, v14;
	v21 =	vadd.f32 v21, v44;
	v20 =	vadd.f32 v20, v43  }
0x83: {  	v45 =	vnsel vm5, $0x0, v27;
	vm5 =	veq.s32 v63, v15;
	v22 =	vadd.f32 v22, v42;
	v47 =	vpop (erf)  }
0x84: {  	v46 =	vmul.f32 v44, v27;
	v21 =	vadd.f32 v21, v47;
	v20 =	vadd.f32 v20, v45  }
0x85: {  	v48 =	vnsel vm5, $0x0, v19  }
0x86: {  	v22 =	vadd.f32 v22, v46;
	v19 =	vmul.f32 v47, v19;
	(xrf2) =	vadd.scan.msk.f32 $0xffff, v21;
	v20 =	vadd.f32 v20, v48;
	_ =	sdelay $0x1  }
0x87: {  	v19 =	vadd.f32 v22, v19;
	(xrf2) =	vadd.scan.msk.f32 $0xffff, v20;
	_ =	sdelay $0x1  }
0x88: {  	(xrf2) =	vadd.scan.msk.f32 $0xffff, v19;
	_ =	sdelay $0x5  }
0x89: {  	v19, _, _ =	vpop (xrf2)  }
0x8a: {  	(v2sf) =	vpush v19, $0xF  }
0x8b: {  	v19, _, _ =	vpop (xrf2)  }
0x8c: {  	(v2sf) =	vpush v19, $0xF  }
0x8d: {  	v19, _, _ =	vpop (xrf2)  }
0x8e: {  	vm5 =	veq.s32 v0, $0x0;
	(v2sf) =	vpush v19, $0xF;
	v19 =	vnsel vm1, $0x0, v63  }
0x8f: {  	v19 =	vsel vm5, s11, v19  }
0x90: {  	v20 =	vshll.u32 v19, $0x1  }
0x91: {  	v19 =	vand.u32 $0x7, v19;
	v20 =	vand.u32 $0xFFFFFFF0, v20  }
0x92: {  	v19 =	vor.u32 v19, v20  }
0x93: {  	v20 =	vperm.xlane v19, v16;
	_ =	sdelay $0x1  }
0x94: {  	v19 =	vperm.xlane v19, v18;
	v20 =	vadd.s32 v17, v20;
	_ =	sdelay $0x1  }
0x95: {  	v19 =	vadd.s32 v17, v19  }
0x96: {  	s18 =	rddreg [dreg:$0x7]  }
0x97: {  	s23 =	simm.s32 $0x0;
	s22 =	rddreg [dreg:$0xb];
	s13 =	spop (v2sf)  }
0x98: {  	[tilespmem:s18], [sflag:$0x1] =	stream.indirect_vreg.gather [hbm4b:s22+s23], $0x80, v20, vm0, $0xb8;
	[tilespmem:$0x1E80] =	vst v63  }
0x99: {  	s20 =	rddreg [dreg:$0x8];
	s19 =	spop (v2sf)  }
0x9a: {  	[tilespmem:s20], [sflag:$0x1] =	stream.indirect_vreg.gather [hbm4b:s22+s23], $0x80, v19, vm0, $0xb8;
	[tilespmem:$0x1E80] =	vst v63  }
0x9b: {  	s25 =	simm.s32 $0x1;
	[dreg:$0xc] =	wrdreg s19;
	s14 =	spop (v2sf)  }
0x9c: {  	_ =	swait.ge [sflag:s25], $0x1000  }
0x9d: {  	[sflag:s25] =	ssyncset.done $0x0  }
0x9e: {  	[sflag:s25] =	ssyncadd.s32 $0xFFFFF000  }
0x9f: {  	v20 =	vld [tilespmem:$0x400]  }
0xa0: {  	v21 =	vld [tilespmem:$0x600]  }
0xa1: {  	v49 =	vld [tilespmem:$0x410]  }
0xa2: {  	v50 =	vld [tilespmem:$0x610]  }
0xa3: {  	v51 =	vld [tilespmem:$0x420]  }
0xa4: {  	v52 =	vld [tilespmem:$0x620]  }
0xa5: {  	v53 =	vld [tilespmem:$0x430]  }
0xa6: {  	v54 =	vld [tilespmem:$0x630]  }
0xa7: {  	v55 =	vld [tilespmem:$0x440]  }
0xa8: {  	v56 =	vld [tilespmem:$0x640]  }
0xa9: {  	v57 =	vld [tilespmem:$0x450]  }
0xaa: {  	v58 =	vld [tilespmem:$0x650]  }
0xab: {  	v59 =	vld [tilespmem:$0x460]  }
0xac: {  	v60 =	vld [tilespmem:$0x660]  }
0xad: {  	v61 =	vld [tilespmem:$0x470];
	v20 =	vadd.f32 v21, v20;
	v22 =	vadd.f32 v50, v49  }
0xae: {  	v62 =	vld [tilespmem:$0x670];
	v24 =	vadd.f32 v52, v51  }
0xaf: {  	v26 =	vadd.f32 v54, v53;
	v44 =	vmax.f32 v20, v22  }
0xb0: {  	v28 =	vadd.f32 v56, v55;
	v37 =	vmax.f32 v44, v24  }
0xb1: {  	v30 =	vadd.f32 v58, v57;
	v37 =	vmax.f32 v37, v26  }
0xb2: {  	v32 =	vadd.f32 v60, v59;
	v37 =	vmax.f32 v37, v28  }
0xb3: {  	v19 =	vld [tilespmem:$0x100];
	v34 =	vadd.f32 v62, v61;
	v37 =	vmax.f32 v37, v30  }
0xb4: {  	v63 =	vld [tilespmem:$0x110];
	v51 =	vmax.f32 v37, v32  }
0xb5: {  	v45 =	vld [tilespmem:$0x120];
	v36 =	vmax.f32 v51, v34  }
0xb6: {  	v46 =	vld [tilespmem:$0x130];
	(xrf0) =	vmax.scan.msk.f32 $0xffff, v36  }
0xb7: {  	v47 =	vld [tilespmem:$0x140]  }
0xb8: {  	v48 =	vld [tilespmem:$0x150]  }
0xb9: {  	v19 =	vadd.f32 v21, v19;
	v49 =	vadd.f32 v50, v63;
	v50 =	vld [tilespmem:$0x160]  }
0xba: {  	v25 =	vadd.f32 v52, v45;
	v52 =	vld [tilespmem:$0x170]  }
0xbb: {  	v27 =	vadd.f32 v54, v46;
	v53 =	vmax.f32 v19, v49  }
0xbc: {  	v29 =	vadd.f32 v56, v47;
	v54 =	vmax.f32 v53, v25;
	v56, _, _ =	vpop (xrf0)  }
0xbd: {  	v31 =	vadd.f32 v58, v48;
	v36 =	vmax.f32 v54, v27;
	v57 =	vbroadcast v56, $0xF  }
0xbe: {  	v23 =	vadd.f32 v60, v50;
	v55 =	vmax.f32 v36, v29  }
0xbf: {  	v35 =	vadd.f32 v62, v52;
	v33 =	vmax.f32 v55, v31;
	vm6 =	vge.f32 v34, v57  }
0xc0: {  	v33 =	vmax.f32 v33, v23;
	vm7 =	vge.f32 v32, v57;
	v58 =	vnsel vm6, $0x80100000, v1  }
0xc1: {  	v33 =	vmax.f32 v33, v35;
	vm6 =	vge.f32 v30, v57;
	v59 =	vsel vm7, v2, v58  }
0xc2: {  	(xrf0) =	vmax.scan.msk.f32 $0xffff, v33;
	vm7 =	vge.f32 v28, v57;
	v60 =	vsel vm6, v3, v59  }
0xc3: {  	vm6 =	vge.f32 v26, v57;
	v62 =	vsel vm7, v4, v60  }
0xc4: {  	vm7 =	vge.f32 v24, v57;
	v39 =	vsel vm6, v5, v62  }
0xc5: {  	vm6 =	vge.f32 v22, v57;
	v40 =	vsel vm7, v6, v39  }
0xc6: {  	vm7 =	vge.f32 v20, v57;
	v20 =	vsel vm6, v7, v40  }
0xc7: {  	v20 =	vsel vm7, v8, v20  }
0xc8: {  	v61, _, _ =	vpop (xrf0);
	(xrf0) =	vmin.scan.msk.u32 $0xffff, v20;
	_ =	sdelay $0x2  }
0xc9: {  	v63 =	vbroadcast v61, $0xF;
	_ =	sdelay $0x1  }
0xca: {  	v19 =	vsub.f32 v19, v63  }
0xcb: {  	v44, _, _ =	vpop (xrf0)  }
0xcc: {  	v41 =	vmul.f32 $1.442695020e+00, v19;
	v20 =	vsub.f32 v49, v63;
	(v2sf) =	vpush v44, $0xF  }
0xcd: {  	v52 =	vld [tilespmem:$0x490]  }
0xce: {  	v32 =	vld [tilespmem:$0x680];
	(erf) = vpow2.f32 v41;
	v42 =	vmul.f32 $1.442695020e+00, v20  }
0xcf: {  	v34 =	vld [tilespmem:$0x690];
	v21 =	vsub.f32 v25, v63;
	v22 =	vsub.f32 v27, v63  }
0xd0: {  	v61 =	vld [tilespmem:$0x4C0];
	v26 =	vsub.f32 v29, v63;
	v25 =	vsub.f32 v31, v63;
	(erf) = vpow2.f32 v42  }
0xd1: {  	v23 =	vsub.f32 v23, v63;
	v28 =	vsub.f32 v35, v63;
	v43 =	vmul.f32 $1.442695020e+00, v21;
	v63 =	vld [tilespmem:$0x6C0]  }
0xd2: {  	v30 =	vld [tilespmem:$0x480];
	v45 =	vmul.f32 $1.442695020e+00, v22  }
0xd3: {  	v58 =	vld [tilespmem:$0x4B0];
	(erf) = vpow2.f32 v43  }
0xd4: {  	v39 =	vld [tilespmem:$0x6B0];
	(erf) = vpow2.f32 v45  }
0xd5: {  	v33 =	vld [tilespmem:$0x6F0];
	v46 =	vmul.f32 $1.442695020e+00, v26  }
0xd6: {  	v24 =	vadd.f32 v34, v52;
	v38 =	vadd.f32 v63, v61;
	v61 =	vld [tilespmem:$0x1F0]  }
0xd7: {  	v30 =	vadd.f32 v32, v30;
	v48 =	vmul.f32 $1.442695020e+00, v25;
	v45 =	vld [tilespmem:$0x4F0];
	(erf) = vpow2.f32 v46;
	v47 =	vpop (erf)  }
0xd8: {  	v50 =	vmul.f32 $1.442695020e+00, v23;
	v42 =	vmul.f32 $1.442695020e+00, v28;
	v27 =	vadd.f32 $0.0e+00, v47  }
0xd9: {  	v37 =	vld [tilespmem:$0x6A0];
	v36 =	vadd.f32 v39, v58;
	(erf) = vpow2.f32 v48;
	v49 =	vmul.f32 v47, v19;
	v51 =	vpop (erf)  }
0xda: {  	(erf) = vpow2.f32 v50;
	v27 =	vadd.f32 v27, v51;
	v31 =	vmul.f32 v51, v20;
	v51 =	vld [tilespmem:$0x4E0]  }
0xdb: {  	v19 =	vadd.f32 $0.0e+00, v19;
	v29 =	vadd.f32 $0.0e+00, v49;
	(erf) = vpow2.f32 v42;
	v42 =	vld [tilespmem:$0x6E0];
	s26 =	spop (v2sf)  }
0xdc: {  	v55 =	vld [tilespmem:$0x4A0];
	v46 =	vmax.f32 v30, v24;
	v45 =	vadd.f32 v33, v45;
	v33 =	vadd.f32 v33, v61;
	v53 =	vpop (erf);
	s18 =	sxor.u32 $0x80000000, s26  }
0xdd: {  	v54 =	vmul.f32 v53, v21;
	v56 =	vpop (erf);
	v29 =	vadd.f32 v29, v31;
	v43 =	vmov s18  }
0xde: {  	v44 =	vld [tilespmem:$0x6D0];
	v27 =	vadd.f32 v27, v53;
	v57 =	vmul.f32 v56, v22;
	vm6 =	veq.s32 v43, v0  }
0xdf: {  	v49 =	vld [tilespmem:$0x4D0];
	v29 =	vadd.f32 v29, v54;
	v19 =	vnsel vm6, $0x0, v19;
	vm6 =	veq.s32 v43, v9  }
0xe0: {  	v59 =	vpop (erf);
	v53 =	vld [tilespmem:$0x180];
	v27 =	vadd.f32 v27, v56;
	v31 =	vadd.f32 v42, v51;
	v20 =	vnsel vm6, $0x0, v20  }
0xe1: {  	v47 =	vld [tilespmem:$0x1A0];
	v60 =	vmul.f32 v59, v26;
	v19 =	vadd.f32 v20, v19;
	v20 =	vadd.f32 v37, v55  }
0xe2: {  	v62 =	vpop (erf);
	v29 =	vadd.f32 v29, v57;
	v27 =	vadd.f32 v27, v59;
	vm6 =	veq.s32 v43, v10  }
0xe3: {  	v48 =	vmul.f32 v62, v25;
	v21 =	vnsel vm6, $0x0, v21;
	v46 =	vmax.f32 v46, v20  }
0xe4: {  	v57 =	vld [tilespmem:$0x1C0];
	v19 =	vadd.f32 v19, v21;
	v21 =	vadd.f32 v44, v49;
	v52 =	vmax.f32 v46, v36  }
0xe5: {  	v32 =	vadd.f32 v32, v53;
	v29 =	vadd.f32 v29, v60;
	v40 =	vmax.f32 v52, v38  }
0xe6: {  	v27 =	vadd.f32 v27, v62;
	v50 =	vpop (erf);
	v60 =	vadd.f32 v37, v47;
	v40 =	vmax.f32 v40, v21  }
0xe7: {  	v54 =	vld [tilespmem:$0x190];
	v41 =	vmul.f32 v50, v23;
	v29 =	vadd.f32 v29, v48;
	v40 =	vmax.f32 v40, v31  }
0xe8: {  	v27 =	vadd.f32 v27, v50;
	vm6 =	veq.s32 v43, v11;
	v40 =	vmax.f32 v40, v45  }
0xe9: {  	v56 =	vld [tilespmem:$0x1B0];
	v35 =	vadd.f32 v63, v57;
	v22 =	vnsel vm6, $0x0, v22;
	vm6 =	veq.s32 v43, v12;
	(xrf0) =	vmax.scan.msk.f32 $0xffff, v40  }
0xea: {  	v58 =	vld [tilespmem:$0x1D0];
	v55 =	vpop (erf);
	v26 =	vnsel vm6, $0x0, v26;
	vm6 =	veq.s32 v43, v13;
	v19 =	vadd.f32 v19, v22  }
0xeb: {  	v29 =	vadd.f32 v29, v41;
	v48 =	vmul.f32 v55, v28;
	v25 =	vnsel vm6, $0x0, v25  }
0xec: {  	v59 =	vld [tilespmem:$0x1E0];
	vm6 =	veq.s32 v43, v14;
	v22 =	vadd.f32 v34, v54;
	v19 =	vadd.f32 v19, v26  }
0xed: {  	v27 =	vadd.f32 v27, v55;
	v29 =	vadd.f32 v29, v48;
	v23 =	vnsel vm6, $0x0, v23  }
0xee: {  	v26 =	vadd.f32 v39, v56;
	v62 =	vmax.f32 v32, v22;
	v19 =	vadd.f32 v19, v25  }
0xef: {  	vm6 =	veq.s32 v43, v15;
	v39 =	vmax.f32 v62, v60;
	v25 =	vadd.f32 v44, v58;
	v63, _, _ =	vpop (xrf0)  }
0xf0: {  	v39 =	vmax.f32 v39, v26;
	v19 =	vadd.f32 v19, v23;
	v40 =	vbroadcast v63, $0xF  }
0xf1: {  	v28 =	vnsel vm6, $0x0, v28;
	v44 =	vadd.f32 v42, v59;
	v46 =	vmax.f32 v39, v35  }
0xf2: {  	v34 =	vmax.f32 v46, v25;
	v19 =	vadd.f32 v19, v28;
	vm6 =	vge.f32 v45, v40  }
0xf3: {  	(xrf2) =	vadd.scan.msk.f32 $0xffff, v27;
	v47 =	vmax.f32 v34, v44;
	vm7 =	vge.f32 v31, v40;
	v48 =	vnsel vm6, $0x80100000, v1  }
0xf4: {  	(xrf2) =	vadd.scan.msk.f32 $0xffff, v19;
	v19 =	vmax.f32 v47, v33;
	vm6 =	vge.f32 v21, v40;
	v49 =	vsel vm7, v2, v48  }
0xf5: {  	(xrf0) =	vmax.scan.msk.f32 $0xffff, v19;
	vm7 =	vge.f32 v38, v40;
	v19 =	vsel vm6, v3, v49  }
0xf6: {  	(xrf2) =	vadd.scan.msk.f32 $0xffff, v29;
	vm6 =	vge.f32 v36, v40;
	v19 =	vsel vm7, v4, v19  }
0xf7: {  	vm7 =	vge.f32 v20, v40;
	v19 =	vsel vm6, v5, v19  }
0xf8: {  	vm6 =	vge.f32 v24, v40;
	v19 =	vsel vm7, v6, v19  }
0xf9: {  	vm7 =	vge.f32 v30, v40;
	v19 =	vsel vm6, v7, v19  }
0xfa: {  	v19 =	vsel vm7, v8, v19  }
0xfb: {  	v20, _, _ =	vpop (xrf0);
	(xrf0) =	vmin.scan.msk.u32 $0xffff, v19;
	_ =	sdelay $0x2  }
0xfc: {  	v19 =	vbroadcast v20, $0xF;
	v20, _, _ =	vpop (xrf2)  }
0xfd: {  	(v2sf) =	vpush v20, $0xF;
	v20, _, _ =	vpop (xrf2)  }
0xfe: {  	(v2sf) =	vpush v20, $0xF;
	v20, _, _ =	vpop (xrf2)  }
0xff: {  	(v2sf) =	vpush v20, $0xF;
	v20, _, _ =	vpop (xrf0)  }
0x100: {  	(v2sf) =	vpush v20, $0xF  }
0x101: {  	v50 =	vsub.f32 v32, v19  }
0x102: {  	v22 =	vsub.f32 v22, v19  }
0x103: {  	v51 =	vmul.f32 $1.442695020e+00, v50  }
0x104: {  	v52 =	vmul.f32 $1.442695020e+00, v22  }
0x105: {  	(erf) = vpow2.f32 v51;
	v20 =	vsub.f32 v60, v19  }
0x106: {  	(erf) = vpow2.f32 v52  }
0x107: {  	v53 =	vsub.f32 v26, v19;
	v23 =	vmul.f32 $1.442695020e+00, v20;
	_ =	sdelay $0x1  }
0x108: {  	v26 =	vmul.f32 $1.442695020e+00, v53;
	(erf) = vpow2.f32 v23  }
0x109: {  	v55 =	vsub.f32 v35, v19  }
0x10a: {  	v28 =	vsub.f32 v44, v19;
	(erf) = vpow2.f32 v26  }
0x10b: {  	v25 =	vsub.f32 v25, v19;
	v58 =	vmul.f32 $1.442695020e+00, v55;
	s17 =	spop (v2sf)  }
0x10c: {  	v63 =	vmul.f32 $1.442695020e+00, v28;
	v19 =	vsub.f32 v33, v19;
	s28 =	spop (v2sf)  }
0x10d: {  	v60 =	vmul.f32 $1.442695020e+00, v25;
	(erf) = vpow2.f32 v58;
	v54 =	vpop (erf);
	s20 =	spop (v2sf)  }
0x10e: {  	v35 =	vmul.f32 $1.442695020e+00, v19;
	v56 =	vmul.f32 v54, v50;
	v57 =	vpop (erf);
	v24 =	vadd.f32 $0.0e+00, v54;
	s29 =	spop (v2sf)  }
0x10f: {  	v21 =	vadd.f32 $0.0e+00, v50;
	(erf) = vpow2.f32 v60;
	v59 =	vmul.f32 v57, v22;
	s0 =	sxor.u32 $0x80000000, s29  }
0x110: {  	v29 =	vadd.f32 $0.0e+00, v56;
	v24 =	vadd.f32 v24, v57;
	v34 =	vmov s0  }
0x111: {  	v61 =	vpop (erf);
	(erf) = vpow2.f32 v63;
	vm6 =	veq.s32 v34, v0;
	vm7 =	veq.s32 v34, v9  }
0x112: {  	v29 =	vadd.f32 v29, v59;
	v21 =	vnsel vm6, $0x0, v21;
	v22 =	vnsel vm7, $0x0, v22  }
0x113: {  	v36 =	vpop (erf);
	(erf) = vpow2.f32 v35;
	vm6 =	veq.s32 v34, v10;
	v21 =	vadd.f32 v22, v21  }
0x114: {  	v24 =	vadd.f32 v24, v61;
	v62 =	vmul.f32 v61, v20;
	v20 =	vnsel vm6, $0x0, v20  }
0x115: {  	v37 =	vmul.f32 v36, v53;
	vm6 =	veq.s32 v34, v11;
	v20 =	vadd.f32 v21, v20  }
0x116: {  	v38 =	vpop (erf);
	v26 =	vadd.f32 v29, v62;
	v24 =	vadd.f32 v24, v36;
	v23 =	vnsel vm6, $0x0, v53  }
0x117: {  	v40 =	vmul.f32 v38, v55;
	vm6 =	veq.s32 v34, v12;
	v20 =	vadd.f32 v20, v23  }
0x118: {  	v39 =	vadd.f32 v26, v37;
	v24 =	vadd.f32 v24, v38;
	v41 =	vpop (erf);
	v43 =	vnsel vm6, $0x0, v55  }
0x119: {  	v42 =	vmul.f32 v41, v25;
	vm6 =	veq.s32 v34, v13;
	v20 =	vadd.f32 v20, v43  }
0x11a: {  	v44 =	vadd.f32 v24, v41;
	v21 =	vadd.f32 v39, v40;
	v45 =	vpop (erf);
	v46 =	vnsel vm6, $0x0, v25  }
0x11b: {  	v47 =	vmul.f32 v45, v28;
	vm6 =	veq.s32 v34, v14;
	v20 =	vadd.f32 v20, v46  }
0x11c: {  	v22 =	vadd.f32 v44, v45;
	v49 =	vpop (erf);
	v21 =	vadd.f32 v21, v42;
	v48 =	vnsel vm6, $0x0, v28  }
0x11d: {  	vm6 =	veq.s32 v34, v15;
	v50 =	vmul.f32 v49, v19;
	v20 =	vadd.f32 v20, v48  }
0x11e: {  	v22 =	vadd.f32 v22, v49;
	v19 =	vnsel vm6, $0x0, v19;
	v21 =	vadd.f32 v21, v47  }
0x11f: {  	v19 =	vadd.f32 v20, v19  }
0x120: {  	(xrf2) =	vadd.scan.msk.f32 $0xffff, v22;
	v20 =	vadd.f32 v21, v50  }
0x121: {  	(xrf2) =	vadd.scan.msk.f32 $0xffff, v19  }
0x122: {  	(xrf2) =	vadd.scan.msk.f32 $0xffff, v20;
	_ =	sdelay $0x7  }
0x123: {  	v19, _, _ =	vpop (xrf2)  }
0x124: {  	(v2sf) =	vpush v19, $0xF;
	v19, _, _ =	vpop (xrf2)  }
0x125: {  	(v2sf) =	vpush v19, $0xF;
	v19, _, _ =	vpop (xrf2)  }
0x126: {  	(v2sf) =	vpush v19, $0xF;
	_ =	sdelay $0x5  }
0x127: {  	v19 =	vnsel vm1, $0x0, v34  }
0x128: {  	v19 =	vsel vm5, s18, v19;
	_ =	sdelay $0x2  }
0x129: {  	s30 =	rddreg [dreg:$0x2]  }
0x12a: {  	s24 =	simm.s32 $0x0;
	s31 =	rddreg [dreg:$0x9]  }
0x12b: {  	[tilespmem:s31], [sflag:$0x1] =	stream.indirect_vreg.gather [hbm4b:s30+s24], $0x80, v19, vm0, $0xb8;
	[tilespmem:$0x1E80] =	vst v63  }
0x12c: {  	s19 =	spop (v2sf)  }
0x12d: {  	s18 =	spop (v2sf)  }
0x12e: {  	[dreg:$0xd] =	wrdreg s28;
	s11 =	spop (v2sf)  }
0x12f: {  	_ =	swait.ge [sflag:s25], $0x800  }
0x130: {  	[sflag:s25] =	ssyncset.done $0x0  }
0x131: {  	[sflag:s25] =	ssyncadd.s32 $0xFFFFF800  }
0x132: {  	v19 =	vld [tilespmem:$0x500]  }
0x133: {  	v20 =	vld [tilespmem:$0xA00]  }
0x134: {  	v51 =	vld [tilespmem:$0x1600]  }
0x135: {  	v52 =	vld [tilespmem:$0x510]  }
0x136: {  	v53 =	vld [tilespmem:$0xA10]  }
0x137: {  	v54 =	vld [tilespmem:$0x1610]  }
0x138: {  	v55 =	vld [tilespmem:$0x520]  }
0x139: {  	v56 =	vld [tilespmem:$0xA20]  }
0x13a: {  	v57 =	vld [tilespmem:$0x1620]  }
0x13b: {  	v58 =	vld [tilespmem:$0x530]  }
0x13c: {  	v59 =	vld [tilespmem:$0xA30]  }
0x13d: {  	v60 =	vld [tilespmem:$0x1630]  }
0x13e: {  	v61 =	vld [tilespmem:$0x540]  }
0x13f: {  	v62 =	vld [tilespmem:$0xA40]  }
0x140: {  	v63 =	vld [tilespmem:$0x1640]  }
0x141: {  	v40 =	vld [tilespmem:$0x550]  }
0x142: {  	v41 =	vld [tilespmem:$0xA50]  }
0x143: {  	v42 =	vld [tilespmem:$0x1650]  }
0x144: {  	v43 =	vld [tilespmem:$0xA60]  }
0x145: {  	v44 =	vld [tilespmem:$0x1660]  }
0x146: {  	v45 =	vld [tilespmem:$0xA70]  }
0x147: {  	v46 =	vld [tilespmem:$0x1670];
	v20 =	vadd.f32 v51, v20;
	v23 =	vadd.f32 v54, v53  }
0x148: {  	v47 =	vld [tilespmem:$0x560];
	v26 =	vadd.f32 v57, v56;
	v29 =	vadd.f32 v60, v59  }
0x149: {  	v48 =	vld [tilespmem:$0x570];
	v19 =	vadd.f32 v20, v19;
	v22 =	vadd.f32 v23, v52  }
0x14a: {  	s5 =	sand.u32 $0x7FFFFF, s12;
	v50 =	vld [tilespmem:$0x200];
	v32 =	vadd.f32 v63, v62;
	v25 =	vadd.f32 v26, v55  }
0x14b: {  	s23 =	sor.u32 $0x3F800000, s5;
	v38 =	vld [tilespmem:$0x280];
	v35 =	vadd.f32 v42, v41;
	v28 =	vadd.f32 v29, v58;
	v49 =	vmax.f32 v19, v22  }
0x14c: {  	p0 =	sgt.f32 s23, s16;
	s0 =	smul.f32 $5.000000000e-01, s23;
	v37 =	vld [tilespmem:$0x590];
	v21 =	vadd.f32 v44, v43;
	v31 =	vadd.f32 v32, v61;
	v36 =	vmax.f32 v49, v25  }
0x14d: {  	v27 =	vadd.f32 v46, v45;
	v34 =	vadd.f32 v35, v40;
	v52 =	vld [tilespmem:$0x210];
	v51 =	vmax.f32 v36, v28  }
0x14e: {  	s23 =	smov.u32 @p0 s0;
	v53 =	vld [tilespmem:$0x220];
	v30 =	vadd.f32 v21, v47;
	v24 =	vmax.f32 v51, v31  }
0x14f: {  	s0 =	sadd.f32 $1.000000000e+00, s23;
	v54 =	vld [tilespmem:$0x230];
	v33 =	vadd.f32 v27, v48;
	v24 =	vmax.f32 v24, v34  }
0x150: {  	v55 =	vld [tilespmem:$0x240];
	v24 =	vmax.f32 v24, v30  }
0x151: {  	s6 =	ssub.s32 $0x7EF311C3, s0;
	v56 =	vld [tilespmem:$0x250];
	v24 =	vmax.f32 v24, v33  }
0x152: {  	s22 =	smul.f32 s6, s0;
	v57 =	vld [tilespmem:$0x260];
	v20 =	vadd.f32 v20, v50;
	v36 =	vadd.f32 v23, v52;
	(xrf0) =	vmax.scan.msk.f32 $0xffff, v24  }
0x153: {  	v58 =	vld [tilespmem:$0x270];
	v26 =	vadd.f32 v26, v53  }
0x154: {  	s22 =	ssub.f32 $2.000000000e+00, s22;
	v43 =	vld [tilespmem:$0x580];
	v39 =	vadd.f32 v29, v54;
	v23 =	vmax.f32 v20, v36  }
0x155: {  	v41 =	vld [tilespmem:$0x1680];
	v32 =	vadd.f32 v32, v55;
	v23 =	vmax.f32 v23, v26  }
0x156: {  	s1 =	smul.f32 s6, s22;
	v42 =	vld [tilespmem:$0x290];
	v24 =	vadd.f32 v35, v56;
	v29 =	vmax.f32 v23, v39  }
0x157: {  	v63 =	vld [tilespmem:$0x1690];
	v23 =	vadd.f32 v21, v57;
	v29 =	vmax.f32 v29, v32  }
0x158: {  	s22 =	smul.f32 s1, s0;
	v44 =	vld [tilespmem:$0xAA0];
	v21 =	vadd.f32 v27, v58;
	v60 =	vmax.f32 v29, v24;
	v59, _, _ =	vpop (xrf0)  }
0x159: {  	v45 =	vld [tilespmem:$0x16A0];
	v27 =	vmax.f32 v60, v23;
	v35 =	vbroadcast v59, $0xF  }
0x15a: {  	s22 =	ssub.f32 $2.000000000e+00, s22;
	v61 =	vld [tilespmem:$0xA90];
	v27 =	vmax.f32 v27, v21  }
0x15b: {  	v46 =	vld [tilespmem:$0x2B0];
	(xrf0) =	vmax.scan.msk.f32 $0xffff, v27;
	vm5 =	vge.f32 v33, v35  }
0x15c: {  	s1 =	smul.f32 s22, s1;
	v40 =	vld [tilespmem:$0xA80];
	vm6 =	vge.f32 v30, v35;
	v62 =	vnsel vm5, $0x80100000, v1  }
0x15d: {  	s7 =	sand.u32 $0x7FFFFF, s13;
	v57 =	vld [tilespmem:$0xAB0];
	vm5 =	vge.f32 v34, v35;
	v53 =	vsel vm6, v2, v62  }
0x15e: {  	s22 =	sor.u32 $0x3F800000, s7;
	s0 =	smul.f32 s1, s0;
	v58 =	vld [tilespmem:$0x16B0];
	vm6 =	vge.f32 v31, v35;
	v27 =	vsel vm5, v3, v53  }
0x15f: {  	p1 =	sgt.f32 s22, s16;
	s24 =	smul.f32 $5.000000000e-01, s22;
	v30 =	vadd.f32 v63, v61;
	v61 =	vld [tilespmem:$0xAD0];
	vm5 =	vge.f32 v28, v35;
	v27 =	vsel vm6, v4, v27  }
0x160: {  	s0 =	ssub.f32 $2.000000000e+00, s0;
	v63 =	vld [tilespmem:$0x16D0];
	vm6 =	vge.f32 v25, v35;
	v54 =	vsel vm5, v5, v27  }
0x161: {  	s23 =	sadd.f32 $-1.000000000e+00, s23;
	s22 =	smov.u32 @p1 s24;
	v34 =	vld [tilespmem:$0x2A0];
	v56, _, _ =	vpop (xrf0);
	vm5 =	vge.f32 v22, v35;
	v55 =	vsel vm6, v6, v54  }
0x162: {  	s0 =	smul.f32 s0, s1;
	s24 =	sadd.f32 $1.000000000e+00, s22;
	v31 =	vld [tilespmem:$0x5A0];
	vm6 =	vge.f32 v19, v35;
	v35 =	vbroadcast v56, $0xF;
	v19 =	vsel vm5, v7, v55  }
0x163: {  	v47 =	vld [tilespmem:$0x5B0];
	v19 =	vsel vm6, v8, v19  }
0x164: {  	s23 =	smul.f32 s0, s23;
	s8 =	ssub.s32 $0x7EF311C3, s24;
	v50 =	vld [tilespmem:$0x5C0];
	v29 =	vsub.f32 v20, v35;
	(xrf0) =	vmin.scan.msk.u32 $0xffff, v19  }
0x165: {  	s25 =	smul.f32 s8, s24;
	v51 =	vld [tilespmem:$0xAC0];
	v42 =	vadd.f32 v30, v42;
	v53 =	vadd.f32 v45, v44  }
0x166: {  	s9 =	smul.f32 s23, s23;
	v59 =	vld [tilespmem:$0x16C0];
	v33 =	vadd.f32 v63, v61;
	v54 =	vadd.f32 v58, v57;
	v19 =	vmul.f32 $1.442695020e+00, v29  }
0x167: {  	s25 =	ssub.f32 $2.000000000e+00, s25;
	v44 =	vadd.f32 v53, v34;
	v57 =	vld [tilespmem:$0xAF0];
	v22 =	vadd.f32 v53, v31  }
0x168: {  	s26 =	smul.f32 $1.111111120e-01, s9;
	v55 =	vld [tilespmem:$0x16E0];
	v25 =	vsub.f32 v36, v35;
	v27 =	vsub.f32 v26, v35  }
0x169: {  	s0 =	smul.f32 s8, s25;
	v28 =	vsub.f32 v39, v35;
	v39 =	vld [tilespmem:$0x2D0];
	v26 =	vsub.f32 v32, v35  }
0x16a: {  	s28 =	sadd.f32 $1.428571340e-01, s26;
	v20 =	vadd.f32 v41, v40;
	v32 =	vld [tilespmem:$0x5D0];
	v40 =	vadd.f32 v54, v46;
	(erf) = vpow2.f32 v19;
	v19, _, _ =	vpop (xrf0)  }
0x16b: {  	s29 =	smul.f32 s0, s24;
	v36 =	vadd.f32 v59, v51;
	v59 =	vld [tilespmem:$0x16F0];
	(v2sf) =	vpush v19, $0xF  }
0x16c: {  	s25 =	smul.f32 s28, s9;
	v60 =	vmul.f32 $1.442695020e+00, v25;
	v62 =	vmul.f32 $1.442695020e+00, v27;
	v19 =	vadd.f32 v20, v43;
	v43 =	vld [tilespmem:$0xAE0]  }
0x16d: {  	s28 =	ssub.s32 $0x7EF311C3, s12;
	s26 =	ssub.f32 $2.000000000e+00, s29;
	v61 =	vld [tilespmem:$0x5F0];
	v52 =	vadd.f32 v20, v38;
	v56 =	vmul.f32 $1.442695020e+00, v28;
	v58 =	vmul.f32 $1.442695020e+00, v26  }
0x16e: {  	s25 =	sadd.f32 $2.000000030e-01, s25;
	s29 =	smul.f32 s28, s12;
	v49 =	vld [tilespmem:$0x2C0];
	v31 =	vadd.f32 v36, v50;
	(erf) = vpow2.f32 v60;
	v38 =	vadd.f32 v33, v39  }
0x16f: {  	s0 =	smul.f32 s26, s0;
	v60 =	vld [tilespmem:$0x5E0];
	v32 =	vadd.f32 v33, v32;
	(erf) = vpow2.f32 v62;
	v20 =	vadd.f32 v30, v37  }
0x170: {  	s25 =	smul.f32 s25, s9;
	s30 =	ssub.f32 $2.000000000e+00, s29;
	v63 =	vld [tilespmem:$0x2E0];
	v45 =	vadd.f32 v59, v57;
	(erf) = vpow2.f32 v56;
	v56 =	vmax.f32 v52, v42  }
0x171: {  	s24 =	smul.f32 s0, s24;
	v30 =	vadd.f32 v54, v47;
	v53 =	vmax.f32 v19, v20;
	v41 =	vadd.f32 v55, v43;
	v55 =	vld [tilespmem:$0x2F0]  }
0x172: {  	s26 =	smul.f32 s28, s30;
	v34 =	vadd.f32 v45, v61;
	(erf) = vpow2.f32 v58;
	v33 =	vmax.f32 v53, v22  }
0x173: {  	s24 =	ssub.f32 $2.000000000e+00, s24;
	v37 =	vadd.f32 v36, v49;
	v58 =	vmax.f32 v56, v44;
	v57 =	vmax.f32 v33, v30  }
0x174: {  	s25 =	sadd.f32 $3.333333430e-01, s25;
	s28 =	smul.f32 s26, s12;
	v59 =	vmax.f32 v58, v40;
	v49 =	vmax.f32 v57, v31;
	v33 =	vadd.f32 v41, v60  }
0x175: {  	s22 =	sadd.f32 $-1.000000000e+00, s22;
	s0 =	smul.f32 s24, s0;
	v36 =	vmax.f32 v59, v37;
	v60 =	vmax.f32 v49, v32;
	v41 =	vadd.f32 v41, v63  }
0x176: {  	s1 =	smul.f32 s25, s9;
	s31 =	ssub.f32 $2.000000000e+00, s28;
	v36 =	vmax.f32 v36, v38;
	v62 =	vpop (erf);
	v46 =	vmax.f32 v60, v33;
	v39 =	vadd.f32 v45, v55  }
0x177: {  	s6 =	sand.u32 $0x7FFFFF, s17;
	s24 =	smul.f32 s0, s22;
	v54 =	vmul.f32 v62, v29;
	v36 =	vmax.f32 v36, v41;
	v61 =	vmax.f32 v46, v34  }
0x178: {  	s2 =	sadd.f32 s23, s23;
	s23 =	sor.u32 $0x3F800000, s6;
	s26 =	smul.f32 s31, s26;
	v47 =	vsub.f32 v24, v35;
	v62 =	vadd.f32 $0.0e+00, v62;
	v63 =	vpop (erf);
	(xrf0) =	vmax.scan.msk.f32 $0xffff, v61;
	v36 =	vmax.f32 v36, v39  }
0x179: {  	p2 =	sgt.f32 s23, s16;
	s25 =	smul.f32 s24, s24;
	v48 =	vadd.f32 $0.0e+00, v54;
	v49 =	vmul.f32 v63, v25;
	(xrf0) =	vmax.scan.msk.f32 $0xffff, v36  }
0x17a: {  	s5 =	smul.f32 s26, s12;
	v57 =	vmul.f32 $1.442695020e+00, v47;
	v50 =	vpop (erf);
	v45 =	vadd.f32 v62, v63;
	s3 =	spop (v2sf)  }
0x17b: {  	s1 =	sadd.f32 $1.000000000e+00, s1;
	s7 =	smul.f32 $1.111111120e-01, s25;
	v53 =	vmul.f32 v50, v27;
	v51 =	vadd.f32 v48, v49;
	v48 =	vsub.f32 v23, v35;
	s22 =	sxor.u32 $0x80000000, s3  }
0x17c: {  	s30 =	ssub.f32 $2.000000000e+00, s5;
	v54 =	vpop (erf);
	v46 =	vsub.f32 v21, v35;
	v45 =	vadd.f32 v45, v50;
	v35 =	vmov s22;
	s22 =	smul.f32 $5.000000000e-01, s23  }
0x17d: {  	s29 =	sadd.f32 $1.428571340e-01, s7;
	v58 =	vpop (erf);
	(erf) = vpow2.f32 v57;
	v61 =	vmul.f32 $1.442695020e+00, v48  }
0x17e: {  	s9 =	smul.f32 s30, s26;
	v45 =	vadd.f32 v45, v54;
	s3 =	sand.u32 $0x7FFFFF, s19;
	v36, _, _ =	vpop (xrf0);
	s23 =	smov.u32 @p2 s22  }
0x17f: {  	s8 =	smul.f32 s29, s25;
	v56 =	vmul.f32 v54, v28;
	v55 =	vadd.f32 v51, v53;
	(erf) = vpow2.f32 v61;
	s26 =	sor.u32 $0x3F800000, s3;
	v60, _, _ =	vpop (xrf0);
	s28 =	sadd.f32 $1.000000000e+00, s23  }
0x180: {  	v63 =	vadd.f32 v45, v58;
	v45 =	vmul.f32 $1.442695020e+00, v46;
	p3 =	sgt.f32 s26, s16;
	s31 =	smul.f32 $5.000000000e-01, s26;
	v62 =	vbroadcast v60, $0xF  }
0x181: {  	v29 =	vadd.f32 $0.0e+00, v29;
	v59 =	vmul.f32 v58, v26;
	v24 =	vadd.f32 v55, v56;
	s22 =	smul.f32 s1, s2;
	s2 =	ssub.s32 $0x7EF311C3, s28  }
0x182: {  	s0 =	sadd.f32 $2.000000030e-01, s8;
	(erf) = vpow2.f32 v45;
	vm5 =	veq.s32 v35, v0;
	s26 =	smov.u32 @p3 s31;
	v23 =	vsub.f32 v52, v62;
	s5 =	smul.f32 s2, s28  }
0x183: {  	s7 =	ssub.s32 $0x7EF311C3, s13;
	s15 =	smul.f32 s9, s15;
	v43 =	vadd.f32 v24, v59;
	vm6 =	veq.s32 v35, v9;
	v29 =	vnsel vm5, $0x0, v29;
	s1 =	sadd.f32 $1.000000000e+00, s26  }
0x184: {  	s8 =	smul.f32 s7, s13;
	v51 =	vnsel vm6, $0x0, v25;
	v24 =	vsub.f32 v42, v62;
	v50 =	vmul.f32 $1.442695020e+00, v23;
	s6 =	ssub.f32 $2.000000000e+00, s5  }
0x185: {  	s0 =	smul.f32 s0, s25;
	vm5 =	veq.s32 v35, v10;
	v29 =	vadd.f32 v51, v29  }
0x186: {  	v54 =	vpop (erf);
	v25 =	vsub.f32 v44, v62;
	v52 =	vmul.f32 $1.442695020e+00, v24;
	(erf) = vpow2.f32 v50;
	s29 =	smul.f32 s2, s6;
	s6 =	ssub.s32 $0x7EF311C3, s1  }
0x187: {  	s0 =	sadd.f32 $3.333333430e-01, s0;
	v53 =	vnsel vm5, $0x0, v27;
	vm5 =	veq.s32 v35, v11;
	v56 =	vadd.f32 v63, v54;
	s9 =	smul.f32 s6, s1  }
0x188: {  	s31 =	ssub.f32 $2.000000000e+00, s8;
	v27 =	vsub.f32 v40, v62;
	v55 =	vmul.f32 $1.442695020e+00, v25;
	(erf) = vpow2.f32 v52;
	s5 =	smul.f32 s29, s28  }
0x189: {  	s0 =	smul.f32 s0, s25;
	v28 =	vnsel vm5, $0x0, v28;
	v57 =	vadd.f32 v29, v53;
	v29 =	vsub.f32 v37, v62;
	v42 =	vpop (erf);
	s3 =	ssub.f32 $2.000000000e+00, s9  }
0x18a: {  	s30 =	smul.f32 s7, s31;
	v40 =	vmul.f32 $1.442695020e+00, v27;
	v63 =	vadd.f32 v56, v42;
	(erf) = vpow2.f32 v55;
	s5 =	ssub.f32 $2.000000000e+00, s5  }
0x18b: {  	vm5 =	veq.s32 v35, v12;
	v21 =	vsub.f32 v38, v62;
	v28 =	vadd.f32 v57, v28;
	v45 =	vpop (erf);
	s3 =	smul.f32 s6, s3  }
0x18c: {  	s24 =	sadd.f32 s24, s24;
	v37 =	vmul.f32 $1.442695020e+00, v29;
	v49 =	vadd.f32 v63, v45;
	(erf) = vpow2.f32 v40;
	s5 =	smul.f32 s5, s29  }
0x18d: {  	s0 =	sadd.f32 $1.000000000e+00, s0;
	v26 =	vnsel vm5, $0x0, v26;
	v59 =	vmul.f32 $1.442695020e+00, v21;
	s2 =	smul.f32 s3, s1  }
0x18e: {  	v58 =	vadd.f32 v28, v26;
	v26 =	vsub.f32 v41, v62;
	(erf) = vpow2.f32 v37;
	(xrf2) =	vadd.scan.msk.f32 $0xffff, v49;
	s31 =	smul.f32 s5, s28  }
0x18f: {  	s25 =	smul.f32 s0, s24;
	v28 =	vsub.f32 v39, v62;
	v40 =	vpop (erf);
	s9 =	ssub.f32 $2.000000000e+00, s2  }
0x190: {  	s8 =	smul.f32 s30, s13;
	v62 =	vmul.f32 $1.442695020e+00, v26;
	(erf) = vpow2.f32 v59;
	v61 =	vadd.f32 $0.0e+00, v40;
	s7 =	ssub.f32 $2.000000000e+00, s31  }
0x191: {  	v44 =	vmul.f32 v54, v47;
	vm5 =	veq.s32 v35, v13;
	v53 =	vpop (erf);
	s3 =	smul.f32 s9, s3  }
0x192: {  	s23 =	sadd.f32 $-1.000000000e+00, s23;
	v54 =	vmul.f32 $1.442695020e+00, v28;
	(erf) = vpow2.f32 v62;
	s31 =	ssub.s32 $0x7EF311C3, s17;
	v41 =	vadd.f32 v61, v53;
	s0 =	smul.f32 s7, s5  }
0x193: {  	v60 =	vnsel vm5, $0x0, v47;
	vm5 =	veq.s32 v35, v14;
	v56 =	vpop (erf);
	s2 =	smul.f32 s31, s17  }
0x194: {  	v37 =	vadd.f32 v58, v60;
	(erf) = vpow2.f32 v54;
	v41 =	vadd.f32 v41, v56;
	s0 =	smul.f32 s0, s23  }
0x195: {  	v43 =	vadd.f32 v43, v44;
	v42 =	vmul.f32 v42, v48;
	v52 =	vnsel vm5, $0x0, v48;
	v57 =	vpop (erf);
	s1 =	smul.f32 s3, s1;
	s23 =	ssub.f32 $2.000000000e+00, s8  }
0x196: {  	vm5 =	veq.s32 v35, v15;
	v55 =	vadd.f32 v37, v52;
	v41 =	vadd.f32 v41, v57;
	s6 =	smul.f32 s0, s0  }
0x197: {  	v42 =	vadd.f32 v43, v42;
	v35 =	vnsel vm5, $0x0, v46;
	v60 =	vmul.f32 v45, v46;
	v59 =	vpop (erf);
	s1 =	ssub.f32 $2.000000000e+00, s1;
	s5 =	smul.f32 s23, s30  }
0x198: {  	v58 =	vadd.f32 v55, v35;
	v61 =	vbroadcast v36, $0xF;
	v50, _, _ =	vpop (xrf2);
	v41 =	vadd.f32 v41, v59;
	s24 =	smul.f32 $1.111111120e-01, s6  }
0x199: {  	v42 =	vadd.f32 v42, v60;
	s28 =	sadd.f32 $-1.000000000e+00, s26;
	v62 =	vpop (erf);
	(v2sf) =	vpush v50, $0xF;
	s1 =	smul.f32 s1, s3  }
0x19a: {  	(xrf2) =	vadd.scan.msk.f32 $0xffff, v58;
	vm5 =	vge.f32 v34, v61;
	s29 =	smul.f32 s5, s13;
	v41 =	vadd.f32 v41, v62;
	s23 =	sadd.f32 $1.428571340e-01, s24  }
0x19b: {  	(xrf2) =	vadd.scan.msk.f32 $0xffff, v42;
	vm6 =	vge.f32 v33, v61;
	v42 =	vnsel vm5, $0x80100000, v1;
	v63 =	vpop (erf);
	s24 =	smul.f32 s1, s28  }
0x19c: {  	vm5 =	vge.f32 v32, v61;
	v43 =	vsel vm6, v2, v42;
	s3 =	ssub.f32 $2.000000000e+00, s29;
	v45 =	vadd.f32 v41, v63;
	s30 =	smul.f32 s23, s6  }
0x19d: {  	s8 =	ssub.f32 $2.000000000e+00, s2;
	vm6 =	vge.f32 v31, v61;
	v32 =	vsel vm5, v3, v43;
	v46 =	vpop (erf);
	s26 =	smul.f32 s24, s24  }
0x19e: {  	vm5 =	vge.f32 v30, v61;
	v47 =	vsel vm6, v4, v32;
	s3 =	smul.f32 s3, s5;
	v48 =	vadd.f32 v45, v46  }
0x19f: {  	vm6 =	vge.f32 v22, v61;
	v49 =	vsel vm5, v5, v47;
	s5 =	smul.f32 s31, s8;
	s1 =	sadd.f32 $2.000000030e-01, s30  }
0x1a0: {  	vm5 =	vge.f32 v20, v61;
	v20 =	vsel vm6, v6, v49;
	s7 =	smul.f32 $1.111111120e-01, s26;
	(xrf2) =	vadd.scan.msk.f32 $0xffff, v48  }
0x1a1: {  	vm6 =	vge.f32 v19, v61;
	v19 =	vsel vm5, v7, v20;
	s1 =	smul.f32 s1, s6  }
0x1a2: {  	v19 =	vsel vm6, v8, v19;
	s9 =	sadd.f32 $1.428571340e-01, s7  }
0x1a3: {  	(xrf0) =	vmin.scan.msk.u32 $0xffff, v19;
	s30 =	smul.f32 s5, s17;
	s1 =	sadd.f32 $3.333333430e-01, s1  }
0x1a4: {  	s0 =	sadd.f32 s0, s0;
	s28 =	smul.f32 s9, s26  }
0x1a5: {  	s2 =	ssub.f32 $2.000000000e+00, s30;
	s1 =	smul.f32 s1, s6  }
0x1a6: {  	v51, _, _ =	vpop (xrf2);
	s31 =	sadd.f32 $2.000000030e-01, s28;
	s28 =	smul.f32 s3, s14  }
0x1a7: {  	(v2sf) =	vpush v51, $0xF;
	v19, _, _ =	vpop (xrf2);
	s3 =	smul.f32 s2, s5;
	s1 =	sadd.f32 $1.000000000e+00, s1  }
0x1a8: {  	(v2sf) =	vpush v19, $0xF;
	s23 =	spop (v2sf);
	s6 =	smul.f32 s31, s26  }
0x1a9: {  	s7 =	ssub.s32 $0x7EF311C3, s19;
	v19, _, _ =	vpop (xrf0);
	s8 =	sand.u32 $0x7FFFFF, s23;
	s29 =	smul.f32 s1, s0  }
0x1aa: {  	(v2sf) =	vpush v19, $0xF;
	s5 =	sadd.f32 $3.333333430e-01, s6;
	s6 =	smul.f32 s3, s17;
	s1 =	sor.u32 $0x3F800000, s8;
	v19, _, _ =	vpop (xrf2)  }
0x1ab: {  	s2 =	smul.f32 s7, s19;
	p4 =	sgt.f32 s1, s16;
	(v2sf) =	vpush v19, $0xF  }
0x1ac: {  	s9 =	ssub.f32 $2.000000000e+00, s6;
	s6 =	smul.f32 $5.000000000e-01, s1  }
0x1ad: {  	s31 =	ssub.f32 $2.000000000e+00, s2  }
0x1ae: {  	s0 =	smul.f32 s5, s26;
	s1 =	smov.u32 @p4 s6  }
0x1af: {  	s5 =	smul.f32 s7, s31;
	s6 =	sadd.f32 $1.000000000e+00, s1  }
0x1b0: {  	s3 =	smul.f32 s9, s3  }
0x1b1: {  	s2 =	sadd.f32 s24, s24;
	s7 =	smul.f32 s5, s19;
	s8 =	ssub.s32 $0x7EF311C3, s6  }
0x1b2: {  	s0 =	sadd.f32 $1.000000000e+00, s0;
	s31 =	smul.f32 s8, s6  }
0x1b3: {  	s20 =	smul.f32 s3, s20;
	s3 =	ssub.f32 $2.000000000e+00, s7  }
0x1b4: {  	s30 =	smul.f32 s0, s2;
	s0 =	ssub.f32 $2.000000000e+00, s31  }
0x1b5: {  	s3 =	smul.f32 s3, s5  }
0x1b6: {  	s14 =	spop (v2sf);
	s2 =	simm.s32 $0xFFFFFF82;
	s5 =	smul.f32 s8, s0  }
0x1b7: {  	s12 =	sshrl.u32 s12, $0x17;
	s26 =	spop (v2sf);
	s2 =	simm.s32 @!p0 $0xFFFFFF81  }
0x1b8: {  	s2 =	sadd.s32 s12, s2;
	s12 =	sshrl.u32 s13, $0x17;
	s13 =	smul.f32 s5, s6  }
0x1b9: {  	s9 =	spop (v2sf)  }
0x1ba: {  	s13 =	ssub.f32 $2.000000000e+00, s13;
	s24 =	spop (v2sf)  }
0x1bb: {  	s0 =	scvt.s32.f32 s2;
	s7 =	sand.u32 $0x7FFFFF, s24  }
0x1bc: {  	s2 =	simm.s32 $0xFFFFFF82;
	s5 =	smul.f32 s13, s5;
	s31 =	sor.u32 $0x3F800000, s7  }
0x1bd: {  	s2 =	simm.s32 @!p1 $0xFFFFFF81;
	s7 =	smul.f32 $5.000000000e-01, s31  }
0x1be: {  	s2 =	sadd.s32 s12, s2;
	p5 =	sgt.f32 s31, s16;
	s6 =	smul.f32 s5, s6  }
0x1bf: {  	s9 =	sxor.u32 $0x80000000, s9;
	s2 =	scvt.s32.f32 s2  }
0x1c0: {  	s31 =	smov.u32 @p5 s7;
	s7 =	smul.f32 s3, s19;
	s6 =	ssub.f32 $2.000000000e+00, s6  }
0x1c1: {  	v52 =	vadd.f32 $0.0e+00, v23;
	v20 =	vmov s9;
	s8 =	smul.f32 $6.931471820e-01, s0;
	s0 =	sadd.f32 $1.000000000e+00, s31  }
0x1c2: {  	vm5 =	veq.s32 v20, v0;
	vm6 =	veq.s32 v20, v9;
	s2 =	smul.f32 $6.931471820e-01, s2;
	s7 =	ssub.f32 $2.000000000e+00, s7  }
0x1c3: {  	v53 =	vmul.f32 v53, v24;
	v22 =	vnsel vm5, $0x0, v52;
	v24 =	vnsel vm6, $0x0, v24;
	s8 =	sadd.f32 s22, s8;
	s5 =	smul.f32 s6, s5  }
0x1c4: {  	s1 =	sadd.f32 $-1.000000000e+00, s1;
	vm5 =	veq.s32 v20, v10;
	v22 =	vadd.f32 v24, v22;
	s3 =	smul.f32 s7, s3;
	s7 =	ssub.s32 $0x7EF311C3, s0  }
0x1c5: {  	v55 =	vnsel vm5, $0x0, v25;
	s10 =	ssub.f32 s10, s8;
	s22 =	smul.f32 s7, s0  }
0x1c6: {  	v19 =	vmul.f32 v40, v23;
	vm5 =	veq.s32 v20, v11;
	v22 =	vadd.f32 v22, v55;
	s12 =	ssub.f32 s8, s15;
	s5 =	smul.f32 s5, s1  }
0x1c7: {  	v54 =	vmul.f32 v56, v25;
	v56 =	vmul.f32 v57, v27;
	v57 =	vnsel vm5, $0x0, v27;
	s13 =	smul.f32 s3, s11;
	s3 =	ssub.s32 $0x7EF311C3, s23;
	s9 =	ssub.f32 $2.000000000e+00, s22  }
0x1c8: {  	v19 =	vadd.f32 $0.0e+00, v19;
	vm5 =	veq.s32 v20, v12;
	s2 =	sadd.f32 s25, s2;
	v22 =	vadd.f32 v22, v57;
	s6 =	simm.s32 $0xFFFFFF82;
	s11 =	smul.f32 s3, s23  }
0x1c9: {  	v58 =	vmul.f32 v59, v29;
	v59 =	vnsel vm5, $0x0, v29;
	s25 =	sshrl.u32 s17, $0x17;
	s6 =	simm.s32 @!p2 $0xFFFFFF81;
	s7 =	smul.f32 s7, s9  }
0x1ca: {  	v19 =	vadd.f32 v19, v53;
	vm5 =	veq.s32 v20, v13;
	v22 =	vadd.f32 v22, v59;
	s1 =	sadd.s32 s25, s6;
	s15 =	ssub.f32 $2.000000000e+00, s11;
	s9 =	smul.f32 s5, s5  }
0x1cb: {  	v60 =	vmul.f32 v62, v21;
	v21 =	vnsel vm5, $0x0, v21;
	s6 =	simm.s32 $0xFFFFFF82;
	s1 =	scvt.s32.f32 s1;
	s22 =	smul.f32 s7, s0  }
0x1cc: {  	v19 =	vadd.f32 v19, v54;
	vm5 =	veq.s32 v20, v14;
	v21 =	vadd.f32 v22, v21;
	s6 =	simm.s32 @!p3 $0xFFFFFF81;
	s5 =	sadd.f32 s5, s5;
	s3 =	smul.f32 s3, s15  }
0x1cd: {  	v61 =	vnsel vm5, $0x0, v26;
	s15 =	sshrl.u32 s19, $0x17;
	s17 =	smul.f32 $1.111111120e-01, s9;
	s19 =	rddreg [dreg:$0xc]  }
0x1ce: {  	v19 =	vadd.f32 v19, v56;
	vm5 =	veq.s32 v20, v15;
	v21 =	vadd.f32 v21, v61;
	s6 =	sadd.s32 s15, s6;
	s15 =	smul.f32 $6.931471820e-01, s1;
	s1 =	ssub.f32 s19, s2  }
0x1cf: {  	v20 =	vnsel vm5, $0x0, v28;
	s11 =	ssub.f32 $2.000000000e+00, s22  }
0x1d0: {  	v19 =	vadd.f32 v19, v58;
	v20 =	vadd.f32 v21, v20;
	s8 =	sadd.f32 $1.428571340e-01, s17  }
0x1d1: {  	s6 =	scvt.s32.f32 s6;
	s7 =	smul.f32 s11, s7  }
0x1d2: {  	v62 =	vmul.f32 v63, v26;
	v19 =	vadd.f32 v19, v60;
	(xrf2) =	vadd.scan.msk.f32 $0xffff, v20;
	s22 =	sadd.f32 $-1.000000000e+00, s31;
	s8 =	smul.f32 s8, s9  }
0x1d3: {  	s6 =	smul.f32 $6.931471820e-01, s6;
	s11 =	ssub.f32 s2, s28  }
0x1d4: {  	v63 =	vmul.f32 v46, v28;
	v19 =	vadd.f32 v19, v62;
	s0 =	smul.f32 s7, s0;
	s25 =	sadd.f32 $2.000000030e-01, s8  }
0x1d5: {  	s6 =	sadd.f32 s30, s6  }
0x1d6: {  	v19 =	vadd.f32 v19, v63;
	s0 =	ssub.f32 $2.000000000e+00, s0  }
0x1d7: {  	s19 =	smul.f32 s25, s9;
	s25 =	sadd.f32 s29, s15  }
0x1d8: {  	(xrf2) =	vadd.scan.msk.f32 $0xffff, v19;
	s17 =	ssub.f32 s18, s6;
	s0 =	smul.f32 s0, s7  }
0x1d9: {  	s31 =	smul.f32 s3, s23;
	s2 =	sadd.f32 $3.333333430e-01, s19  }
0x1da: {  	s6 =	ssub.f32 s6, s13;
	s0 =	smul.f32 s0, s22  }
0x1db: {  	s30 =	ssub.s32 $0x7EF311C3, s24;
	s8 =	ssub.f32 s25, s20;
	s2 =	smul.f32 s2, s9  }
0x1dc: {  	v19, _, _ =	vpop (xrf2);
	s22 =	ssub.f32 $2.000000000e+00, s31;
	s31 =	smul.f32 s30, s24  }
0x1dd: {  	(v2sf) =	vpush v19, $0xF;
	s1 =	sadd.f32 s17, s1;
	s15 =	smul.f32 s0, s0  }
0x1de: {  	s3 =	smul.f32 s22, s3;
	s2 =	sadd.f32 $1.000000000e+00, s2  }
0x1df: {  	s19 =	ssub.f32 $2.000000000e+00, s31;
	s28 =	smul.f32 $1.111111120e-01, s15  }
0x1e0: {  	s22 =	rddreg [dreg:$0xd];
	s29 =	smul.f32 s3, s23  }
0x1e1: {  	s2 =	smul.f32 s2, s5;
	s7 =	sadd.f32 $1.428571340e-01, s28  }
0x1e2: {  	v19, _, _ =	vpop (xrf2);
	s5 =	smul.f32 s30, s19;
	s19 =	simm.s32 $0xFFFFFF82;
	s9 =	ssub.f32 $2.000000000e+00, s29  }
0x1e3: {  	(v2sf) =	vpush v19, $0xF;
	s0 =	sadd.f32 s0, s0;
	s19 =	simm.s32 @!p4 $0xFFFFFF81;
	s7 =	smul.f32 s7, s15  }
0x1e4: {  	s28 =	sshrl.u32 s23, $0x17;
	s3 =	smul.f32 s9, s3;
	s9 =	ssub.f32 s22, s25  }
0x1e5: {  	s29 =	sadd.s32 s28, s19;
	s7 =	sadd.f32 $2.000000030e-01, s7  }
0x1e6: {  	s25 =	smul.f32 s5, s24;
	s13 =	scvt.s32.f32 s29  }
0x1e7: {  	s28 =	sadd.f32 s6, s11;
	s7 =	smul.f32 s7, s15  }
0x1e8: {  	s18 =	ssub.f32 $2.000000000e+00, s25;
	s13 =	smul.f32 $6.931471820e-01, s13  }
0x1e9: {  	s3 =	smul.f32 s3, s26;
	s7 =	sadd.f32 $3.333333430e-01, s7  }
0x1ea: {  	s30 =	sshrl.u32 s24, $0x17;
	s5 =	smul.f32 s18, s5;
	s2 =	sadd.f32 s2, s13  }
0x1eb: {  	s26 =	sadd.f32 s8, s12;
	s7 =	smul.f32 s7, s15;
	s15 =	simm.s32 $0xFFFFFF82  }
0x1ec: {  	s22 =	spop (v2sf);
	s14 =	ssub.f32 s14, s2;
	s15 =	simm.s32 @!p5 $0xFFFFFF81  }
0x1ed: {  	s31 =	smul.f32 s5, s24;
	s15 =	sadd.s32 s30, s15;
	s7 =	sadd.f32 $1.000000000e+00, s7  }
0x1ee: {  	s24 =	sadd.f32 s9, s10;
	s15 =	scvt.s32.f32 s15  }
0x1ef: {  	s20 =	ssub.f32 $2.000000000e+00, s31;
	s0 =	smul.f32 s7, s0  }
0x1f0: {  	s2 =	ssub.f32 s2, s3;
	s19 =	smul.f32 $6.931471820e-01, s15  }
0x1f1: {  	s25 =	sadd.f32 s14, s24;
	s5 =	smul.f32 s20, s5  }
0x1f2: {  	s23 =	spop (v2sf);
	s0 =	sadd.f32 s0, s19  }
0x1f3: {  	s2 =	sadd.f32 s2, s26;
	s3 =	smul.f32 s5, s23  }
0x1f4: {  	s7 =	ssub.f32 s22, s0  }
0x1f5: {  	s0 =	ssub.f32 s0, s3  }
0x1f6: {  	v19 =	vmov s25;
	v20 =	vmov s2;
	s1 =	sadd.f32 s7, s1  }
0x1f7: {  	v19 =	vnsel vm2, $0x0, v19;
	v20 =	vnsel vm1, $0x0, v20  }
0x1f8: {  	v19 =	vadd.f32 v20, v19;
	s0 =	sadd.f32 s0, s28;
	v20 =	vmov s1  }
0x1f9: {  	v20 =	vnsel vm3, $0x0, v20  }
0x1fa: {  	v19 =	vadd.f32 v20, v19;
	v20 =	vmov s0  }
0x1fb: {  	v20 =	vnsel vm4, $0x0, v20  }
0x1fc: {  	v19 =	vadd.f32 v19, v20  }
0x1fd: {  	p0 =	sne.s32 s4, $0x1;
	s29 =	rddreg [dreg:$0x5]  }
.Ltmp0:
0x1fe: {  	s31 =	simm.s32 $0x0;
	s30 =	rddreg [dreg:$0xa];
	[tilespmem:$0x1E00] =	vst v19;
	(pc) =	sbr.rel @p0 .LBB2_1-.Ltmp0, $4  }
0x1ff: {  	[hbm4b:s29+s31] =	stream.linear.scatter [tilespmem:s30], [sflag:$0x2], $0x80, $0x38;
	[tilespmem:$0x1E80] =	vst v63  }
0x200: {  	_ =	swait.ge [sflag:s21], $0x80  }
0x201: {  	[sflag:s21] =	ssyncset.done $0x0  }
0x202: {  	s4 =	sadd.s32 $0xFFFFFFFF, s4;
	[sflag:s21] =	ssyncadd.s32 $0xFFFFFF80  }
0x203: {  	_ =	sfence.sel $0x180000  }
0x204: {  	[bflag:$0x0] =	sbarrier.arrive $0xFFFF  }
0x205: {  	_ =	strace $0x90000047  }
0x206: {  	s0 =	stileid.u32;
	[bflag:$0x2] =	sbarrier.arrive $0xFFFF  }
0x207: {  	p0 =	sne.s32 s0, $0x0;
	s0 =	rddreg [dreg:$0x1]  }
0x208: {  	s0 =	sadd.s32 @!p0 $0x100000, s0  }
0x209: {  	[sflag:s0] =	ssyncadd.tile.s32 @!p0 $0x1;
	_ =	shalt  }
.Lfunc_end2:
_tile_overlayer_lowered:
.L_overlay_start_2:
0x20a: {  	(tag) =	ssettag $0x2  }
0x20b: {  	s0 =	rddreg [dreg:$0x0];
	s2 =	stileid.u32  }
0x20c: {  	s1 =	rddreg [dreg:$0x1];
	p0 =	sne.s32 s2, $0x0  }
0x20d: {  	s3 =	rddreg [dreg:$0x2];
	[bflag:$0x3] =	sbarrier.arrive $0xFFFF;
	s2 =	simm.s32 @!p0 $0x1C02  }
0x20e: {  	[timem:s3], [sflag:s2] =	dma.local @!p0 [hbm:s0], s1  }
0x20f: {  	s0 =	simm.s32 @!p0 $0x2  }
0x210: {  	_ =	swait.ge @!p0 [sflag:s0], s1  }
0x211: {  	s1 =	ssub.s32 @!p0 $0x0, s1;
	[sflag:s0] =	ssyncset.done @!p0 $0x0  }
0x212: {  	[sflag:s0] =	ssyncadd.s32 @!p0 s1  }
0x213: {  	[bflag:$0x3] =	sbarrier.arrive $0xFFFF  }
0x214: {  	_ =	shalt  }

</sc_bundles>
